<compile_context>
chip_gen: v7x
topology: tpu7x:2x2x1
jax: 0.10.2.dev20260603
libtpu: 0.0.44.dev20260713+nightly
codegen_flags: <defaults>
</compile_context>

<pallas_src>
import functools

import jax
import jax.numpy as jnp
from jax import lax
from jax.experimental import pallas as pl
from jax.experimental.pallas import tpu as pltpu
from jax.experimental.pallas import tpu_sc as plsc

N_NODES = 10000
N_EDGES = 320000
D = 128

NC = 2
NS = 16
E_PER_T = N_EDGES // NS
CHUNK = 80
N_CHUNKS = E_PER_T // CHUNK
RB = 4
N_SUPER = (N_CHUNKS - 2) // RB
LAG = 2
N_PAD = 10240
HALF = N_PAD // NC
ROWS_PER_TILE = HALF // NS
ZROWS = 32
IGN = 2**31 - 1


def _sc_aggregate(x_src, row_idx, col_idx):
    mesh = plsc.VectorSubcoreMesh(core_axis_name="c", subcore_axis_name="s")

    @functools.partial(
        pl.kernel,
        out_type=(
            jax.ShapeDtypeStruct((NC, HALF, D), jnp.float32),
            jax.ShapeDtypeStruct((NC, HALF, D), jnp.float32),
        ),
        mesh=mesh,
        scratch_types=[
            [pltpu.VMEM((CHUNK,), jnp.int32)] * RB,
            [pltpu.VMEM((CHUNK,), jnp.int32)] * RB,
            [pltpu.VMEM((CHUNK,), jnp.int32)] * RB,
            [pltpu.VMEM((CHUNK,), jnp.int32)] * RB,
            [pltpu.VMEM((32,), jnp.int32)] * RB,
            [pltpu.VMEM((32,), jnp.int32)] * RB,
            [pltpu.VMEM((16,), jnp.int32)] * RB,
            [pltpu.VMEM((CHUNK, D), jnp.float32)] * RB,
            pltpu.VMEM((ZROWS, D), jnp.float32),
            pltpu.VMEM_SHARED((HALF, D), jnp.float32),
            pltpu.VMEM_SHARED((HALF, D), jnp.float32),
            [pltpu.SemaphoreType.DMA] * RB,
            [pltpu.SemaphoreType.DMA] * RB,
            [pltpu.SemaphoreType.DMA] * RB,
            [pltpu.SemaphoreType.DMA] * RB,
        ],
    )
    def sc_kernel(x_hbm, row_hbm, col_hbm, acc_out, cnt_out,
                  rowi, coli, selr, selc, selca, selcb, selcc, rows, zbuf_v,
                  acc_s, cnt_s, isem, gsem, asem, csem):
        cid = lax.axis_index("c")
        sid = lax.axis_index("s")
        zeros16 = jnp.zeros((16,), jnp.float32)
        ones16 = jnp.ones((16,), jnp.float32)
        row_base = sid * ROWS_PER_TILE
        lo = cid * HALF
        e_base = sid * E_PER_T

        def start_idx(g, k, col_only=False):
            sl = pl.ds(e_base + g * CHUNK, CHUNK)
            pltpu.async_copy(col_hbm.at[sl], coli[k], isem[k])
            if not col_only:
                pltpu.async_copy(row_hbm.at[sl], rowi[k], isem[k])

        def wait_idx(k, col_only=False):
            pltpu.make_async_copy(col_hbm.at[pl.ds(0, CHUNK)], coli[k],
                                  isem[k]).wait()
            if not col_only:
                pltpu.make_async_copy(row_hbm.at[pl.ds(0, CHUNK)], rowi[k],
                                      isem[k]).wait()

        def compute_sel(k):
            for j in range(CHUNK // 16):
                lanes = pl.ds(j * 16, 16)
                c16 = coli[k][lanes]
                owned = (c16 >= lo) & (c16 < lo + HALF)
                sel = jnp.where(owned, c16 - lo, IGN)
                selc[k][lanes] = sel
                if j < 2:
                    selca[k][lanes] = sel
                elif j < 4:
                    selcb[k][pl.ds((j - 2) * 16, 16)] = sel
                else:
                    selcc[k][pl.ds(0, 16)] = sel
                selr[k][lanes] = jnp.where(owned, rowi[k][lanes], IGN)

        def gather_desc(k):
            return (x_hbm.at[plsc.Indices(selr[k], ignored_value=IGN)],
                    rows[k], gsem[k])

        def acc_desc(k):
            return (rows[k], acc_s.at[plsc.Indices(selc[k], ignored_value=IGN)],
                    asem[k])

        def cnt_descs(k):
            return (
                (zbuf_v, cnt_s.at[plsc.Indices(selca[k], ignored_value=IGN)],
                 csem[k]),
                (zbuf_v, cnt_s.at[plsc.Indices(selcb[k], ignored_value=IGN)],
                 csem[k]),
                (zbuf_v.at[pl.ds(0, 16)],
                 cnt_s.at[plsc.Indices(selcc[k], ignored_value=IGN)],
                 csem[k]),
            )

        def start_cnt(k):
            for d in cnt_descs(k):
                pltpu.async_copy(*d, add=True)

        def wait_cnt(k):
            for d in cnt_descs(k):
                pltpu.make_async_copy(*d).wait()

        @pl.loop(0, ZROWS)
        def _(r):
            for j in range(D // 16):
                zbuf_v[r, pl.ds(j * 16, 16)] = zeros16

        @pl.loop(0, ROWS_PER_TILE // ZROWS)
        def _(i):
            pltpu.sync_copy(zbuf_v, acc_s.at[pl.ds(row_base + i * ZROWS, ZROWS)])
            pltpu.sync_copy(zbuf_v, cnt_s.at[pl.ds(row_base + i * ZROWS, ZROWS)])

        @pl.loop(0, ZROWS)
        def _(r):
            for j in range(D // 16):
                zbuf_v[r, pl.ds(j * 16, 16)] = ones16

        plsc.subcore_barrier()

        for g in range(LAG):
            start_idx(g, g)

        @pl.loop(0, N_SUPER)
        def _(G):
            for k in range(RB):
                g = G * RB + k

                @pl.when(G >= 1)
                def _():
                    pltpu.make_async_copy(*acc_desc(k)).wait()
                    wait_cnt(k)

                start_idx(g + LAG, (k + LAG) % RB)

                wait_idx(k)
                compute_sel(k)
                pltpu.async_copy(*gather_desc(k))

                kp = (k - LAG) % RB
                if k >= LAG:
                    pltpu.make_async_copy(*gather_desc(kp)).wait()
                    pltpu.async_copy(*acc_desc(kp), add=True)
                    start_cnt(kp)
                else:
                    @pl.when(G >= 1)
                    def _():
                        pltpu.make_async_copy(*gather_desc(kp)).wait()
                        pltpu.async_copy(*acc_desc(kp), add=True)
                        start_cnt(kp)

        for k in range(LAG):
            pltpu.make_async_copy(*acc_desc(k)).wait()
            wait_cnt(k)
            wait_idx(k)
            compute_sel(k)
            pltpu.async_copy(*gather_desc(k))
        for k in range(LAG, RB):
            pltpu.make_async_copy(*gather_desc(k)).wait()
            pltpu.async_copy(*acc_desc(k), add=True)
            start_cnt(k)
        for k in range(LAG):
            pltpu.make_async_copy(*gather_desc(k)).wait()
            pltpu.async_copy(*acc_desc(k), add=True)
            start_cnt(k)
        for k in range(RB):
            pltpu.make_async_copy(*acc_desc(k)).wait()
            wait_cnt(k)

        plsc.subcore_barrier()

        out_rows = pl.ds(row_base, ROWS_PER_TILE)
        pltpu.sync_copy(acc_s.at[out_rows], acc_out.at[cid, out_rows])
        pltpu.sync_copy(cnt_s.at[out_rows], cnt_out.at[cid, out_rows])

    return sc_kernel(x_src, row_idx, col_idx)


BN = 2000


def _tc_combine_kernel(acc_ref, cnt_ref, xd_ref, wl_ref, bl_ref, wr_ref, o_ref):
    cnt = cnt_ref[:, 0:1]
    aggr = acc_ref[...] / jnp.maximum(cnt, 1.0)
    dn = (((1,), (1,)), ((), ()))
    out = lax.dot_general(aggr, wl_ref[...], dn, preferred_element_type=jnp.float32)
    out += lax.dot_general(xd_ref[...], wr_ref[...], dn, preferred_element_type=jnp.float32)
    o_ref[...] = out + bl_ref[...]


def _tc_combine(acc, cnt, x_dst, W_l, b_l, W_r):
    return pl.pallas_call(
        _tc_combine_kernel,
        grid=(N_NODES // BN,),
        in_specs=[
            pl.BlockSpec((BN, D), lambda i: (i, 0)),
            pl.BlockSpec((BN, D), lambda i: (i, 0)),
            pl.BlockSpec((BN, D), lambda i: (i, 0)),
            pl.BlockSpec((D, D), lambda i: (0, 0)),
            pl.BlockSpec((1, D), lambda i: (0, 0)),
            pl.BlockSpec((D, D), lambda i: (0, 0)),
        ],
        out_specs=pl.BlockSpec((BN, D), lambda i: (i, 0)),
        out_shape=jax.ShapeDtypeStruct((N_NODES, D), jnp.float32),
    )(acc, cnt, x_dst, W_l, b_l, W_r)


def kernel(x_src, x_dst, W_l, b_l, W_r, edge_index):
    row_idx = edge_index[0].astype(jnp.int32)
    col_idx = edge_index[1].astype(jnp.int32)
    acc, cnt = _sc_aggregate(x_src, row_idx, col_idx)
    acc = acc.reshape(N_PAD, D)
    cnt = cnt.reshape(N_PAD, D)
    return _tc_combine(acc, cnt, x_dst, W_l, b_l.reshape(1, D), W_r)

# --- scband reference (transcript-rebuilt; emitter-appended) ---
"""Pipeline reference for scband-graph-sageconv-74148315398476 (READ-ONLY COPY).

The authoritative reference and input builder live on the scoring server;
editing this copy changes nothing except your own understanding.
"""

import jax, jax.numpy as jnp
import numpy as np

N_NODES = 10000
N_EDGES = 320000
D_IN = 128
D_OUT = 128


def setup_inputs(seed: int = 0) -> dict:
    key = jax.random.key(seed)
    k1, k2, k3, k4, k5, k6 = jax.random.split(key, 6)
    x_src = jax.random.normal(k1, (N_NODES, D_IN), dtype=jnp.float32)
    x_dst = jax.random.normal(k2, (N_NODES, D_IN), dtype=jnp.float32)
    edge_index = jax.random.randint(k3, (2, N_EDGES), 0, N_NODES, dtype=jnp.int64)
    # Learned params, matching nn.Linear(in, out) init scale
    bound = 1.0 / np.sqrt(D_IN)
    W_l = jax.random.uniform(k4, (D_OUT, D_IN), minval=-bound, maxval=bound, dtype=jnp.float32)
    b_l = jax.random.uniform(k5, (D_OUT,), minval=-bound, maxval=bound, dtype=jnp.float32)
    W_r = jax.random.uniform(k6, (D_OUT, D_IN), minval=-bound, maxval=bound, dtype=jnp.float32)
    return {"x_src": x_src, "x_dst": x_dst, "W_l": W_l, "b_l": b_l, "W_r": W_r, "edge_index": edge_index}


def reference(x_src, x_dst, W_l, b_l, W_r, edge_index):
    row = edge_index[0]
    col = edge_index[1]
    n_dst = x_dst.shape[0]
    msgs = jnp.take(x_src, row, axis=0)                      # gather: [E, D_IN]
    summed = jax.ops.segment_sum(msgs, col, num_segments=n_dst)  # scatter-add: [N, D_IN]
    counts = jax.ops.segment_sum(jnp.ones((msgs.shape[0],), dtype=x_src.dtype), col, num_segments=n_dst)
    aggr_out = summed / jnp.maximum(counts, 1.0)[:, None]    # scatter-mean
    out = aggr_out @ W_l.T + b_l + x_dst @ W_r.T
    return out

if __name__ == "__main__":
    import jax
    _d = setup_inputs()
    print(jax.jit(kernel)(*tuple(_d.values())))

</pallas_src>

<mosaic_0001>
#map = affine_map<(d0, d1) -> (0, 0)>
#map1 = affine_map<(d0, d1) -> (0)>
#map2 = affine_map<(d0, d1) -> (0, 0, 0)>
module attributes {stable_mosaic.version = 14 : i64} {
  func.func @sc_kernel(%arg0: i32, %arg1: i32, %arg2: memref<10000x128xf32, #tpu.memory_space<hbm>>, %arg3: memref<320000xi32, #tpu.memory_space<hbm>>, %arg4: memref<320000xi32, #tpu.memory_space<hbm>>, %arg5: memref<2x5120x128xf32, #tpu.memory_space<hbm>>, %arg6: memref<2x5120x128xf32, #tpu.memory_space<hbm>>, %arg7: memref<80xi32, #tpu.memory_space<vmem>>, %arg8: memref<80xi32, #tpu.memory_space<vmem>>, %arg9: memref<80xi32, #tpu.memory_space<vmem>>, %arg10: memref<80xi32, #tpu.memory_space<vmem>>, %arg11: memref<80xi32, #tpu.memory_space<vmem>>, %arg12: memref<80xi32, #tpu.memory_space<vmem>>, %arg13: memref<80xi32, #tpu.memory_space<vmem>>, %arg14: memref<80xi32, #tpu.memory_space<vmem>>, %arg15: memref<80xi32, #tpu.memory_space<vmem>>, %arg16: memref<80xi32, #tpu.memory_space<vmem>>, %arg17: memref<80xi32, #tpu.memory_space<vmem>>, %arg18: memref<80xi32, #tpu.memory_space<vmem>>, %arg19: memref<80xi32, #tpu.memory_space<vmem>>, %arg20: memref<80xi32, #tpu.memory_space<vmem>>, %arg21: memref<80xi32, #tpu.memory_space<vmem>>, %arg22: memref<80xi32, #tpu.memory_space<vmem>>, %arg23: memref<32xi32, #tpu.memory_space<vmem>>, %arg24: memref<32xi32, #tpu.memory_space<vmem>>, %arg25: memref<32xi32, #tpu.memory_space<vmem>>, %arg26: memref<32xi32, #tpu.memory_space<vmem>>, %arg27: memref<32xi32, #tpu.memory_space<vmem>>, %arg28: memref<32xi32, #tpu.memory_space<vmem>>, %arg29: memref<32xi32, #tpu.memory_space<vmem>>, %arg30: memref<32xi32, #tpu.memory_space<vmem>>, %arg31: memref<16xi32, #tpu.memory_space<vmem>>, %arg32: memref<16xi32, #tpu.memory_space<vmem>>, %arg33: memref<16xi32, #tpu.memory_space<vmem>>, %arg34: memref<16xi32, #tpu.memory_space<vmem>>, %arg35: memref<80x128xf32, #tpu.memory_space<vmem>>, %arg36: memref<80x128xf32, #tpu.memory_space<vmem>>, %arg37: memref<80x128xf32, #tpu.memory_space<vmem>>, %arg38: memref<80x128xf32, #tpu.memory_space<vmem>>, %arg39: memref<32x128xf32, #tpu.memory_space<vmem>>, %arg40: memref<5120x128xf32, #tpu.memory_space<vmem_shared>>, %arg41: memref<5120x128xf32, #tpu.memory_space<vmem_shared>>, %arg42: memref<!tpu.dma_semaphore, #tpu.memory_space<semaphore_mem>>, %arg43: memref<!tpu.dma_semaphore, #tpu.memory_space<semaphore_mem>>, %arg44: memref<!tpu.dma_semaphore, #tpu.memory_space<semaphore_mem>>, %arg45: memref<!tpu.dma_semaphore, #tpu.memory_space<semaphore_mem>>, %arg46: memref<!tpu.dma_semaphore, #tpu.memory_space<semaphore_mem>>, %arg47: memref<!tpu.dma_semaphore, #tpu.memory_space<semaphore_mem>>, %arg48: memref<!tpu.dma_semaphore, #tpu.memory_space<semaphore_mem>>, %arg49: memref<!tpu.dma_semaphore, #tpu.memory_space<semaphore_mem>>, %arg50: memref<!tpu.dma_semaphore, #tpu.memory_space<semaphore_mem>>, %arg51: memref<!tpu.dma_semaphore, #tpu.memory_space<semaphore_mem>>, %arg52: memref<!tpu.dma_semaphore, #tpu.memory_space<semaphore_mem>>, %arg53: memref<!tpu.dma_semaphore, #tpu.memory_space<semaphore_mem>>, %arg54: memref<!tpu.dma_semaphore, #tpu.memory_space<semaphore_mem>>, %arg55: memref<!tpu.dma_semaphore, #tpu.memory_space<semaphore_mem>>, %arg56: memref<!tpu.dma_semaphore, #tpu.memory_space<semaphore_mem>>, %arg57: memref<!tpu.dma_semaphore, #tpu.memory_space<semaphore_mem>>) attributes {dimension_semantics = [#tpu.dimension_semantics<core_parallel>, #tpu.dimension_semantics<subcore_parallel>], iteration_bounds = array<i64: 2, 16>, scalar_prefetch = 0 : i64, scratch_operands = 51 : i64, tpu.core_type = #tpu.core_type<sc_vector_subcore>, window_params = [{transform_indices = #map}, {transform_indices = #map1}, {transform_indices = #map1}, {transform_indices = #map2}, {transform_indices = #map2}]} {
    %broadcast_in_dim3A = arith.constant 0.000000e+00 : f32
    %broadcast_in_dim3A_0 = vector.broadcast %broadcast_in_dim3A : f32 to vector<16xf32>
    %broadcast_in_dim3A_1 = arith.constant 1.000000e+00 : f32
    %broadcast_in_dim3A_2 = vector.broadcast %broadcast_in_dim3A_1 : f32 to vector<16xf32>
    %mul3A = arith.constant 320 : i32
    %mul3A_3 = arith.muli %arg1, %mul3A : i32
    %mul3A_4 = arith.constant 5120 : i32
    %mul3A_5 = arith.muli %arg0, %mul3A_4 : i32
    %mul3A_6 = arith.constant 20000 : i32
    %mul3A_7 = arith.muli %arg1, %mul3A_6 : i32
    %scan3A = arith.constant 0 : i32
    %scan3A_8 = arith.constant 32 : i32
    %scan3A_9 = arith.addi %scan3A, %scan3A_8 : i32
    %scan3A_10 = arith.constant 1 : i32
    scf.for %scan3A_561 = %scan3A to %scan3A_9 step %scan3A_10  : i32 {
      %mul3A_562 = arith.constant 1 : i32
      %mul3A_563 = arith.muli %scan3A_561, %mul3A_562 : i32
      %add3A_564 = arith.constant 0 : i32
      %add3A_565 = arith.addi %add3A_564, %mul3A_563 : i32
      %swap3A_566 = arith.index_cast %add3A_565 : i32 to index
      %swap3A_567 = arith.constant 0 : index
      %swap3A_568 = tpu.vector_load %arg39[%swap3A_566, %swap3A_567] {strides = array<i32>} : memref<32x128xf32, #tpu.memory_space<vmem>>, vector<1x16xf32>,
      %swap3A_569 = vector.shape_cast %swap3A_568 : vector<1x16xf32> to vector<16xf32>
      %swap3A_570 = vector.shape_cast %broadcast_in_dim3A_0 : vector<16xf32> to vector<1x16xf32>
      tpu.vector_store %arg39[%swap3A_566, %swap3A_567], %swap3A_570 {strides = array<i32>} : memref<32x128xf32, #tpu.memory_space<vmem>>, vector<1x16xf32>,
      %swap3A_571 = arith.index_cast %add3A_565 : i32 to index
      %swap3A_572 = arith.constant 16 : index
      %swap3A_573 = tpu.vector_load %arg39[%swap3A_571, %swap3A_572] {strides = array<i32>} : memref<32x128xf32, #tpu.memory_space<vmem>>, vector<1x16xf32>,
      %swap3A_574 = vector.shape_cast %swap3A_573 : vector<1x16xf32> to vector<16xf32>
      %swap3A_575 = vector.shape_cast %broadcast_in_dim3A_0 : vector<16xf32> to vector<1x16xf32>
      tpu.vector_store %arg39[%swap3A_571, %swap3A_572], %swap3A_575 {strides = array<i32>} : memref<32x128xf32, #tpu.memory_space<vmem>>, vector<1x16xf32>,
      %swap3A_576 = arith.index_cast %add3A_565 : i32 to index
      %swap3A_577 = arith.constant 32 : index
      %swap3A_578 = tpu.vector_load %arg39[%swap3A_576, %swap3A_577] {strides = array<i32>} : memref<32x128xf32, #tpu.memory_space<vmem>>, vector<1x16xf32>,
      %swap3A_579 = vector.shape_cast %swap3A_578 : vector<1x16xf32> to vector<16xf32>
      %swap3A_580 = vector.shape_cast %broadcast_in_dim3A_0 : vector<16xf32> to vector<1x16xf32>
      tpu.vector_store %arg39[%swap3A_576, %swap3A_577], %swap3A_580 {strides = array<i32>} : memref<32x128xf32, #tpu.memory_space<vmem>>, vector<1x16xf32>,
      %swap3A_581 = arith.index_cast %add3A_565 : i32 to index
      %swap3A_582 = arith.constant 48 : index
      %swap3A_583 = tpu.vector_load %arg39[%swap3A_581, %swap3A_582] {strides = array<i32>} : memref<32x128xf32, #tpu.memory_space<vmem>>, vector<1x16xf32>,
      %swap3A_584 = vector.shape_cast %swap3A_583 : vector<1x16xf32> to vector<16xf32>
      %swap3A_585 = vector.shape_cast %broadcast_in_dim3A_0 : vector<16xf32> to vector<1x16xf32>
      tpu.vector_store %arg39[%swap3A_581, %swap3A_582], %swap3A_585 {strides = array<i32>} : memref<32x128xf32, #tpu.memory_space<vmem>>, vector<1x16xf32>,
      %swap3A_586 = arith.index_cast %add3A_565 : i32 to index
      %swap3A_587 = arith.constant 64 : index
      %swap3A_588 = tpu.vector_load %arg39[%swap3A_586, %swap3A_587] {strides = array<i32>} : memref<32x128xf32, #tpu.memory_space<vmem>>, vector<1x16xf32>,
      %swap3A_589 = vector.shape_cast %swap3A_588 : vector<1x16xf32> to vector<16xf32>
      %swap3A_590 = vector.shape_cast %broadcast_in_dim3A_0 : vector<16xf32> to vector<1x16xf32>
      tpu.vector_store %arg39[%swap3A_586, %swap3A_587], %swap3A_590 {strides = array<i32>} : memref<32x128xf32, #tpu.memory_space<vmem>>, vector<1x16xf32>,
      %swap3A_591 = arith.index_cast %add3A_565 : i32 to index
      %swap3A_592 = arith.constant 80 : index
      %swap3A_593 = tpu.vector_load %arg39[%swap3A_591, %swap3A_592] {strides = array<i32>} : memref<32x128xf32, #tpu.memory_space<vmem>>, vector<1x16xf32>,
      %swap3A_594 = vector.shape_cast %swap3A_593 : vector<1x16xf32> to vector<16xf32>
      %swap3A_595 = vector.shape_cast %broadcast_in_dim3A_0 : vector<16xf32> to vector<1x16xf32>
      tpu.vector_store %arg39[%swap3A_591, %swap3A_592], %swap3A_595 {strides = array<i32>} : memref<32x128xf32, #tpu.memory_space<vmem>>, vector<1x16xf32>,
      %swap3A_596 = arith.index_cast %add3A_565 : i32 to index
      %swap3A_597 = arith.constant 96 : index
      %swap3A_598 = tpu.vector_load %arg39[%swap3A_596, %swap3A_597] {strides = array<i32>} : memref<32x128xf32, #tpu.memory_space<vmem>>, vector<1x16xf32>,
      %swap3A_599 = vector.shape_cast %swap3A_598 : vector<1x16xf32> to vector<16xf32>
      %swap3A_600 = vector.shape_cast %broadcast_in_dim3A_0 : vector<16xf32> to vector<1x16xf32>
      tpu.vector_store %arg39[%swap3A_596, %swap3A_597], %swap3A_600 {strides = array<i32>} : memref<32x128xf32, #tpu.memory_space<vmem>>, vector<1x16xf32>,
      %swap3A_601 = arith.index_cast %add3A_565 : i32 to index
      %swap3A_602 = arith.constant 112 : index
      %swap3A_603 = tpu.vector_load %arg39[%swap3A_601, %swap3A_602] {strides = array<i32>} : memref<32x128xf32, #tpu.memory_space<vmem>>, vector<1x16xf32>,
      %swap3A_604 = vector.shape_cast %swap3A_603 : vector<1x16xf32> to vector<16xf32>
      %swap3A_605 = vector.shape_cast %broadcast_in_dim3A_0 : vector<16xf32> to vector<1x16xf32>
      tpu.vector_store %arg39[%swap3A_601, %swap3A_602], %swap3A_605 {strides = array<i32>} : memref<32x128xf32, #tpu.memory_space<vmem>>, vector<1x16xf32>,
    }
    %scan3A_11 = arith.constant 32 : i32
    %scan3A_12 = arith.constant 0 : i32
    %scan3A_13 = arith.constant 10 : i32
    %scan3A_14 = arith.addi %scan3A_12, %scan3A_13 : i32
    %scan3A_15 = arith.constant 1 : i32
    scf.for %scan3A_561 = %scan3A_12 to %scan3A_14 step %scan3A_15  : i32 {
      %mul3A_562 = arith.constant 1 : i32
      %mul3A_563 = arith.muli %scan3A_561, %mul3A_562 : i32
      %add3A_564 = arith.constant 0 : i32
      %add3A_565 = arith.addi %add3A_564, %mul3A_563 : i32
      %mul3A_566 = arith.constant 32 : i32
      %mul3A_567 = arith.muli %add3A_565, %mul3A_566 : i32
      %add3A_568 = arith.addi %mul3A_3, %mul3A_567 : i32
      "tpu.region"() ({
        %run_scoped3A = tpu.sem_alloc : memref<!tpu.dma_semaphore, #tpu.memory_space<semaphore_mem>>
        %dma_start3A_572 = arith.constant 0 : i32
        %dma_start3A_573 = tpu.memref_slice %arg40[%add3A_568, %dma_start3A_572] : memref<5120x128xf32, #tpu.memory_space<vmem_shared>> -> memref<32x128xf32, #tpu.memory_space<vmem_shared>>
        %dma_start3A_574 = arith.constant 0 : i32
        %dma_start3A_575 = tpu.memref_slice %arg40[%add3A_568, %dma_start3A_574] : memref<5120x128xf32, #tpu.memory_space<vmem_shared>> -> memref<32x128xf32, #tpu.memory_space<vmem_shared>>
        tpu.enqueue_dma source(%arg39 : memref<32x128xf32, #tpu.memory_space<vmem>>) target(%dma_start3A_575 : memref<32x128xf32, #tpu.memory_space<vmem_shared>>) target_semaphore(%run_scoped3A : memref<!tpu.dma_semaphore, #tpu.memory_space<semaphore_mem>>)
        %dma_wait3A_576 = arith.constant 0 : i32
        %dma_wait3A_577 = tpu.memref_slice %arg40[%add3A_568, %dma_wait3A_576] : memref<5120x128xf32, #tpu.memory_space<vmem_shared>> -> memref<32x128xf32, #tpu.memory_space<vmem_shared>>
        %dma_wait3A_578 = arith.constant 0 : i32
        %dma_wait3A_579 = tpu.memref_slice %arg40[%add3A_568, %dma_wait3A_578] : memref<5120x128xf32, #tpu.memory_space<vmem_shared>> -> memref<32x128xf32, #tpu.memory_space<vmem_shared>>
        tpu.wait_dma2 semaphore(%run_scoped3A : memref<!tpu.dma_semaphore, #tpu.memory_space<semaphore_mem>>) src(%arg39 : memref<32x128xf32, #tpu.memory_space<vmem>>) dst(%dma_wait3A_579 : memref<32x128xf32, #tpu.memory_space<vmem_shared>>)
        tpu.yield
      }) : () -> ()
      %mul3A_569 = arith.constant 32 : i32
      %mul3A_570 = arith.muli %add3A_565, %mul3A_569 : i32
      %add3A_571 = arith.addi %mul3A_3, %mul3A_570 : i32
      "tpu.region"() ({
        %run_scoped3A = tpu.sem_alloc : memref<!tpu.dma_semaphore, #tpu.memory_space<semaphore_mem>>
        %dma_start3A_572 = arith.constant 0 : i32
        %dma_start3A_573 = tpu.memref_slice %arg41[%add3A_571, %dma_start3A_572] : memref<5120x128xf32, #tpu.memory_space<vmem_shared>> -> memref<32x128xf32, #tpu.memory_space<vmem_shared>>
        %dma_start3A_574 = arith.constant 0 : i32
        %dma_start3A_575 = tpu.memref_slice %arg41[%add3A_571, %dma_start3A_574] : memref<5120x128xf32, #tpu.memory_space<vmem_shared>> -> memref<32x128xf32, #tpu.memory_space<vmem_shared>>
        tpu.enqueue_dma source(%arg39 : memref<32x128xf32, #tpu.memory_space<vmem>>) target(%dma_start3A_575 : memref<32x128xf32, #tpu.memory_space<vmem_shared>>) target_semaphore(%run_scoped3A : memref<!tpu.dma_semaphore, #tpu.memory_space<semaphore_mem>>)
        %dma_wait3A_576 = arith.constant 0 : i32
        %dma_wait3A_577 = tpu.memref_slice %arg41[%add3A_571, %dma_wait3A_576] : memref<5120x128xf32, #tpu.memory_space<vmem_shared>> -> memref<32x128xf32, #tpu.memory_space<vmem_shared>>
        %dma_wait3A_578 = arith.constant 0 : i32
        %dma_wait3A_579 = tpu.memref_slice %arg41[%add3A_571, %dma_wait3A_578] : memref<5120x128xf32, #tpu.memory_space<vmem_shared>> -> memref<32x128xf32, #tpu.memory_space<vmem_shared>>
        tpu.wait_dma2 semaphore(%run_scoped3A : memref<!tpu.dma_semaphore, #tpu.memory_space<semaphore_mem>>) src(%arg39 : memref<32x128xf32, #tpu.memory_space<vmem>>) dst(%dma_wait3A_579 : memref<32x128xf32, #tpu.memory_space<vmem_shared>>)
        tpu.yield
      }) : () -> ()
    }
    %scan3A_16 = arith.constant 10 : i32
    %scan3A_17 = arith.constant 0 : i32
    %scan3A_18 = arith.constant 32 : i32
    %scan3A_19 = arith.addi %scan3A_17, %scan3A_18 : i32
    %scan3A_20 = arith.constant 1 : i32
    scf.for %scan3A_561 = %scan3A_17 to %scan3A_19 step %scan3A_20  : i32 {
      %mul3A_562 = arith.constant 1 : i32
      %mul3A_563 = arith.muli %scan3A_561, %mul3A_562 : i32
      %add3A_564 = arith.constant 0 : i32
      %add3A_565 = arith.addi %add3A_564, %mul3A_563 : i32
      %swap3A_566 = arith.index_cast %add3A_565 : i32 to index
      %swap3A_567 = arith.constant 0 : index
      %swap3A_568 = tpu.vector_load %arg39[%swap3A_566, %swap3A_567] {strides = array<i32>} : memref<32x128xf32, #tpu.memory_space<vmem>>, vector<1x16xf32>,
      %swap3A_569 = vector.shape_cast %swap3A_568 : vector<1x16xf32> to vector<16xf32>
      %swap3A_570 = vector.shape_cast %broadcast_in_dim3A_2 : vector<16xf32> to vector<1x16xf32>
      tpu.vector_store %arg39[%swap3A_566, %swap3A_567], %swap3A_570 {strides = array<i32>} : memref<32x128xf32, #tpu.memory_space<vmem>>, vector<1x16xf32>,
      %swap3A_571 = arith.index_cast %add3A_565 : i32 to index
      %swap3A_572 = arith.constant 16 : index
      %swap3A_573 = tpu.vector_load %arg39[%swap3A_571, %swap3A_572] {strides = array<i32>} : memref<32x128xf32, #tpu.memory_space<vmem>>, vector<1x16xf32>,
      %swap3A_574 = vector.shape_cast %swap3A_573 : vector<1x16xf32> to vector<16xf32>
      %swap3A_575 = vector.shape_cast %broadcast_in_dim3A_2 : vector<16xf32> to vector<1x16xf32>
      tpu.vector_store %arg39[%swap3A_571, %swap3A_572], %swap3A_575 {strides = array<i32>} : memref<32x128xf32, #tpu.memory_space<vmem>>, vector<1x16xf32>,
      %swap3A_576 = arith.index_cast %add3A_565 : i32 to index
      %swap3A_577 = arith.constant 32 : index
      %swap3A_578 = tpu.vector_load %arg39[%swap3A_576, %swap3A_577] {strides = array<i32>} : memref<32x128xf32, #tpu.memory_space<vmem>>, vector<1x16xf32>,
      %swap3A_579 = vector.shape_cast %swap3A_578 : vector<1x16xf32> to vector<16xf32>
      %swap3A_580 = vector.shape_cast %broadcast_in_dim3A_2 : vector<16xf32> to vector<1x16xf32>
      tpu.vector_store %arg39[%swap3A_576, %swap3A_577], %swap3A_580 {strides = array<i32>} : memref<32x128xf32, #tpu.memory_space<vmem>>, vector<1x16xf32>,
      %swap3A_581 = arith.index_cast %add3A_565 : i32 to index
      %swap3A_582 = arith.constant 48 : index
      %swap3A_583 = tpu.vector_load %arg39[%swap3A_581, %swap3A_582] {strides = array<i32>} : memref<32x128xf32, #tpu.memory_space<vmem>>, vector<1x16xf32>,
      %swap3A_584 = vector.shape_cast %swap3A_583 : vector<1x16xf32> to vector<16xf32>
      %swap3A_585 = vector.shape_cast %broadcast_in_dim3A_2 : vector<16xf32> to vector<1x16xf32>
      tpu.vector_store %arg39[%swap3A_581, %swap3A_582], %swap3A_585 {strides = array<i32>} : memref<32x128xf32, #tpu.memory_space<vmem>>, vector<1x16xf32>,
      %swap3A_586 = arith.index_cast %add3A_565 : i32 to index
      %swap3A_587 = arith.constant 64 : index
      %swap3A_588 = tpu.vector_load %arg39[%swap3A_586, %swap3A_587] {strides = array<i32>} : memref<32x128xf32, #tpu.memory_space<vmem>>, vector<1x16xf32>,
      %swap3A_589 = vector.shape_cast %swap3A_588 : vector<1x16xf32> to vector<16xf32>
      %swap3A_590 = vector.shape_cast %broadcast_in_dim3A_2 : vector<16xf32> to vector<1x16xf32>
      tpu.vector_store %arg39[%swap3A_586, %swap3A_587], %swap3A_590 {strides = array<i32>} : memref<32x128xf32, #tpu.memory_space<vmem>>, vector<1x16xf32>,
      %swap3A_591 = arith.index_cast %add3A_565 : i32 to index
      %swap3A_592 = arith.constant 80 : index
      %swap3A_593 = tpu.vector_load %arg39[%swap3A_591, %swap3A_592] {strides = array<i32>} : memref<32x128xf32, #tpu.memory_space<vmem>>, vector<1x16xf32>,
      %swap3A_594 = vector.shape_cast %swap3A_593 : vector<1x16xf32> to vector<16xf32>
      %swap3A_595 = vector.shape_cast %broadcast_in_dim3A_2 : vector<16xf32> to vector<1x16xf32>
      tpu.vector_store %arg39[%swap3A_591, %swap3A_592], %swap3A_595 {strides = array<i32>} : memref<32x128xf32, #tpu.memory_space<vmem>>, vector<1x16xf32>,
      %swap3A_596 = arith.index_cast %add3A_565 : i32 to index
      %swap3A_597 = arith.constant 96 : index
      %swap3A_598 = tpu.vector_load %arg39[%swap3A_596, %swap3A_597] {strides = array<i32>} : memref<32x128xf32, #tpu.memory_space<vmem>>, vector<1x16xf32>,
      %swap3A_599 = vector.shape_cast %swap3A_598 : vector<1x16xf32> to vector<16xf32>
      %swap3A_600 = vector.shape_cast %broadcast_in_dim3A_2 : vector<16xf32> to vector<1x16xf32>
      tpu.vector_store %arg39[%swap3A_596, %swap3A_597], %swap3A_600 {strides = array<i32>} : memref<32x128xf32, #tpu.memory_space<vmem>>, vector<1x16xf32>,
      %swap3A_601 = arith.index_cast %add3A_565 : i32 to index
      %swap3A_602 = arith.constant 112 : index
      %swap3A_603 = tpu.vector_load %arg39[%swap3A_601, %swap3A_602] {strides = array<i32>} : memref<32x128xf32, #tpu.memory_space<vmem>>, vector<1x16xf32>,
      %swap3A_604 = vector.shape_cast %swap3A_603 : vector<1x16xf32> to vector<16xf32>
      %swap3A_605 = vector.shape_cast %broadcast_in_dim3A_2 : vector<16xf32> to vector<1x16xf32>
      tpu.vector_store %arg39[%swap3A_601, %swap3A_602], %swap3A_605 {strides = array<i32>} : memref<32x128xf32, #tpu.memory_space<vmem>>, vector<1x16xf32>,
    }
    %scan3A_21 = arith.constant 32 : i32
    %barrier3A = arith.constant 0 : index
    tpu.barrier barrier_id(%barrier3A)
    %add3A = arith.constant 0 : i32
    %add3A_22 = arith.addi %mul3A_7, %add3A : i32
    %dma_start3A = tpu.memref_slice %arg4[%add3A_22] : memref<320000xi32, #tpu.memory_space<hbm>> -> memref<80xi32, #tpu.memory_space<hbm>>
    %dma_start3A_23 = tpu.memref_slice %arg4[%add3A_22] : memref<320000xi32, #tpu.memory_space<hbm>> -> memref<80xi32, #tpu.memory_space<hbm>>
    tpu.enqueue_dma source(%dma_start3A_23 : memref<80xi32, #tpu.memory_space<hbm>>) target(%arg11 : memref<80xi32, #tpu.memory_space<vmem>>) target_semaphore(%arg42 : memref<!tpu.dma_semaphore, #tpu.memory_space<semaphore_mem>>)
    %dma_start3A_24 = tpu.memref_slice %arg3[%add3A_22] : memref<320000xi32, #tpu.memory_space<hbm>> -> memref<80xi32, #tpu.memory_space<hbm>>
    %dma_start3A_25 = tpu.memref_slice %arg3[%add3A_22] : memref<320000xi32, #tpu.memory_space<hbm>> -> memref<80xi32, #tpu.memory_space<hbm>>
    tpu.enqueue_dma source(%dma_start3A_25 : memref<80xi32, #tpu.memory_space<hbm>>) target(%arg7 : memref<80xi32, #tpu.memory_space<vmem>>) target_semaphore(%arg42 : memref<!tpu.dma_semaphore, #tpu.memory_space<semaphore_mem>>)
    %add3A_26 = arith.constant 80 : i32
    %add3A_27 = arith.addi %mul3A_7, %add3A_26 : i32
    %dma_start3A_28 = tpu.memref_slice %arg4[%add3A_27] : memref<320000xi32, #tpu.memory_space<hbm>> -> memref<80xi32, #tpu.memory_space<hbm>>
    %dma_start3A_29 = tpu.memref_slice %arg4[%add3A_27] : memref<320000xi32, #tpu.memory_space<hbm>> -> memref<80xi32, #tpu.memory_space<hbm>>
    tpu.enqueue_dma source(%dma_start3A_29 : memref<80xi32, #tpu.memory_space<hbm>>) target(%arg12 : memref<80xi32, #tpu.memory_space<vmem>>) target_semaphore(%arg43 : memref<!tpu.dma_semaphore, #tpu.memory_space<semaphore_mem>>)
    %dma_start3A_30 = tpu.memref_slice %arg3[%add3A_27] : memref<320000xi32, #tpu.memory_space<hbm>> -> memref<80xi32, #tpu.memory_space<hbm>>
    %dma_start3A_31 = tpu.memref_slice %arg3[%add3A_27] : memref<320000xi32, #tpu.memory_space<hbm>> -> memref<80xi32, #tpu.memory_space<hbm>>
    tpu.enqueue_dma source(%dma_start3A_31 : memref<80xi32, #tpu.memory_space<hbm>>) target(%arg8 : memref<80xi32, #tpu.memory_space<vmem>>) target_semaphore(%arg43 : memref<!tpu.dma_semaphore, #tpu.memory_space<semaphore_mem>>)
    %scan3A_32 = arith.constant 0 : i32
    %scan3A_33 = arith.constant 62 : i32
    %scan3A_34 = arith.addi %scan3A_32, %scan3A_33 : i32
    %scan3A_35 = arith.constant 1 : i32
    scf.for %scan3A_561 = %scan3A_32 to %scan3A_34 step %scan3A_35  : i32 {
      %mul3A_562 = arith.constant 1 : i32
      %mul3A_563 = arith.muli %scan3A_561, %mul3A_562 : i32
      %add3A_564 = arith.constant 0 : i32
      %add3A_565 = arith.addi %add3A_564, %mul3A_563 : i32
      %mul3A_566 = arith.constant 4 : i32
      %mul3A_567 = arith.muli %add3A_565, %mul3A_566 : i32
      %add3A_568 = arith.constant 0 : i32
      %add3A_569 = arith.addi %mul3A_567, %add3A_568 : i32
      %ge3A_570 = arith.constant 1 : i32
      %ge3A_571 = arith.cmpi sge, %add3A_565, %ge3A_570 : i32
      %convert_element_type3A = arith.extui %ge3A_571 : i1 to i32
      %cond3A = arith.constant 0 : i32
      %cond3A_572 = arith.cmpi ne, %convert_element_type3A, %cond3A : i32
      scf.if %cond3A_572 {
        %dma_wait3A_1398 = arith.constant 0 : i32
        %dma_wait3A_1399 = arith.constant 0 : i32
        %dma_wait3A_1400 = tpu.memref_slice %arg40[%dma_wait3A_1398, %dma_wait3A_1399] : memref<5120x128xf32, #tpu.memory_space<vmem_shared>> -> memref<5120x128xf32, #tpu.memory_space<vmem_shared>>
        tpu.wait_indirect_dma semaphore(%arg50 : memref<!tpu.dma_semaphore, #tpu.memory_space<semaphore_mem>>) src(%arg35 : memref<80x128xf32, #tpu.memory_space<vmem>>) dst(%dma_wait3A_1400 : memref<5120x128xf32, #tpu.memory_space<vmem_shared>>)
        %dma_wait3A_1401 = arith.constant 0 : i32
        %dma_wait3A_1402 = arith.constant 0 : i32
        %dma_wait3A_1403 = tpu.memref_slice %arg41[%dma_wait3A_1401, %dma_wait3A_1402] : memref<5120x128xf32, #tpu.memory_space<vmem_shared>> -> memref<5120x128xf32, #tpu.memory_space<vmem_shared>>
        tpu.wait_indirect_dma semaphore(%arg54 : memref<!tpu.dma_semaphore, #tpu.memory_space<semaphore_mem>>) src(%arg39 : memref<32x128xf32, #tpu.memory_space<vmem>>) dst(%dma_wait3A_1403 : memref<5120x128xf32, #tpu.memory_space<vmem_shared>>)
        %dma_wait3A_1404 = arith.constant 0 : i32
        %dma_wait3A_1405 = arith.constant 0 : i32
        %dma_wait3A_1406 = tpu.memref_slice %arg41[%dma_wait3A_1404, %dma_wait3A_1405] : memref<5120x128xf32, #tpu.memory_space<vmem_shared>> -> memref<5120x128xf32, #tpu.memory_space<vmem_shared>>
        tpu.wait_indirect_dma semaphore(%arg54 : memref<!tpu.dma_semaphore, #tpu.memory_space<semaphore_mem>>) src(%arg39 : memref<32x128xf32, #tpu.memory_space<vmem>>) dst(%dma_wait3A_1406 : memref<5120x128xf32, #tpu.memory_space<vmem_shared>>)
        %dma_wait3A_1407 = arith.constant 0 : i32
        %dma_wait3A_1408 = arith.constant 0 : i32
        %dma_wait3A_1409 = tpu.memref_slice %arg39[%dma_wait3A_1407, %dma_wait3A_1408] : memref<32x128xf32, #tpu.memory_space<vmem>> -> memref<16x128xf32, #tpu.memory_space<vmem>>
        %dma_wait3A_1410 = arith.constant 0 : i32
        %dma_wait3A_1411 = arith.constant 0 : i32
        %dma_wait3A_1412 = tpu.memref_slice %arg41[%dma_wait3A_1410, %dma_wait3A_1411] : memref<5120x128xf32, #tpu.memory_space<vmem_shared>> -> memref<5120x128xf32, #tpu.memory_space<vmem_shared>>
        tpu.wait_indirect_dma semaphore(%arg54 : memref<!tpu.dma_semaphore, #tpu.memory_space<semaphore_mem>>) src(%dma_wait3A_1409 : memref<16x128xf32, #tpu.memory_space<vmem>>) dst(%dma_wait3A_1412 : memref<5120x128xf32, #tpu.memory_space<vmem_shared>>)
      } else {
      }
      %add3A_573 = arith.constant 2 : i32
      %add3A_574 = arith.addi %add3A_569, %add3A_573 : i32
      %mul3A_575 = arith.constant 80 : i32
      %mul3A_576 = arith.muli %add3A_574, %mul3A_575 : i32
      %add3A_577 = arith.addi %mul3A_7, %mul3A_576 : i32
      %dma_start3A_578 = tpu.memref_slice %arg4[%add3A_577] : memref<320000xi32, #tpu.memory_space<hbm>> -> memref<80xi32, #tpu.memory_space<hbm>>
      %dma_start3A_579 = tpu.memref_slice %arg4[%add3A_577] : memref<320000xi32, #tpu.memory_space<hbm>> -> memref<80xi32, #tpu.memory_space<hbm>>
      tpu.enqueue_dma source(%dma_start3A_579 : memref<80xi32, #tpu.memory_space<hbm>>) target(%arg13 : memref<80xi32, #tpu.memory_space<vmem>>) target_semaphore(%arg44 : memref<!tpu.dma_semaphore, #tpu.memory_space<semaphore_mem>>)
      %dma_start3A_580 = tpu.memref_slice %arg3[%add3A_577] : memref<320000xi32, #tpu.memory_space<hbm>> -> memref<80xi32, #tpu.memory_space<hbm>>
      %dma_start3A_581 = tpu.memref_slice %arg3[%add3A_577] : memref<320000xi32, #tpu.memory_space<hbm>> -> memref<80xi32, #tpu.memory_space<hbm>>
      tpu.enqueue_dma source(%dma_start3A_581 : memref<80xi32, #tpu.memory_space<hbm>>) target(%arg9 : memref<80xi32, #tpu.memory_space<vmem>>) target_semaphore(%arg44 : memref<!tpu.dma_semaphore, #tpu.memory_space<semaphore_mem>>)
      %dma_wait3A_582 = arith.constant 0 : i32
      %dma_wait3A_583 = tpu.memref_slice %arg4[%dma_wait3A_582] : memref<320000xi32, #tpu.memory_space<hbm>> -> memref<80xi32, #tpu.memory_space<hbm>>
      %dma_wait3A_584 = arith.constant 0 : i32
      %dma_wait3A_585 = tpu.memref_slice %arg4[%dma_wait3A_584] : memref<320000xi32, #tpu.memory_space<hbm>> -> memref<80xi32, #tpu.memory_space<hbm>>
      tpu.wait_dma2 semaphore(%arg42 : memref<!tpu.dma_semaphore, #tpu.memory_space<semaphore_mem>>) src(%dma_wait3A_585 : memref<80xi32, #tpu.memory_space<hbm>>) dst(%arg11 : memref<80xi32, #tpu.memory_space<vmem>>)
      %dma_wait3A_586 = arith.constant 0 : i32
      %dma_wait3A_587 = tpu.memref_slice %arg3[%dma_wait3A_586] : memref<320000xi32, #tpu.memory_space<hbm>> -> memref<80xi32, #tpu.memory_space<hbm>>
      %dma_wait3A_588 = arith.constant 0 : i32
      %dma_wait3A_589 = tpu.memref_slice %arg3[%dma_wait3A_588] : memref<320000xi32, #tpu.memory_space<hbm>> -> memref<80xi32, #tpu.memory_space<hbm>>
      tpu.wait_dma2 semaphore(%arg42 : memref<!tpu.dma_semaphore, #tpu.memory_space<semaphore_mem>>) src(%dma_wait3A_589 : memref<80xi32, #tpu.memory_space<hbm>>) dst(%arg7 : memref<80xi32, #tpu.memory_space<vmem>>)
      %get3A_590 = arith.constant 0 : index
      %get3A_591 = tpu.vector_load %arg11[%get3A_590] {strides = array<i32>} : memref<80xi32, #tpu.memory_space<vmem>>, vector<16xi32>,
      %get3A_592 = vector.shape_cast %get3A_591 : vector<16xi32> to vector<16xi32>
      %ge3A_593 = vector.broadcast %mul3A_5 : i32 to vector<16xi32>
      %ge3A_594 = arith.cmpi sge, %get3A_592, %ge3A_593 : vector<16xi32>
      %add3A_595 = arith.constant 5120 : i32
      %add3A_596 = arith.addi %mul3A_5, %add3A_595 : i32
      %lt3A_597 = vector.broadcast %add3A_596 : i32 to vector<16xi32>
      %lt3A_598 = arith.cmpi slt, %get3A_592, %lt3A_597 : vector<16xi32>
      %and3A_599 = arith.andi %ge3A_594, %lt3A_598 : vector<16xi1>
      %sub3A_600 = vector.broadcast %mul3A_5 : i32 to vector<16xi32>
      %sub3A_601 = arith.subi %get3A_592, %sub3A_600 : vector<16xi32>
      %jit3A_602 = arith.constant 2147483647 : i32
      %broadcast_in_dim3A_603 = vector.broadcast %jit3A_602 : i32 to vector<16xi32>
      %select_n3A_604 = arith.select %and3A_599, %sub3A_601, %broadcast_in_dim3A_603 : vector<16xi1>, vector<16xi32>
      %swap3A_605 = arith.constant 0 : index
      %swap3A_606 = tpu.vector_load %arg19[%swap3A_605] {strides = array<i32>} : memref<80xi32, #tpu.memory_space<vmem>>, vector<16xi32>,
      %swap3A_607 = vector.shape_cast %swap3A_606 : vector<16xi32> to vector<16xi32>
      %swap3A_608 = vector.shape_cast %select_n3A_604 : vector<16xi32> to vector<16xi32>
      tpu.vector_store %arg19[%swap3A_605], %swap3A_608 {strides = array<i32>} : memref<80xi32, #tpu.memory_space<vmem>>, vector<16xi32>,
      %swap3A_609 = arith.constant 0 : index
      %swap3A_610 = tpu.vector_load %arg23[%swap3A_609] {strides = array<i32>} : memref<32xi32, #tpu.memory_space<vmem>>, vector<16xi32>,
      %swap3A_611 = vector.shape_cast %swap3A_610 : vector<16xi32> to vector<16xi32>
      %swap3A_612 = vector.shape_cast %select_n3A_604 : vector<16xi32> to vector<16xi32>
      tpu.vector_store %arg23[%swap3A_609], %swap3A_612 {strides = array<i32>} : memref<32xi32, #tpu.memory_space<vmem>>, vector<16xi32>,
      %get3A_613 = arith.constant 0 : index
      %get3A_614 = tpu.vector_load %arg7[%get3A_613] {strides = array<i32>} : memref<80xi32, #tpu.memory_space<vmem>>, vector<16xi32>,
      %get3A_615 = vector.shape_cast %get3A_614 : vector<16xi32> to vector<16xi32>
      %jit3A_616 = arith.constant 2147483647 : i32
      %broadcast_in_dim3A_617 = vector.broadcast %jit3A_616 : i32 to vector<16xi32>
      %select_n3A_618 = arith.select %and3A_599, %get3A_615, %broadcast_in_dim3A_617 : vector<16xi1>, vector<16xi32>
      %swap3A_619 = arith.constant 0 : index
      %swap3A_620 = tpu.vector_load %arg15[%swap3A_619] {strides = array<i32>} : memref<80xi32, #tpu.memory_space<vmem>>, vector<16xi32>,
      %swap3A_621 = vector.shape_cast %swap3A_620 : vector<16xi32> to vector<16xi32>
      %swap3A_622 = vector.shape_cast %select_n3A_618 : vector<16xi32> to vector<16xi32>
      tpu.vector_store %arg15[%swap3A_619], %swap3A_622 {strides = array<i32>} : memref<80xi32, #tpu.memory_space<vmem>>, vector<16xi32>,
      %get3A_623 = arith.constant 16 : index
      %get3A_624 = tpu.vector_load %arg11[%get3A_623] {strides = array<i32>} : memref<80xi32, #tpu.memory_space<vmem>>, vector<16xi32>,
      %get3A_625 = vector.shape_cast %get3A_624 : vector<16xi32> to vector<16xi32>
      %ge3A_626 = vector.broadcast %mul3A_5 : i32 to vector<16xi32>
      %ge3A_627 = arith.cmpi sge, %get3A_625, %ge3A_626 : vector<16xi32>
      %add3A_628 = arith.constant 5120 : i32
      %add3A_629 = arith.addi %mul3A_5, %add3A_628 : i32
      %lt3A_630 = vector.broadcast %add3A_629 : i32 to vector<16xi32>
      %lt3A_631 = arith.cmpi slt, %get3A_625, %lt3A_630 : vector<16xi32>
      %and3A_632 = arith.andi %ge3A_627, %lt3A_631 : vector<16xi1>
      %sub3A_633 = vector.broadcast %mul3A_5 : i32 to vector<16xi32>
      %sub3A_634 = arith.subi %get3A_625, %sub3A_633 : vector<16xi32>
      %jit3A_635 = arith.constant 2147483647 : i32
      %broadcast_in_dim3A_636 = vector.broadcast %jit3A_635 : i32 to vector<16xi32>
      %select_n3A_637 = arith.select %and3A_632, %sub3A_634, %broadcast_in_dim3A_636 : vector<16xi1>, vector<16xi32>
      %swap3A_638 = arith.constant 16 : index
      %swap3A_639 = tpu.vector_load %arg19[%swap3A_638] {strides = array<i32>} : memref<80xi32, #tpu.memory_space<vmem>>, vector<16xi32>,
      %swap3A_640 = vector.shape_cast %swap3A_639 : vector<16xi32> to vector<16xi32>
      %swap3A_641 = vector.shape_cast %select_n3A_637 : vector<16xi32> to vector<16xi32>
      tpu.vector_store %arg19[%swap3A_638], %swap3A_641 {strides = array<i32>} : memref<80xi32, #tpu.memory_space<vmem>>, vector<16xi32>,
      %swap3A_642 = arith.constant 16 : index
      %swap3A_643 = tpu.vector_load %arg23[%swap3A_642] {strides = array<i32>} : memref<32xi32, #tpu.memory_space<vmem>>, vector<16xi32>,
      %swap3A_644 = vector.shape_cast %swap3A_643 : vector<16xi32> to vector<16xi32>
      %swap3A_645 = vector.shape_cast %select_n3A_637 : vector<16xi32> to vector<16xi32>
      tpu.vector_store %arg23[%swap3A_642], %swap3A_645 {strides = array<i32>} : memref<32xi32, #tpu.memory_space<vmem>>, vector<16xi32>,
      %get3A_646 = arith.constant 16 : index
      %get3A_647 = tpu.vector_load %arg7[%get3A_646] {strides = array<i32>} : memref<80xi32, #tpu.memory_space<vmem>>, vector<16xi32>,
      %get3A_648 = vector.shape_cast %get3A_647 : vector<16xi32> to vector<16xi32>
      %jit3A_649 = arith.constant 2147483647 : i32
      %broadcast_in_dim3A_650 = vector.broadcast %jit3A_649 : i32 to vector<16xi32>
      %select_n3A_651 = arith.select %and3A_632, %get3A_648, %broadcast_in_dim3A_650 : vector<16xi1>, vector<16xi32>
      %swap3A_652 = arith.constant 16 : index
      %swap3A_653 = tpu.vector_load %arg15[%swap3A_652] {strides = array<i32>} : memref<80xi32, #tpu.memory_space<vmem>>, vector<16xi32>,
      %swap3A_654 = vector.shape_cast %swap3A_653 : vector<16xi32> to vector<16xi32>
      %swap3A_655 = vector.shape_cast %select_n3A_651 : vector<16xi32> to vector<16xi32>
      tpu.vector_store %arg15[%swap3A_652], %swap3A_655 {strides = array<i32>} : memref<80xi32, #tpu.memory_space<vmem>>, vector<16xi32>,
      %get3A_656 = arith.constant 32 : index
      %get3A_657 = tpu.vector_load %arg11[%get3A_656] {strides = array<i32>} : memref<80xi32, #tpu.memory_space<vmem>>, vector<16xi32>,
      %get3A_658 = vector.shape_cast %get3A_657 : vector<16xi32> to vector<16xi32>
      %ge3A_659 = vector.broadcast %mul3A_5 : i32 to vector<16xi32>
      %ge3A_660 = arith.cmpi sge, %get3A_658, %ge3A_659 : vector<16xi32>
      %add3A_661 = arith.constant 5120 : i32
      %add3A_662 = arith.addi %mul3A_5, %add3A_661 : i32
      %lt3A_663 = vector.broadcast %add3A_662 : i32 to vector<16xi32>
      %lt3A_664 = arith.cmpi slt, %get3A_658, %lt3A_663 : vector<16xi32>
      %and3A_665 = arith.andi %ge3A_660, %lt3A_664 : vector<16xi1>
      %sub3A_666 = vector.broadcast %mul3A_5 : i32 to vector<16xi32>
      %sub3A_667 = arith.subi %get3A_658, %sub3A_666 : vector<16xi32>
      %jit3A_668 = arith.constant 2147483647 : i32
      %broadcast_in_dim3A_669 = vector.broadcast %jit3A_668 : i32 to vector<16xi32>
      %select_n3A_670 = arith.select %and3A_665, %sub3A_667, %broadcast_in_dim3A_669 : vector<16xi1>, vector<16xi32>
      %swap3A_671 = arith.constant 32 : index
      %swap3A_672 = tpu.vector_load %arg19[%swap3A_671] {strides = array<i32>} : memref<80xi32, #tpu.memory_space<vmem>>, vector<16xi32>,
      %swap3A_673 = vector.shape_cast %swap3A_672 : vector<16xi32> to vector<16xi32>
      %swap3A_674 = vector.shape_cast %select_n3A_670 : vector<16xi32> to vector<16xi32>
      tpu.vector_store %arg19[%swap3A_671], %swap3A_674 {strides = array<i32>} : memref<80xi32, #tpu.memory_space<vmem>>, vector<16xi32>,
      %swap3A_675 = arith.constant 0 : index
      %swap3A_676 = tpu.vector_load %arg27[%swap3A_675] {strides = array<i32>} : memref<32xi32, #tpu.memory_space<vmem>>, vector<16xi32>,
      %swap3A_677 = vector.shape_cast %swap3A_676 : vector<16xi32> to vector<16xi32>
      %swap3A_678 = vector.shape_cast %select_n3A_670 : vector<16xi32> to vector<16xi32>
      tpu.vector_store %arg27[%swap3A_675], %swap3A_678 {strides = array<i32>} : memref<32xi32, #tpu.memory_space<vmem>>, vector<16xi32>,
      %get3A_679 = arith.constant 32 : index
      %get3A_680 = tpu.vector_load %arg7[%get3A_679] {strides = array<i32>} : memref<80xi32, #tpu.memory_space<vmem>>, vector<16xi32>,
      %get3A_681 = vector.shape_cast %get3A_680 : vector<16xi32> to vector<16xi32>
      %jit3A_682 = arith.constant 2147483647 : i32
      %broadcast_in_dim3A_683 = vector.broadcast %jit3A_682 : i32 to vector<16xi32>
      %select_n3A_684 = arith.select %and3A_665, %get3A_681, %broadcast_in_dim3A_683 : vector<16xi1>, vector<16xi32>
      %swap3A_685 = arith.constant 32 : index
      %swap3A_686 = tpu.vector_load %arg15[%swap3A_685] {strides = array<i32>} : memref<80xi32, #tpu.memory_space<vmem>>, vector<16xi32>,
      %swap3A_687 = vector.shape_cast %swap3A_686 : vector<16xi32> to vector<16xi32>
      %swap3A_688 = vector.shape_cast %select_n3A_684 : vector<16xi32> to vector<16xi32>
      tpu.vector_store %arg15[%swap3A_685], %swap3A_688 {strides = array<i32>} : memref<80xi32, #tpu.memory_space<vmem>>, vector<16xi32>,
      %get3A_689 = arith.constant 48 : index
      %get3A_690 = tpu.vector_load %arg11[%get3A_689] {strides = array<i32>} : memref<80xi32, #tpu.memory_space<vmem>>, vector<16xi32>,
      %get3A_691 = vector.shape_cast %get3A_690 : vector<16xi32> to vector<16xi32>
      %ge3A_692 = vector.broadcast %mul3A_5 : i32 to vector<16xi32>
      %ge3A_693 = arith.cmpi sge, %get3A_691, %ge3A_692 : vector<16xi32>
      %add3A_694 = arith.constant 5120 : i32
      %add3A_695 = arith.addi %mul3A_5, %add3A_694 : i32
      %lt3A_696 = vector.broadcast %add3A_695 : i32 to vector<16xi32>
      %lt3A_697 = arith.cmpi slt, %get3A_691, %lt3A_696 : vector<16xi32>
      %and3A_698 = arith.andi %ge3A_693, %lt3A_697 : vector<16xi1>
      %sub3A_699 = vector.broadcast %mul3A_5 : i32 to vector<16xi32>
      %sub3A_700 = arith.subi %get3A_691, %sub3A_699 : vector<16xi32>
      %jit3A_701 = arith.constant 2147483647 : i32
      %broadcast_in_dim3A_702 = vector.broadcast %jit3A_701 : i32 to vector<16xi32>
      %select_n3A_703 = arith.select %and3A_698, %sub3A_700, %broadcast_in_dim3A_702 : vector<16xi1>, vector<16xi32>
      %swap3A_704 = arith.constant 48 : index
      %swap3A_705 = tpu.vector_load %arg19[%swap3A_704] {strides = array<i32>} : memref<80xi32, #tpu.memory_space<vmem>>, vector<16xi32>,
      %swap3A_706 = vector.shape_cast %swap3A_705 : vector<16xi32> to vector<16xi32>
      %swap3A_707 = vector.shape_cast %select_n3A_703 : vector<16xi32> to vector<16xi32>
      tpu.vector_store %arg19[%swap3A_704], %swap3A_707 {strides = array<i32>} : memref<80xi32, #tpu.memory_space<vmem>>, vector<16xi32>,
      %swap3A_708 = arith.constant 16 : index
      %swap3A_709 = tpu.vector_load %arg27[%swap3A_708] {strides = array<i32>} : memref<32xi32, #tpu.memory_space<vmem>>, vector<16xi32>,
      %swap3A_710 = vector.shape_cast %swap3A_709 : vector<16xi32> to vector<16xi32>
      %swap3A_711 = vector.shape_cast %select_n3A_703 : vector<16xi32> to vector<16xi32>
      tpu.vector_store %arg27[%swap3A_708], %swap3A_711 {strides = array<i32>} : memref<32xi32, #tpu.memory_space<vmem>>, vector<16xi32>,
      %get3A_712 = arith.constant 48 : index
      %get3A_713 = tpu.vector_load %arg7[%get3A_712] {strides = array<i32>} : memref<80xi32, #tpu.memory_space<vmem>>, vector<16xi32>,
      %get3A_714 = vector.shape_cast %get3A_713 : vector<16xi32> to vector<16xi32>
      %jit3A_715 = arith.constant 2147483647 : i32
      %broadcast_in_dim3A_716 = vector.broadcast %jit3A_715 : i32 to vector<16xi32>
      %select_n3A_717 = arith.select %and3A_698, %get3A_714, %broadcast_in_dim3A_716 : vector<16xi1>, vector<16xi32>
      %swap3A_718 = arith.constant 48 : index
      %swap3A_719 = tpu.vector_load %arg15[%swap3A_718] {strides = array<i32>} : memref<80xi32, #tpu.memory_space<vmem>>, vector<16xi32>,
      %swap3A_720 = vector.shape_cast %swap3A_719 : vector<16xi32> to vector<16xi32>
      %swap3A_721 = vector.shape_cast %select_n3A_717 : vector<16xi32> to vector<16xi32>
      tpu.vector_store %arg15[%swap3A_718], %swap3A_721 {strides = array<i32>} : memref<80xi32, #tpu.memory_space<vmem>>, vector<16xi32>,
      %get3A_722 = arith.constant 64 : index
      %get3A_723 = tpu.vector_load %arg11[%get3A_722] {strides = array<i32>} : memref<80xi32, #tpu.memory_space<vmem>>, vector<16xi32>,
      %get3A_724 = vector.shape_cast %get3A_723 : vector<16xi32> to vector<16xi32>
      %ge3A_725 = vector.broadcast %mul3A_5 : i32 to vector<16xi32>
      %ge3A_726 = arith.cmpi sge, %get3A_724, %ge3A_725 : vector<16xi32>
      %add3A_727 = arith.constant 5120 : i32
      %add3A_728 = arith.addi %mul3A_5, %add3A_727 : i32
      %lt3A_729 = vector.broadcast %add3A_728 : i32 to vector<16xi32>
      %lt3A_730 = arith.cmpi slt, %get3A_724, %lt3A_729 : vector<16xi32>
      %and3A_731 = arith.andi %ge3A_726, %lt3A_730 : vector<16xi1>
      %sub3A_732 = vector.broadcast %mul3A_5 : i32 to vector<16xi32>
      %sub3A_733 = arith.subi %get3A_724, %sub3A_732 : vector<16xi32>
      %jit3A_734 = arith.constant 2147483647 : i32
      %broadcast_in_dim3A_735 = vector.broadcast %jit3A_734 : i32 to vector<16xi32>
      %select_n3A_736 = arith.select %and3A_731, %sub3A_733, %broadcast_in_dim3A_735 : vector<16xi1>, vector<16xi32>
      %swap3A_737 = arith.constant 64 : index
      %swap3A_738 = tpu.vector_load %arg19[%swap3A_737] {strides = array<i32>} : memref<80xi32, #tpu.memory_space<vmem>>, vector<16xi32>,
      %swap3A_739 = vector.shape_cast %swap3A_738 : vector<16xi32> to vector<16xi32>
      %swap3A_740 = vector.shape_cast %select_n3A_736 : vector<16xi32> to vector<16xi32>
      tpu.vector_store %arg19[%swap3A_737], %swap3A_740 {strides = array<i32>} : memref<80xi32, #tpu.memory_space<vmem>>, vector<16xi32>,
      %swap3A_741 = arith.constant 0 : index
      %swap3A_742 = tpu.vector_load %arg31[%swap3A_741] {strides = array<i32>} : memref<16xi32, #tpu.memory_space<vmem>>, vector<16xi32>,
      %swap3A_743 = vector.shape_cast %swap3A_742 : vector<16xi32> to vector<16xi32>
      %swap3A_744 = vector.shape_cast %select_n3A_736 : vector<16xi32> to vector<16xi32>
      tpu.vector_store %arg31[%swap3A_741], %swap3A_744 {strides = array<i32>} : memref<16xi32, #tpu.memory_space<vmem>>, vector<16xi32>,
      %get3A_745 = arith.constant 64 : index
      %get3A_746 = tpu.vector_load %arg7[%get3A_745] {strides = array<i32>} : memref<80xi32, #tpu.memory_space<vmem>>, vector<16xi32>,
      %get3A_747 = vector.shape_cast %get3A_746 : vector<16xi32> to vector<16xi32>
      %jit3A_748 = arith.constant 2147483647 : i32
      %broadcast_in_dim3A_749 = vector.broadcast %jit3A_748 : i32 to vector<16xi32>
      %select_n3A_750 = arith.select %and3A_731, %get3A_747, %broadcast_in_dim3A_749 : vector<16xi1>, vector<16xi32>
      %swap3A_751 = arith.constant 64 : index
      %swap3A_752 = tpu.vector_load %arg15[%swap3A_751] {strides = array<i32>} : memref<80xi32, #tpu.memory_space<vmem>>, vector<16xi32>,
      %swap3A_753 = vector.shape_cast %swap3A_752 : vector<16xi32> to vector<16xi32>
      %swap3A_754 = vector.shape_cast %select_n3A_750 : vector<16xi32> to vector<16xi32>
      tpu.vector_store %arg15[%swap3A_751], %swap3A_754 {strides = array<i32>} : memref<80xi32, #tpu.memory_space<vmem>>, vector<16xi32>,
      %dma_start3A_755 = arith.constant 0 : i32
      %dma_start3A_756 = arith.constant 0 : i32
      %dma_start3A_757 = tpu.memref_slice %arg2[%dma_start3A_755, %dma_start3A_756] : memref<10000x128xf32, #tpu.memory_space<hbm>> -> memref<10000x128xf32, #tpu.memory_space<hbm>>
      %dma_start3A_758 = arith.constant 2147483647 : i32
      tpu.enqueue_indirect_dma source(%dma_start3A_757 : memref<10000x128xf32, #tpu.memory_space<hbm>>) target(%arg35 : memref<80x128xf32, #tpu.memory_space<vmem>>) offsets(%arg15 : memref<80xi32, #tpu.memory_space<vmem>>) offset_filter(%dma_start3A_758) semaphore(%arg46 : memref<!tpu.dma_semaphore, #tpu.memory_space<semaphore_mem>>)
      %ge3A_759 = arith.constant 1 : i32
      %ge3A_760 = arith.cmpi sge, %add3A_565, %ge3A_759 : i32
      %convert_element_type3A_761 = arith.extui %ge3A_760 : i1 to i32
      %cond3A_762 = arith.constant 0 : i32
      %cond3A_763 = arith.cmpi ne, %convert_element_type3A_761, %cond3A_762 : i32
      scf.if %cond3A_763 {
        %dma_wait3A_1398 = arith.constant 0 : i32
        %dma_wait3A_1399 = arith.constant 0 : i32
        %dma_wait3A_1400 = tpu.memref_slice %arg2[%dma_wait3A_1398, %dma_wait3A_1399] : memref<10000x128xf32, #tpu.memory_space<hbm>> -> memref<10000x128xf32, #tpu.memory_space<hbm>>
        tpu.wait_indirect_dma semaphore(%arg48 : memref<!tpu.dma_semaphore, #tpu.memory_space<semaphore_mem>>) src(%dma_wait3A_1400 : memref<10000x128xf32, #tpu.memory_space<hbm>>) dst(%arg37 : memref<80x128xf32, #tpu.memory_space<vmem>>)
        %dma_start3A_1401 = arith.constant 0 : i32
        %dma_start3A_1402 = arith.constant 0 : i32
        %dma_start3A_1403 = tpu.memref_slice %arg40[%dma_start3A_1401, %dma_start3A_1402] : memref<5120x128xf32, #tpu.memory_space<vmem_shared>> -> memref<5120x128xf32, #tpu.memory_space<vmem_shared>>
        %dma_start3A_1404 = arith.constant 2147483647 : i32
        tpu.enqueue_indirect_dma source(%arg37 : memref<80x128xf32, #tpu.memory_space<vmem>>) target(%dma_start3A_1403 : memref<5120x128xf32, #tpu.memory_space<vmem_shared>>) offsets(%arg21 : memref<80xi32, #tpu.memory_space<vmem>>) offset_filter(%dma_start3A_1404) semaphore(%arg52 : memref<!tpu.dma_semaphore, #tpu.memory_space<semaphore_mem>>) {add = true}
        %dma_start3A_1405 = arith.constant 0 : i32
        %dma_start3A_1406 = arith.constant 0 : i32
        %dma_start3A_1407 = tpu.memref_slice %arg41[%dma_start3A_1405, %dma_start3A_1406] : memref<5120x128xf32, #tpu.memory_space<vmem_shared>> -> memref<5120x128xf32, #tpu.memory_space<vmem_shared>>
        %dma_start3A_1408 = arith.constant 2147483647 : i32
        tpu.enqueue_indirect_dma source(%arg39 : memref<32x128xf32, #tpu.memory_space<vmem>>) target(%dma_start3A_1407 : memref<5120x128xf32, #tpu.memory_space<vmem_shared>>) offsets(%arg25 : memref<32xi32, #tpu.memory_space<vmem>>) offset_filter(%dma_start3A_1408) semaphore(%arg56 : memref<!tpu.dma_semaphore, #tpu.memory_space<semaphore_mem>>) {add = true}
        %dma_start3A_1409 = arith.constant 0 : i32
        %dma_start3A_1410 = arith.constant 0 : i32
        %dma_start3A_1411 = tpu.memref_slice %arg41[%dma_start3A_1409, %dma_start3A_1410] : memref<5120x128xf32, #tpu.memory_space<vmem_shared>> -> memref<5120x128xf32, #tpu.memory_space<vmem_shared>>
        %dma_start3A_1412 = arith.constant 2147483647 : i32
        tpu.enqueue_indirect_dma source(%arg39 : memref<32x128xf32, #tpu.memory_space<vmem>>) target(%dma_start3A_1411 : memref<5120x128xf32, #tpu.memory_space<vmem_shared>>) offsets(%arg29 : memref<32xi32, #tpu.memory_space<vmem>>) offset_filter(%dma_start3A_1412) semaphore(%arg56 : memref<!tpu.dma_semaphore, #tpu.memory_space<semaphore_mem>>) {add = true}
        %dma_start3A_1413 = arith.constant 0 : i32
        %dma_start3A_1414 = arith.constant 0 : i32
        %dma_start3A_1415 = tpu.memref_slice %arg39[%dma_start3A_1413, %dma_start3A_1414] : memref<32x128xf32, #tpu.memory_space<vmem>> -> memref<16x128xf32, #tpu.memory_space<vmem>>
        %dma_start3A_1416 = arith.constant 0 : i32
        %dma_start3A_1417 = arith.constant 0 : i32
        %dma_start3A_1418 = tpu.memref_slice %arg41[%dma_start3A_1416, %dma_start3A_1417] : memref<5120x128xf32, #tpu.memory_space<vmem_shared>> -> memref<5120x128xf32, #tpu.memory_space<vmem_shared>>
        %dma_start3A_1419 = arith.constant 2147483647 : i32
        tpu.enqueue_indirect_dma source(%dma_start3A_1415 : memref<16x128xf32, #tpu.memory_space<vmem>>) target(%dma_start3A_1418 : memref<5120x128xf32, #tpu.memory_space<vmem_shared>>) offsets(%arg33 : memref<16xi32, #tpu.memory_space<vmem>>) offset_filter(%dma_start3A_1419) semaphore(%arg56 : memref<!tpu.dma_semaphore, #tpu.memory_space<semaphore_mem>>) {add = true}
      } else {
      }
      %mul3A_764 = arith.constant 4 : i32
      %mul3A_765 = arith.muli %add3A_565, %mul3A_764 : i32
      %add3A_766 = arith.constant 1 : i32
      %add3A_767 = arith.addi %mul3A_765, %add3A_766 : i32
      %ge3A_768 = arith.constant 1 : i32
      %ge3A_769 = arith.cmpi sge, %add3A_565, %ge3A_768 : i32
      %convert_element_type3A_770 = arith.extui %ge3A_769 : i1 to i32
      %cond3A_771 = arith.constant 0 : i32
      %cond3A_772 = arith.cmpi ne, %convert_element_type3A_770, %cond3A_771 : i32
      scf.if %cond3A_772 {
        %dma_wait3A_1398 = arith.constant 0 : i32
        %dma_wait3A_1399 = arith.constant 0 : i32
        %dma_wait3A_1400 = tpu.memref_slice %arg40[%dma_wait3A_1398, %dma_wait3A_1399] : memref<5120x128xf32, #tpu.memory_space<vmem_shared>> -> memref<5120x128xf32, #tpu.memory_space<vmem_shared>>
        tpu.wait_indirect_dma semaphore(%arg51 : memref<!tpu.dma_semaphore, #tpu.memory_space<semaphore_mem>>) src(%arg36 : memref<80x128xf32, #tpu.memory_space<vmem>>) dst(%dma_wait3A_1400 : memref<5120x128xf32, #tpu.memory_space<vmem_shared>>)
        %dma_wait3A_1401 = arith.constant 0 : i32
        %dma_wait3A_1402 = arith.constant 0 : i32
        %dma_wait3A_1403 = tpu.memref_slice %arg41[%dma_wait3A_1401, %dma_wait3A_1402] : memref<5120x128xf32, #tpu.memory_space<vmem_shared>> -> memref<5120x128xf32, #tpu.memory_space<vmem_shared>>
        tpu.wait_indirect_dma semaphore(%arg55 : memref<!tpu.dma_semaphore, #tpu.memory_space<semaphore_mem>>) src(%arg39 : memref<32x128xf32, #tpu.memory_space<vmem>>) dst(%dma_wait3A_1403 : memref<5120x128xf32, #tpu.memory_space<vmem_shared>>)
        %dma_wait3A_1404 = arith.constant 0 : i32
        %dma_wait3A_1405 = arith.constant 0 : i32
        %dma_wait3A_1406 = tpu.memref_slice %arg41[%dma_wait3A_1404, %dma_wait3A_1405] : memref<5120x128xf32, #tpu.memory_space<vmem_shared>> -> memref<5120x128xf32, #tpu.memory_space<vmem_shared>>
        tpu.wait_indirect_dma semaphore(%arg55 : memref<!tpu.dma_semaphore, #tpu.memory_space<semaphore_mem>>) src(%arg39 : memref<32x128xf32, #tpu.memory_space<vmem>>) dst(%dma_wait3A_1406 : memref<5120x128xf32, #tpu.memory_space<vmem_shared>>)
        %dma_wait3A_1407 = arith.constant 0 : i32
        %dma_wait3A_1408 = arith.constant 0 : i32
        %dma_wait3A_1409 = tpu.memref_slice %arg39[%dma_wait3A_1407, %dma_wait3A_1408] : memref<32x128xf32, #tpu.memory_space<vmem>> -> memref<16x128xf32, #tpu.memory_space<vmem>>
        %dma_wait3A_1410 = arith.constant 0 : i32
        %dma_wait3A_1411 = arith.constant 0 : i32
        %dma_wait3A_1412 = tpu.memref_slice %arg41[%dma_wait3A_1410, %dma_wait3A_1411] : memref<5120x128xf32, #tpu.memory_space<vmem_shared>> -> memref<5120x128xf32, #tpu.memory_space<vmem_shared>>
        tpu.wait_indirect_dma semaphore(%arg55 : memref<!tpu.dma_semaphore, #tpu.memory_space<semaphore_mem>>) src(%dma_wait3A_1409 : memref<16x128xf32, #tpu.memory_space<vmem>>) dst(%dma_wait3A_1412 : memref<5120x128xf32, #tpu.memory_space<vmem_shared>>)
      } else {
      }
      %add3A_773 = arith.constant 2 : i32
      %add3A_774 = arith.addi %add3A_767, %add3A_773 : i32
      %mul3A_775 = arith.constant 80 : i32
      %mul3A_776 = arith.muli %add3A_774, %mul3A_775 : i32
      %add3A_777 = arith.addi %mul3A_7, %mul3A_776 : i32
      %dma_start3A_778 = tpu.memref_slice %arg4[%add3A_777] : memref<320000xi32, #tpu.memory_space<hbm>> -> memref<80xi32, #tpu.memory_space<hbm>>
      %dma_start3A_779 = tpu.memref_slice %arg4[%add3A_777] : memref<320000xi32, #tpu.memory_space<hbm>> -> memref<80xi32, #tpu.memory_space<hbm>>
      tpu.enqueue_dma source(%dma_start3A_779 : memref<80xi32, #tpu.memory_space<hbm>>) target(%arg14 : memref<80xi32, #tpu.memory_space<vmem>>) target_semaphore(%arg45 : memref<!tpu.dma_semaphore, #tpu.memory_space<semaphore_mem>>)
      %dma_start3A_780 = tpu.memref_slice %arg3[%add3A_777] : memref<320000xi32, #tpu.memory_space<hbm>> -> memref<80xi32, #tpu.memory_space<hbm>>
      %dma_start3A_781 = tpu.memref_slice %arg3[%add3A_777] : memref<320000xi32, #tpu.memory_space<hbm>> -> memref<80xi32, #tpu.memory_space<hbm>>
      tpu.enqueue_dma source(%dma_start3A_781 : memref<80xi32, #tpu.memory_space<hbm>>) target(%arg10 : memref<80xi32, #tpu.memory_space<vmem>>) target_semaphore(%arg45 : memref<!tpu.dma_semaphore, #tpu.memory_space<semaphore_mem>>)
      %dma_wait3A_782 = arith.constant 0 : i32
      %dma_wait3A_783 = tpu.memref_slice %arg4[%dma_wait3A_782] : memref<320000xi32, #tpu.memory_space<hbm>> -> memref<80xi32, #tpu.memory_space<hbm>>
      %dma_wait3A_784 = arith.constant 0 : i32
      %dma_wait3A_785 = tpu.memref_slice %arg4[%dma_wait3A_784] : memref<320000xi32, #tpu.memory_space<hbm>> -> memref<80xi32, #tpu.memory_space<hbm>>
      tpu.wait_dma2 semaphore(%arg43 : memref<!tpu.dma_semaphore, #tpu.memory_space<semaphore_mem>>) src(%dma_wait3A_785 : memref<80xi32, #tpu.memory_space<hbm>>) dst(%arg12 : memref<80xi32, #tpu.memory_space<vmem>>)
      %dma_wait3A_786 = arith.constant 0 : i32
      %dma_wait3A_787 = tpu.memref_slice %arg3[%dma_wait3A_786] : memref<320000xi32, #tpu.memory_space<hbm>> -> memref<80xi32, #tpu.memory_space<hbm>>
      %dma_wait3A_788 = arith.constant 0 : i32
      %dma_wait3A_789 = tpu.memref_slice %arg3[%dma_wait3A_788] : memref<320000xi32, #tpu.memory_space<hbm>> -> memref<80xi32, #tpu.memory_space<hbm>>
      tpu.wait_dma2 semaphore(%arg43 : memref<!tpu.dma_semaphore, #tpu.memory_space<semaphore_mem>>) src(%dma_wait3A_789 : memref<80xi32, #tpu.memory_space<hbm>>) dst(%arg8 : memref<80xi32, #tpu.memory_space<vmem>>)
      %get3A_790 = arith.constant 0 : index
      %get3A_791 = tpu.vector_load %arg12[%get3A_790] {strides = array<i32>} : memref<80xi32, #tpu.memory_space<vmem>>, vector<16xi32>,
      %get3A_792 = vector.shape_cast %get3A_791 : vector<16xi32> to vector<16xi32>
      %ge3A_793 = vector.broadcast %mul3A_5 : i32 to vector<16xi32>
      %ge3A_794 = arith.cmpi sge, %get3A_792, %ge3A_793 : vector<16xi32>
      %add3A_795 = arith.constant 5120 : i32
      %add3A_796 = arith.addi %mul3A_5, %add3A_795 : i32
      %lt3A_797 = vector.broadcast %add3A_796 : i32 to vector<16xi32>
      %lt3A_798 = arith.cmpi slt, %get3A_792, %lt3A_797 : vector<16xi32>
      %and3A_799 = arith.andi %ge3A_794, %lt3A_798 : vector<16xi1>
      %sub3A_800 = vector.broadcast %mul3A_5 : i32 to vector<16xi32>
      %sub3A_801 = arith.subi %get3A_792, %sub3A_800 : vector<16xi32>
      %jit3A_802 = arith.constant 2147483647 : i32
      %broadcast_in_dim3A_803 = vector.broadcast %jit3A_802 : i32 to vector<16xi32>
      %select_n3A_804 = arith.select %and3A_799, %sub3A_801, %broadcast_in_dim3A_803 : vector<16xi1>, vector<16xi32>
      %swap3A_805 = arith.constant 0 : index
      %swap3A_806 = tpu.vector_load %arg20[%swap3A_805] {strides = array<i32>} : memref<80xi32, #tpu.memory_space<vmem>>, vector<16xi32>,
      %swap3A_807 = vector.shape_cast %swap3A_806 : vector<16xi32> to vector<16xi32>
      %swap3A_808 = vector.shape_cast %select_n3A_804 : vector<16xi32> to vector<16xi32>
      tpu.vector_store %arg20[%swap3A_805], %swap3A_808 {strides = array<i32>} : memref<80xi32, #tpu.memory_space<vmem>>, vector<16xi32>,
      %swap3A_809 = arith.constant 0 : index
      %swap3A_810 = tpu.vector_load %arg24[%swap3A_809] {strides = array<i32>} : memref<32xi32, #tpu.memory_space<vmem>>, vector<16xi32>,
      %swap3A_811 = vector.shape_cast %swap3A_810 : vector<16xi32> to vector<16xi32>
      %swap3A_812 = vector.shape_cast %select_n3A_804 : vector<16xi32> to vector<16xi32>
      tpu.vector_store %arg24[%swap3A_809], %swap3A_812 {strides = array<i32>} : memref<32xi32, #tpu.memory_space<vmem>>, vector<16xi32>,
      %get3A_813 = arith.constant 0 : index
      %get3A_814 = tpu.vector_load %arg8[%get3A_813] {strides = array<i32>} : memref<80xi32, #tpu.memory_space<vmem>>, vector<16xi32>,
      %get3A_815 = vector.shape_cast %get3A_814 : vector<16xi32> to vector<16xi32>
      %jit3A_816 = arith.constant 2147483647 : i32
      %broadcast_in_dim3A_817 = vector.broadcast %jit3A_816 : i32 to vector<16xi32>
      %select_n3A_818 = arith.select %and3A_799, %get3A_815, %broadcast_in_dim3A_817 : vector<16xi1>, vector<16xi32>
      %swap3A_819 = arith.constant 0 : index
      %swap3A_820 = tpu.vector_load %arg16[%swap3A_819] {strides = array<i32>} : memref<80xi32, #tpu.memory_space<vmem>>, vector<16xi32>,
      %swap3A_821 = vector.shape_cast %swap3A_820 : vector<16xi32> to vector<16xi32>
      %swap3A_822 = vector.shape_cast %select_n3A_818 : vector<16xi32> to vector<16xi32>
      tpu.vector_store %arg16[%swap3A_819], %swap3A_822 {strides = array<i32>} : memref<80xi32, #tpu.memory_space<vmem>>, vector<16xi32>,
      %get3A_823 = arith.constant 16 : index
      %get3A_824 = tpu.vector_load %arg12[%get3A_823] {strides = array<i32>} : memref<80xi32, #tpu.memory_space<vmem>>, vector<16xi32>,
      %get3A_825 = vector.shape_cast %get3A_824 : vector<16xi32> to vector<16xi32>
      %ge3A_826 = vector.broadcast %mul3A_5 : i32 to vector<16xi32>
      %ge3A_827 = arith.cmpi sge, %get3A_825, %ge3A_826 : vector<16xi32>
      %add3A_828 = arith.constant 5120 : i32
      %add3A_829 = arith.addi %mul3A_5, %add3A_828 : i32
      %lt3A_830 = vector.broadcast %add3A_829 : i32 to vector<16xi32>
      %lt3A_831 = arith.cmpi slt, %get3A_825, %lt3A_830 : vector<16xi32>
      %and3A_832 = arith.andi %ge3A_827, %lt3A_831 : vector<16xi1>
      %sub3A_833 = vector.broadcast %mul3A_5 : i32 to vector<16xi32>
      %sub3A_834 = arith.subi %get3A_825, %sub3A_833 : vector<16xi32>
      %jit3A_835 = arith.constant 2147483647 : i32
      %broadcast_in_dim3A_836 = vector.broadcast %jit3A_835 : i32 to vector<16xi32>
      %select_n3A_837 = arith.select %and3A_832, %sub3A_834, %broadcast_in_dim3A_836 : vector<16xi1>, vector<16xi32>
      %swap3A_838 = arith.constant 16 : index
      %swap3A_839 = tpu.vector_load %arg20[%swap3A_838] {strides = array<i32>} : memref<80xi32, #tpu.memory_space<vmem>>, vector<16xi32>,
      %swap3A_840 = vector.shape_cast %swap3A_839 : vector<16xi32> to vector<16xi32>
      %swap3A_841 = vector.shape_cast %select_n3A_837 : vector<16xi32> to vector<16xi32>
      tpu.vector_store %arg20[%swap3A_838], %swap3A_841 {strides = array<i32>} : memref<80xi32, #tpu.memory_space<vmem>>, vector<16xi32>,
      %swap3A_842 = arith.constant 16 : index
      %swap3A_843 = tpu.vector_load %arg24[%swap3A_842] {strides = array<i32>} : memref<32xi32, #tpu.memory_space<vmem>>, vector<16xi32>,
      %swap3A_844 = vector.shape_cast %swap3A_843 : vector<16xi32> to vector<16xi32>
      %swap3A_845 = vector.shape_cast %select_n3A_837 : vector<16xi32> to vector<16xi32>
      tpu.vector_store %arg24[%swap3A_842], %swap3A_845 {strides = array<i32>} : memref<32xi32, #tpu.memory_space<vmem>>, vector<16xi32>,
      %get3A_846 = arith.constant 16 : index
      %get3A_847 = tpu.vector_load %arg8[%get3A_846] {strides = array<i32>} : memref<80xi32, #tpu.memory_space<vmem>>, vector<16xi32>,
      %get3A_848 = vector.shape_cast %get3A_847 : vector<16xi32> to vector<16xi32>
      %jit3A_849 = arith.constant 2147483647 : i32
      %broadcast_in_dim3A_850 = vector.broadcast %jit3A_849 : i32 to vector<16xi32>
      %select_n3A_851 = arith.select %and3A_832, %get3A_848, %broadcast_in_dim3A_850 : vector<16xi1>, vector<16xi32>
      %swap3A_852 = arith.constant 16 : index
      %swap3A_853 = tpu.vector_load %arg16[%swap3A_852] {strides = array<i32>} : memref<80xi32, #tpu.memory_space<vmem>>, vector<16xi32>,
      %swap3A_854 = vector.shape_cast %swap3A_853 : vector<16xi32> to vector<16xi32>
      %swap3A_855 = vector.shape_cast %select_n3A_851 : vector<16xi32> to vector<16xi32>
      tpu.vector_store %arg16[%swap3A_852], %swap3A_855 {strides = array<i32>} : memref<80xi32, #tpu.memory_space<vmem>>, vector<16xi32>,
      %get3A_856 = arith.constant 32 : index
      %get3A_857 = tpu.vector_load %arg12[%get3A_856] {strides = array<i32>} : memref<80xi32, #tpu.memory_space<vmem>>, vector<16xi32>,
      %get3A_858 = vector.shape_cast %get3A_857 : vector<16xi32> to vector<16xi32>
      %ge3A_859 = vector.broadcast %mul3A_5 : i32 to vector<16xi32>
      %ge3A_860 = arith.cmpi sge, %get3A_858, %ge3A_859 : vector<16xi32>
      %add3A_861 = arith.constant 5120 : i32
      %add3A_862 = arith.addi %mul3A_5, %add3A_861 : i32
      %lt3A_863 = vector.broadcast %add3A_862 : i32 to vector<16xi32>
      %lt3A_864 = arith.cmpi slt, %get3A_858, %lt3A_863 : vector<16xi32>
      %and3A_865 = arith.andi %ge3A_860, %lt3A_864 : vector<16xi1>
      %sub3A_866 = vector.broadcast %mul3A_5 : i32 to vector<16xi32>
      %sub3A_867 = arith.subi %get3A_858, %sub3A_866 : vector<16xi32>
      %jit3A_868 = arith.constant 2147483647 : i32
      %broadcast_in_dim3A_869 = vector.broadcast %jit3A_868 : i32 to vector<16xi32>
      %select_n3A_870 = arith.select %and3A_865, %sub3A_867, %broadcast_in_dim3A_869 : vector<16xi1>, vector<16xi32>
      %swap3A_871 = arith.constant 32 : index
      %swap3A_872 = tpu.vector_load %arg20[%swap3A_871] {strides = array<i32>} : memref<80xi32, #tpu.memory_space<vmem>>, vector<16xi32>,
      %swap3A_873 = vector.shape_cast %swap3A_872 : vector<16xi32> to vector<16xi32>
      %swap3A_874 = vector.shape_cast %select_n3A_870 : vector<16xi32> to vector<16xi32>
      tpu.vector_store %arg20[%swap3A_871], %swap3A_874 {strides = array<i32>} : memref<80xi32, #tpu.memory_space<vmem>>, vector<16xi32>,
      %swap3A_875 = arith.constant 0 : index
      %swap3A_876 = tpu.vector_load %arg28[%swap3A_875] {strides = array<i32>} : memref<32xi32, #tpu.memory_space<vmem>>, vector<16xi32>,
      %swap3A_877 = vector.shape_cast %swap3A_876 : vector<16xi32> to vector<16xi32>
      %swap3A_878 = vector.shape_cast %select_n3A_870 : vector<16xi32> to vector<16xi32>
      tpu.vector_store %arg28[%swap3A_875], %swap3A_878 {strides = array<i32>} : memref<32xi32, #tpu.memory_space<vmem>>, vector<16xi32>,
      %get3A_879 = arith.constant 32 : index
      %get3A_880 = tpu.vector_load %arg8[%get3A_879] {strides = array<i32>} : memref<80xi32, #tpu.memory_space<vmem>>, vector<16xi32>,
      %get3A_881 = vector.shape_cast %get3A_880 : vector<16xi32> to vector<16xi32>
      %jit3A_882 = arith.constant 2147483647 : i32
      %broadcast_in_dim3A_883 = vector.broadcast %jit3A_882 : i32 to vector<16xi32>
      %select_n3A_884 = arith.select %and3A_865, %get3A_881, %broadcast_in_dim3A_883 : vector<16xi1>, vector<16xi32>
      %swap3A_885 = arith.constant 32 : index
      %swap3A_886 = tpu.vector_load %arg16[%swap3A_885] {strides = array<i32>} : memref<80xi32, #tpu.memory_space<vmem>>, vector<16xi32>,
      %swap3A_887 = vector.shape_cast %swap3A_886 : vector<16xi32> to vector<16xi32>
      %swap3A_888 = vector.shape_cast %select_n3A_884 : vector<16xi32> to vector<16xi32>
      tpu.vector_store %arg16[%swap3A_885], %swap3A_888 {strides = array<i32>} : memref<80xi32, #tpu.memory_space<vmem>>, vector<16xi32>,
      %get3A_889 = arith.constant 48 : index
      %get3A_890 = tpu.vector_load %arg12[%get3A_889] {strides = array<i32>} : memref<80xi32, #tpu.memory_space<vmem>>, vector<16xi32>,
      %get3A_891 = vector.shape_cast %get3A_890 : vector<16xi32> to vector<16xi32>
      %ge3A_892 = vector.broadcast %mul3A_5 : i32 to vector<16xi32>
      %ge3A_893 = arith.cmpi sge, %get3A_891, %ge3A_892 : vector<16xi32>
      %add3A_894 = arith.constant 5120 : i32
      %add3A_895 = arith.addi %mul3A_5, %add3A_894 : i32
      %lt3A_896 = vector.broadcast %add3A_895 : i32 to vector<16xi32>
      %lt3A_897 = arith.cmpi slt, %get3A_891, %lt3A_896 : vector<16xi32>
      %and3A_898 = arith.andi %ge3A_893, %lt3A_897 : vector<16xi1>
      %sub3A_899 = vector.broadcast %mul3A_5 : i32 to vector<16xi32>
      %sub3A_900 = arith.subi %get3A_891, %sub3A_899 : vector<16xi32>
      %jit3A_901 = arith.constant 2147483647 : i32
      %broadcast_in_dim3A_902 = vector.broadcast %jit3A_901 : i32 to vector<16xi32>
      %select_n3A_903 = arith.select %and3A_898, %sub3A_900, %broadcast_in_dim3A_902 : vector<16xi1>, vector<16xi32>
      %swap3A_904 = arith.constant 48 : index
      %swap3A_905 = tpu.vector_load %arg20[%swap3A_904] {strides = array<i32>} : memref<80xi32, #tpu.memory_space<vmem>>, vector<16xi32>,
      %swap3A_906 = vector.shape_cast %swap3A_905 : vector<16xi32> to vector<16xi32>
      %swap3A_907 = vector.shape_cast %select_n3A_903 : vector<16xi32> to vector<16xi32>
      tpu.vector_store %arg20[%swap3A_904], %swap3A_907 {strides = array<i32>} : memref<80xi32, #tpu.memory_space<vmem>>, vector<16xi32>,
      %swap3A_908 = arith.constant 16 : index
      %swap3A_909 = tpu.vector_load %arg28[%swap3A_908] {strides = array<i32>} : memref<32xi32, #tpu.memory_space<vmem>>, vector<16xi32>,
      %swap3A_910 = vector.shape_cast %swap3A_909 : vector<16xi32> to vector<16xi32>
      %swap3A_911 = vector.shape_cast %select_n3A_903 : vector<16xi32> to vector<16xi32>
      tpu.vector_store %arg28[%swap3A_908], %swap3A_911 {strides = array<i32>} : memref<32xi32, #tpu.memory_space<vmem>>, vector<16xi32>,
      %get3A_912 = arith.constant 48 : index
      %get3A_913 = tpu.vector_load %arg8[%get3A_912] {strides = array<i32>} : memref<80xi32, #tpu.memory_space<vmem>>, vector<16xi32>,
      %get3A_914 = vector.shape_cast %get3A_913 : vector<16xi32> to vector<16xi32>
      %jit3A_915 = arith.constant 2147483647 : i32
      %broadcast_in_dim3A_916 = vector.broadcast %jit3A_915 : i32 to vector<16xi32>
      %select_n3A_917 = arith.select %and3A_898, %get3A_914, %broadcast_in_dim3A_916 : vector<16xi1>, vector<16xi32>
      %swap3A_918 = arith.constant 48 : index
      %swap3A_919 = tpu.vector_load %arg16[%swap3A_918] {strides = array<i32>} : memref<80xi32, #tpu.memory_space<vmem>>, vector<16xi32>,
      %swap3A_920 = vector.shape_cast %swap3A_919 : vector<16xi32> to vector<16xi32>
      %swap3A_921 = vector.shape_cast %select_n3A_917 : vector<16xi32> to vector<16xi32>
      tpu.vector_store %arg16[%swap3A_918], %swap3A_921 {strides = array<i32>} : memref<80xi32, #tpu.memory_space<vmem>>, vector<16xi32>,
      %get3A_922 = arith.constant 64 : index
      %get3A_923 = tpu.vector_load %arg12[%get3A_922] {strides = array<i32>} : memref<80xi32, #tpu.memory_space<vmem>>, vector<16xi32>,
      %get3A_924 = vector.shape_cast %get3A_923 : vector<16xi32> to vector<16xi32>
      %ge3A_925 = vector.broadcast %mul3A_5 : i32 to vector<16xi32>
      %ge3A_926 = arith.cmpi sge, %get3A_924, %ge3A_925 : vector<16xi32>
      %add3A_927 = arith.constant 5120 : i32
      %add3A_928 = arith.addi %mul3A_5, %add3A_927 : i32
      %lt3A_929 = vector.broadcast %add3A_928 : i32 to vector<16xi32>
      %lt3A_930 = arith.cmpi slt, %get3A_924, %lt3A_929 : vector<16xi32>
      %and3A_931 = arith.andi %ge3A_926, %lt3A_930 : vector<16xi1>
      %sub3A_932 = vector.broadcast %mul3A_5 : i32 to vector<16xi32>
      %sub3A_933 = arith.subi %get3A_924, %sub3A_932 : vector<16xi32>
      %jit3A_934 = arith.constant 2147483647 : i32
      %broadcast_in_dim3A_935 = vector.broadcast %jit3A_934 : i32 to vector<16xi32>
      %select_n3A_936 = arith.select %and3A_931, %sub3A_933, %broadcast_in_dim3A_935 : vector<16xi1>, vector<16xi32>
      %swap3A_937 = arith.constant 64 : index
      %swap3A_938 = tpu.vector_load %arg20[%swap3A_937] {strides = array<i32>} : memref<80xi32, #tpu.memory_space<vmem>>, vector<16xi32>,
      %swap3A_939 = vector.shape_cast %swap3A_938 : vector<16xi32> to vector<16xi32>
      %swap3A_940 = vector.shape_cast %select_n3A_936 : vector<16xi32> to vector<16xi32>
      tpu.vector_store %arg20[%swap3A_937], %swap3A_940 {strides = array<i32>} : memref<80xi32, #tpu.memory_space<vmem>>, vector<16xi32>,
      %swap3A_941 = arith.constant 0 : index
      %swap3A_942 = tpu.vector_load %arg32[%swap3A_941] {strides = array<i32>} : memref<16xi32, #tpu.memory_space<vmem>>, vector<16xi32>,
      %swap3A_943 = vector.shape_cast %swap3A_942 : vector<16xi32> to vector<16xi32>
      %swap3A_944 = vector.shape_cast %select_n3A_936 : vector<16xi32> to vector<16xi32>
      tpu.vector_store %arg32[%swap3A_941], %swap3A_944 {strides = array<i32>} : memref<16xi32, #tpu.memory_space<vmem>>, vector<16xi32>,
      %get3A_945 = arith.constant 64 : index
      %get3A_946 = tpu.vector_load %arg8[%get3A_945] {strides = array<i32>} : memref<80xi32, #tpu.memory_space<vmem>>, vector<16xi32>,
      %get3A_947 = vector.shape_cast %get3A_946 : vector<16xi32> to vector<16xi32>
      %jit3A_948 = arith.constant 2147483647 : i32
      %broadcast_in_dim3A_949 = vector.broadcast %jit3A_948 : i32 to vector<16xi32>
      %select_n3A_950 = arith.select %and3A_931, %get3A_947, %broadcast_in_dim3A_949 : vector<16xi1>, vector<16xi32>
      %swap3A_951 = arith.constant 64 : index
      %swap3A_952 = tpu.vector_load %arg16[%swap3A_951] {strides = array<i32>} : memref<80xi32, #tpu.memory_space<vmem>>, vector<16xi32>,
      %swap3A_953 = vector.shape_cast %swap3A_952 : vector<16xi32> to vector<16xi32>
      %swap3A_954 = vector.shape_cast %select_n3A_950 : vector<16xi32> to vector<16xi32>
      tpu.vector_store %arg16[%swap3A_951], %swap3A_954 {strides = array<i32>} : memref<80xi32, #tpu.memory_space<vmem>>, vector<16xi32>,
      %dma_start3A_955 = arith.constant 0 : i32
      %dma_start3A_956 = arith.constant 0 : i32
      %dma_start3A_957 = tpu.memref_slice %arg2[%dma_start3A_955, %dma_start3A_956] : memref<10000x128xf32, #tpu.memory_space<hbm>> -> memref<10000x128xf32, #tpu.memory_space<hbm>>
      %dma_start3A_958 = arith.constant 2147483647 : i32
      tpu.enqueue_indirect_dma source(%dma_start3A_957 : memref<10000x128xf32, #tpu.memory_space<hbm>>) target(%arg36 : memref<80x128xf32, #tpu.memory_space<vmem>>) offsets(%arg16 : memref<80xi32, #tpu.memory_space<vmem>>) offset_filter(%dma_start3A_958) semaphore(%arg47 : memref<!tpu.dma_semaphore, #tpu.memory_space<semaphore_mem>>)
      %ge3A_959 = arith.constant 1 : i32
      %ge3A_960 = arith.cmpi sge, %add3A_565, %ge3A_959 : i32
      %convert_element_type3A_961 = arith.extui %ge3A_960 : i1 to i32
      %cond3A_962 = arith.constant 0 : i32
      %cond3A_963 = arith.cmpi ne, %convert_element_type3A_961, %cond3A_962 : i32
      scf.if %cond3A_963 {
        %dma_wait3A_1398 = arith.constant 0 : i32
        %dma_wait3A_1399 = arith.constant 0 : i32
        %dma_wait3A_1400 = tpu.memref_slice %arg2[%dma_wait3A_1398, %dma_wait3A_1399] : memref<10000x128xf32, #tpu.memory_space<hbm>> -> memref<10000x128xf32, #tpu.memory_space<hbm>>
        tpu.wait_indirect_dma semaphore(%arg49 : memref<!tpu.dma_semaphore, #tpu.memory_space<semaphore_mem>>) src(%dma_wait3A_1400 : memref<10000x128xf32, #tpu.memory_space<hbm>>) dst(%arg38 : memref<80x128xf32, #tpu.memory_space<vmem>>)
        %dma_start3A_1401 = arith.constant 0 : i32
        %dma_start3A_1402 = arith.constant 0 : i32
        %dma_start3A_1403 = tpu.memref_slice %arg40[%dma_start3A_1401, %dma_start3A_1402] : memref<5120x128xf32, #tpu.memory_space<vmem_shared>> -> memref<5120x128xf32, #tpu.memory_space<vmem_shared>>
        %dma_start3A_1404 = arith.constant 2147483647 : i32
        tpu.enqueue_indirect_dma source(%arg38 : memref<80x128xf32, #tpu.memory_space<vmem>>) target(%dma_start3A_1403 : memref<5120x128xf32, #tpu.memory_space<vmem_shared>>) offsets(%arg22 : memref<80xi32, #tpu.memory_space<vmem>>) offset_filter(%dma_start3A_1404) semaphore(%arg53 : memref<!tpu.dma_semaphore, #tpu.memory_space<semaphore_mem>>) {add = true}
        %dma_start3A_1405 = arith.constant 0 : i32
        %dma_start3A_1406 = arith.constant 0 : i32
        %dma_start3A_1407 = tpu.memref_slice %arg41[%dma_start3A_1405, %dma_start3A_1406] : memref<5120x128xf32, #tpu.memory_space<vmem_shared>> -> memref<5120x128xf32, #tpu.memory_space<vmem_shared>>
        %dma_start3A_1408 = arith.constant 2147483647 : i32
        tpu.enqueue_indirect_dma source(%arg39 : memref<32x128xf32, #tpu.memory_space<vmem>>) target(%dma_start3A_1407 : memref<5120x128xf32, #tpu.memory_space<vmem_shared>>) offsets(%arg26 : memref<32xi32, #tpu.memory_space<vmem>>) offset_filter(%dma_start3A_1408) semaphore(%arg57 : memref<!tpu.dma_semaphore, #tpu.memory_space<semaphore_mem>>) {add = true}
        %dma_start3A_1409 = arith.constant 0 : i32
        %dma_start3A_1410 = arith.constant 0 : i32
        %dma_start3A_1411 = tpu.memref_slice %arg41[%dma_start3A_1409, %dma_start3A_1410] : memref<5120x128xf32, #tpu.memory_space<vmem_shared>> -> memref<5120x128xf32, #tpu.memory_space<vmem_shared>>
        %dma_start3A_1412 = arith.constant 2147483647 : i32
        tpu.enqueue_indirect_dma source(%arg39 : memref<32x128xf32, #tpu.memory_space<vmem>>) target(%dma_start3A_1411 : memref<5120x128xf32, #tpu.memory_space<vmem_shared>>) offsets(%arg30 : memref<32xi32, #tpu.memory_space<vmem>>) offset_filter(%dma_start3A_1412) semaphore(%arg57 : memref<!tpu.dma_semaphore, #tpu.memory_space<semaphore_mem>>) {add = true}
        %dma_start3A_1413 = arith.constant 0 : i32
        %dma_start3A_1414 = arith.constant 0 : i32
        %dma_start3A_1415 = tpu.memref_slice %arg39[%dma_start3A_1413, %dma_start3A_1414] : memref<32x128xf32, #tpu.memory_space<vmem>> -> memref<16x128xf32, #tpu.memory_space<vmem>>
        %dma_start3A_1416 = arith.constant 0 : i32
        %dma_start3A_1417 = arith.constant 0 : i32
        %dma_start3A_1418 = tpu.memref_slice %arg41[%dma_start3A_1416, %dma_start3A_1417] : memref<5120x128xf32, #tpu.memory_space<vmem_shared>> -> memref<5120x128xf32, #tpu.memory_space<vmem_shared>>
        %dma_start3A_1419 = arith.constant 2147483647 : i32
        tpu.enqueue_indirect_dma source(%dma_start3A_1415 : memref<16x128xf32, #tpu.memory_space<vmem>>) target(%dma_start3A_1418 : memref<5120x128xf32, #tpu.memory_space<vmem_shared>>) offsets(%arg34 : memref<16xi32, #tpu.memory_space<vmem>>) offset_filter(%dma_start3A_1419) semaphore(%arg57 : memref<!tpu.dma_semaphore, #tpu.memory_space<semaphore_mem>>) {add = true}
      } else {
      }
      %mul3A_964 = arith.constant 4 : i32
      %mul3A_965 = arith.muli %add3A_565, %mul3A_964 : i32
      %add3A_966 = arith.constant 2 : i32
      %add3A_967 = arith.addi %mul3A_965, %add3A_966 : i32
      %ge3A_968 = arith.constant 1 : i32
      %ge3A_969 = arith.cmpi sge, %add3A_565, %ge3A_968 : i32
      %convert_element_type3A_970 = arith.extui %ge3A_969 : i1 to i32
      %cond3A_971 = arith.constant 0 : i32
      %cond3A_972 = arith.cmpi ne, %convert_element_type3A_970, %cond3A_971 : i32
      scf.if %cond3A_972 {
        %dma_wait3A_1398 = arith.constant 0 : i32
        %dma_wait3A_1399 = arith.constant 0 : i32
        %dma_wait3A_1400 = tpu.memref_slice %arg40[%dma_wait3A_1398, %dma_wait3A_1399] : memref<5120x128xf32, #tpu.memory_space<vmem_shared>> -> memref<5120x128xf32, #tpu.memory_space<vmem_shared>>
        tpu.wait_indirect_dma semaphore(%arg52 : memref<!tpu.dma_semaphore, #tpu.memory_space<semaphore_mem>>) src(%arg37 : memref<80x128xf32, #tpu.memory_space<vmem>>) dst(%dma_wait3A_1400 : memref<5120x128xf32, #tpu.memory_space<vmem_shared>>)
        %dma_wait3A_1401 = arith.constant 0 : i32
        %dma_wait3A_1402 = arith.constant 0 : i32
        %dma_wait3A_1403 = tpu.memref_slice %arg41[%dma_wait3A_1401, %dma_wait3A_1402] : memref<5120x128xf32, #tpu.memory_space<vmem_shared>> -> memref<5120x128xf32, #tpu.memory_space<vmem_shared>>
        tpu.wait_indirect_dma semaphore(%arg56 : memref<!tpu.dma_semaphore, #tpu.memory_space<semaphore_mem>>) src(%arg39 : memref<32x128xf32, #tpu.memory_space<vmem>>) dst(%dma_wait3A_1403 : memref<5120x128xf32, #tpu.memory_space<vmem_shared>>)
        %dma_wait3A_1404 = arith.constant 0 : i32
        %dma_wait3A_1405 = arith.constant 0 : i32
        %dma_wait3A_1406 = tpu.memref_slice %arg41[%dma_wait3A_1404, %dma_wait3A_1405] : memref<5120x128xf32, #tpu.memory_space<vmem_shared>> -> memref<5120x128xf32, #tpu.memory_space<vmem_shared>>
        tpu.wait_indirect_dma semaphore(%arg56 : memref<!tpu.dma_semaphore, #tpu.memory_space<semaphore_mem>>) src(%arg39 : memref<32x128xf32, #tpu.memory_space<vmem>>) dst(%dma_wait3A_1406 : memref<5120x128xf32, #tpu.memory_space<vmem_shared>>)
        %dma_wait3A_1407 = arith.constant 0 : i32
        %dma_wait3A_1408 = arith.constant 0 : i32
        %dma_wait3A_1409 = tpu.memref_slice %arg39[%dma_wait3A_1407, %dma_wait3A_1408] : memref<32x128xf32, #tpu.memory_space<vmem>> -> memref<16x128xf32, #tpu.memory_space<vmem>>
        %dma_wait3A_1410 = arith.constant 0 : i32
        %dma_wait3A_1411 = arith.constant 0 : i32
        %dma_wait3A_1412 = tpu.memref_slice %arg41[%dma_wait3A_1410, %dma_wait3A_1411] : memref<5120x128xf32, #tpu.memory_space<vmem_shared>> -> memref<5120x128xf32, #tpu.memory_space<vmem_shared>>
        tpu.wait_indirect_dma semaphore(%arg56 : memref<!tpu.dma_semaphore, #tpu.memory_space<semaphore_mem>>) src(%dma_wait3A_1409 : memref<16x128xf32, #tpu.memory_space<vmem>>) dst(%dma_wait3A_1412 : memref<5120x128xf32, #tpu.memory_space<vmem_shared>>)
      } else {
      }
      %add3A_973 = arith.constant 2 : i32
      %add3A_974 = arith.addi %add3A_967, %add3A_973 : i32
      %mul3A_975 = arith.constant 80 : i32
      %mul3A_976 = arith.muli %add3A_974, %mul3A_975 : i32
      %add3A_977 = arith.addi %mul3A_7, %mul3A_976 : i32
      %dma_start3A_978 = tpu.memref_slice %arg4[%add3A_977] : memref<320000xi32, #tpu.memory_space<hbm>> -> memref<80xi32, #tpu.memory_space<hbm>>
      %dma_start3A_979 = tpu.memref_slice %arg4[%add3A_977] : memref<320000xi32, #tpu.memory_space<hbm>> -> memref<80xi32, #tpu.memory_space<hbm>>
      tpu.enqueue_dma source(%dma_start3A_979 : memref<80xi32, #tpu.memory_space<hbm>>) target(%arg11 : memref<80xi32, #tpu.memory_space<vmem>>) target_semaphore(%arg42 : memref<!tpu.dma_semaphore, #tpu.memory_space<semaphore_mem>>)
      %dma_start3A_980 = tpu.memref_slice %arg3[%add3A_977] : memref<320000xi32, #tpu.memory_space<hbm>> -> memref<80xi32, #tpu.memory_space<hbm>>
      %dma_start3A_981 = tpu.memref_slice %arg3[%add3A_977] : memref<320000xi32, #tpu.memory_space<hbm>> -> memref<80xi32, #tpu.memory_space<hbm>>
      tpu.enqueue_dma source(%dma_start3A_981 : memref<80xi32, #tpu.memory_space<hbm>>) target(%arg7 : memref<80xi32, #tpu.memory_space<vmem>>) target_semaphore(%arg42 : memref<!tpu.dma_semaphore, #tpu.memory_space<semaphore_mem>>)
      %dma_wait3A_982 = arith.constant 0 : i32
      %dma_wait3A_983 = tpu.memref_slice %arg4[%dma_wait3A_982] : memref<320000xi32, #tpu.memory_space<hbm>> -> memref<80xi32, #tpu.memory_space<hbm>>
      %dma_wait3A_984 = arith.constant 0 : i32
      %dma_wait3A_985 = tpu.memref_slice %arg4[%dma_wait3A_984] : memref<320000xi32, #tpu.memory_space<hbm>> -> memref<80xi32, #tpu.memory_space<hbm>>
      tpu.wait_dma2 semaphore(%arg44 : memref<!tpu.dma_semaphore, #tpu.memory_space<semaphore_mem>>) src(%dma_wait3A_985 : memref<80xi32, #tpu.memory_space<hbm>>) dst(%arg13 : memref<80xi32, #tpu.memory_space<vmem>>)
      %dma_wait3A_986 = arith.constant 0 : i32
      %dma_wait3A_987 = tpu.memref_slice %arg3[%dma_wait3A_986] : memref<320000xi32, #tpu.memory_space<hbm>> -> memref<80xi32, #tpu.memory_space<hbm>>
      %dma_wait3A_988 = arith.constant 0 : i32
      %dma_wait3A_989 = tpu.memref_slice %arg3[%dma_wait3A_988] : memref<320000xi32, #tpu.memory_space<hbm>> -> memref<80xi32, #tpu.memory_space<hbm>>
      tpu.wait_dma2 semaphore(%arg44 : memref<!tpu.dma_semaphore, #tpu.memory_space<semaphore_mem>>) src(%dma_wait3A_989 : memref<80xi32, #tpu.memory_space<hbm>>) dst(%arg9 : memref<80xi32, #tpu.memory_space<vmem>>)
      %get3A_990 = arith.constant 0 : index
      %get3A_991 = tpu.vector_load %arg13[%get3A_990] {strides = array<i32>} : memref<80xi32, #tpu.memory_space<vmem>>, vector<16xi32>,
      %get3A_992 = vector.shape_cast %get3A_991 : vector<16xi32> to vector<16xi32>
      %ge3A_993 = vector.broadcast %mul3A_5 : i32 to vector<16xi32>
      %ge3A_994 = arith.cmpi sge, %get3A_992, %ge3A_993 : vector<16xi32>
      %add3A_995 = arith.constant 5120 : i32
      %add3A_996 = arith.addi %mul3A_5, %add3A_995 : i32
      %lt3A_997 = vector.broadcast %add3A_996 : i32 to vector<16xi32>
      %lt3A_998 = arith.cmpi slt, %get3A_992, %lt3A_997 : vector<16xi32>
      %and3A_999 = arith.andi %ge3A_994, %lt3A_998 : vector<16xi1>
      %sub3A_1000 = vector.broadcast %mul3A_5 : i32 to vector<16xi32>
      %sub3A_1001 = arith.subi %get3A_992, %sub3A_1000 : vector<16xi32>
      %jit3A_1002 = arith.constant 2147483647 : i32
      %broadcast_in_dim3A_1003 = vector.broadcast %jit3A_1002 : i32 to vector<16xi32>
      %select_n3A_1004 = arith.select %and3A_999, %sub3A_1001, %broadcast_in_dim3A_1003 : vector<16xi1>, vector<16xi32>
      %swap3A_1005 = arith.constant 0 : index
      %swap3A_1006 = tpu.vector_load %arg21[%swap3A_1005] {strides = array<i32>} : memref<80xi32, #tpu.memory_space<vmem>>, vector<16xi32>,
      %swap3A_1007 = vector.shape_cast %swap3A_1006 : vector<16xi32> to vector<16xi32>
      %swap3A_1008 = vector.shape_cast %select_n3A_1004 : vector<16xi32> to vector<16xi32>
      tpu.vector_store %arg21[%swap3A_1005], %swap3A_1008 {strides = array<i32>} : memref<80xi32, #tpu.memory_space<vmem>>, vector<16xi32>,
      %swap3A_1009 = arith.constant 0 : index
      %swap3A_1010 = tpu.vector_load %arg25[%swap3A_1009] {strides = array<i32>} : memref<32xi32, #tpu.memory_space<vmem>>, vector<16xi32>,
      %swap3A_1011 = vector.shape_cast %swap3A_1010 : vector<16xi32> to vector<16xi32>
      %swap3A_1012 = vector.shape_cast %select_n3A_1004 : vector<16xi32> to vector<16xi32>
      tpu.vector_store %arg25[%swap3A_1009], %swap3A_1012 {strides = array<i32>} : memref<32xi32, #tpu.memory_space<vmem>>, vector<16xi32>,
      %get3A_1013 = arith.constant 0 : index
      %get3A_1014 = tpu.vector_load %arg9[%get3A_1013] {strides = array<i32>} : memref<80xi32, #tpu.memory_space<vmem>>, vector<16xi32>,
      %get3A_1015 = vector.shape_cast %get3A_1014 : vector<16xi32> to vector<16xi32>
      %jit3A_1016 = arith.constant 2147483647 : i32
      %broadcast_in_dim3A_1017 = vector.broadcast %jit3A_1016 : i32 to vector<16xi32>
      %select_n3A_1018 = arith.select %and3A_999, %get3A_1015, %broadcast_in_dim3A_1017 : vector<16xi1>, vector<16xi32>
      %swap3A_1019 = arith.constant 0 : index
      %swap3A_1020 = tpu.vector_load %arg17[%swap3A_1019] {strides = array<i32>} : memref<80xi32, #tpu.memory_space<vmem>>, vector<16xi32>,
      %swap3A_1021 = vector.shape_cast %swap3A_1020 : vector<16xi32> to vector<16xi32>
      %swap3A_1022 = vector.shape_cast %select_n3A_1018 : vector<16xi32> to vector<16xi32>
      tpu.vector_store %arg17[%swap3A_1019], %swap3A_1022 {strides = array<i32>} : memref<80xi32, #tpu.memory_space<vmem>>, vector<16xi32>,
      %get3A_1023 = arith.constant 16 : index
      %get3A_1024 = tpu.vector_load %arg13[%get3A_1023] {strides = array<i32>} : memref<80xi32, #tpu.memory_space<vmem>>, vector<16xi32>,
      %get3A_1025 = vector.shape_cast %get3A_1024 : vector<16xi32> to vector<16xi32>
      %ge3A_1026 = vector.broadcast %mul3A_5 : i32 to vector<16xi32>
      %ge3A_1027 = arith.cmpi sge, %get3A_1025, %ge3A_1026 : vector<16xi32>
      %add3A_1028 = arith.constant 5120 : i32
      %add3A_1029 = arith.addi %mul3A_5, %add3A_1028 : i32
      %lt3A_1030 = vector.broadcast %add3A_1029 : i32 to vector<16xi32>
      %lt3A_1031 = arith.cmpi slt, %get3A_1025, %lt3A_1030 : vector<16xi32>
      %and3A_1032 = arith.andi %ge3A_1027, %lt3A_1031 : vector<16xi1>
      %sub3A_1033 = vector.broadcast %mul3A_5 : i32 to vector<16xi32>
      %sub3A_1034 = arith.subi %get3A_1025, %sub3A_1033 : vector<16xi32>
      %jit3A_1035 = arith.constant 2147483647 : i32
      %broadcast_in_dim3A_1036 = vector.broadcast %jit3A_1035 : i32 to vector<16xi32>
      %select_n3A_1037 = arith.select %and3A_1032, %sub3A_1034, %broadcast_in_dim3A_1036 : vector<16xi1>, vector<16xi32>
      %swap3A_1038 = arith.constant 16 : index
      %swap3A_1039 = tpu.vector_load %arg21[%swap3A_1038] {strides = array<i32>} : memref<80xi32, #tpu.memory_space<vmem>>, vector<16xi32>,
      %swap3A_1040 = vector.shape_cast %swap3A_1039 : vector<16xi32> to vector<16xi32>
      %swap3A_1041 = vector.shape_cast %select_n3A_1037 : vector<16xi32> to vector<16xi32>
      tpu.vector_store %arg21[%swap3A_1038], %swap3A_1041 {strides = array<i32>} : memref<80xi32, #tpu.memory_space<vmem>>, vector<16xi32>,
      %swap3A_1042 = arith.constant 16 : index
      %swap3A_1043 = tpu.vector_load %arg25[%swap3A_1042] {strides = array<i32>} : memref<32xi32, #tpu.memory_space<vmem>>, vector<16xi32>,
      %swap3A_1044 = vector.shape_cast %swap3A_1043 : vector<16xi32> to vector<16xi32>
      %swap3A_1045 = vector.shape_cast %select_n3A_1037 : vector<16xi32> to vector<16xi32>
      tpu.vector_store %arg25[%swap3A_1042], %swap3A_1045 {strides = array<i32>} : memref<32xi32, #tpu.memory_space<vmem>>, vector<16xi32>,
      %get3A_1046 = arith.constant 16 : index
      %get3A_1047 = tpu.vector_load %arg9[%get3A_1046] {strides = array<i32>} : memref<80xi32, #tpu.memory_space<vmem>>, vector<16xi32>,
      %get3A_1048 = vector.shape_cast %get3A_1047 : vector<16xi32> to vector<16xi32>
      %jit3A_1049 = arith.constant 2147483647 : i32
      %broadcast_in_dim3A_1050 = vector.broadcast %jit3A_1049 : i32 to vector<16xi32>
      %select_n3A_1051 = arith.select %and3A_1032, %get3A_1048, %broadcast_in_dim3A_1050 : vector<16xi1>, vector<16xi32>
      %swap3A_1052 = arith.constant 16 : index
      %swap3A_1053 = tpu.vector_load %arg17[%swap3A_1052] {strides = array<i32>} : memref<80xi32, #tpu.memory_space<vmem>>, vector<16xi32>,
      %swap3A_1054 = vector.shape_cast %swap3A_1053 : vector<16xi32> to vector<16xi32>
      %swap3A_1055 = vector.shape_cast %select_n3A_1051 : vector<16xi32> to vector<16xi32>
      tpu.vector_store %arg17[%swap3A_1052], %swap3A_1055 {strides = array<i32>} : memref<80xi32, #tpu.memory_space<vmem>>, vector<16xi32>,
      %get3A_1056 = arith.constant 32 : index
      %get3A_1057 = tpu.vector_load %arg13[%get3A_1056] {strides = array<i32>} : memref<80xi32, #tpu.memory_space<vmem>>, vector<16xi32>,
      %get3A_1058 = vector.shape_cast %get3A_1057 : vector<16xi32> to vector<16xi32>
      %ge3A_1059 = vector.broadcast %mul3A_5 : i32 to vector<16xi32>
      %ge3A_1060 = arith.cmpi sge, %get3A_1058, %ge3A_1059 : vector<16xi32>
      %add3A_1061 = arith.constant 5120 : i32
      %add3A_1062 = arith.addi %mul3A_5, %add3A_1061 : i32
      %lt3A_1063 = vector.broadcast %add3A_1062 : i32 to vector<16xi32>
      %lt3A_1064 = arith.cmpi slt, %get3A_1058, %lt3A_1063 : vector<16xi32>
      %and3A_1065 = arith.andi %ge3A_1060, %lt3A_1064 : vector<16xi1>
      %sub3A_1066 = vector.broadcast %mul3A_5 : i32 to vector<16xi32>
      %sub3A_1067 = arith.subi %get3A_1058, %sub3A_1066 : vector<16xi32>
      %jit3A_1068 = arith.constant 2147483647 : i32
      %broadcast_in_dim3A_1069 = vector.broadcast %jit3A_1068 : i32 to vector<16xi32>
      %select_n3A_1070 = arith.select %and3A_1065, %sub3A_1067, %broadcast_in_dim3A_1069 : vector<16xi1>, vector<16xi32>
      %swap3A_1071 = arith.constant 32 : index
      %swap3A_1072 = tpu.vector_load %arg21[%swap3A_1071] {strides = array<i32>} : memref<80xi32, #tpu.memory_space<vmem>>, vector<16xi32>,
      %swap3A_1073 = vector.shape_cast %swap3A_1072 : vector<16xi32> to vector<16xi32>
      %swap3A_1074 = vector.shape_cast %select_n3A_1070 : vector<16xi32> to vector<16xi32>
      tpu.vector_store %arg21[%swap3A_1071], %swap3A_1074 {strides = array<i32>} : memref<80xi32, #tpu.memory_space<vmem>>, vector<16xi32>,
      %swap3A_1075 = arith.constant 0 : index
      %swap3A_1076 = tpu.vector_load %arg29[%swap3A_1075] {strides = array<i32>} : memref<32xi32, #tpu.memory_space<vmem>>, vector<16xi32>,
      %swap3A_1077 = vector.shape_cast %swap3A_1076 : vector<16xi32> to vector<16xi32>
      %swap3A_1078 = vector.shape_cast %select_n3A_1070 : vector<16xi32> to vector<16xi32>
      tpu.vector_store %arg29[%swap3A_1075], %swap3A_1078 {strides = array<i32>} : memref<32xi32, #tpu.memory_space<vmem>>, vector<16xi32>,
      %get3A_1079 = arith.constant 32 : index
      %get3A_1080 = tpu.vector_load %arg9[%get3A_1079] {strides = array<i32>} : memref<80xi32, #tpu.memory_space<vmem>>, vector<16xi32>,
      %get3A_1081 = vector.shape_cast %get3A_1080 : vector<16xi32> to vector<16xi32>
      %jit3A_1082 = arith.constant 2147483647 : i32
      %broadcast_in_dim3A_1083 = vector.broadcast %jit3A_1082 : i32 to vector<16xi32>
      %select_n3A_1084 = arith.select %and3A_1065, %get3A_1081, %broadcast_in_dim3A_1083 : vector<16xi1>, vector<16xi32>
      %swap3A_1085 = arith.constant 32 : index
      %swap3A_1086 = tpu.vector_load %arg17[%swap3A_1085] {strides = array<i32>} : memref<80xi32, #tpu.memory_space<vmem>>, vector<16xi32>,
      %swap3A_1087 = vector.shape_cast %swap3A_1086 : vector<16xi32> to vector<16xi32>
      %swap3A_1088 = vector.shape_cast %select_n3A_1084 : vector<16xi32> to vector<16xi32>
      tpu.vector_store %arg17[%swap3A_1085], %swap3A_1088 {strides = array<i32>} : memref<80xi32, #tpu.memory_space<vmem>>, vector<16xi32>,
      %get3A_1089 = arith.constant 48 : index
      %get3A_1090 = tpu.vector_load %arg13[%get3A_1089] {strides = array<i32>} : memref<80xi32, #tpu.memory_space<vmem>>, vector<16xi32>,
      %get3A_1091 = vector.shape_cast %get3A_1090 : vector<16xi32> to vector<16xi32>
      %ge3A_1092 = vector.broadcast %mul3A_5 : i32 to vector<16xi32>
      %ge3A_1093 = arith.cmpi sge, %get3A_1091, %ge3A_1092 : vector<16xi32>
      %add3A_1094 = arith.constant 5120 : i32
      %add3A_1095 = arith.addi %mul3A_5, %add3A_1094 : i32
      %lt3A_1096 = vector.broadcast %add3A_1095 : i32 to vector<16xi32>
      %lt3A_1097 = arith.cmpi slt, %get3A_1091, %lt3A_1096 : vector<16xi32>
      %and3A_1098 = arith.andi %ge3A_1093, %lt3A_1097 : vector<16xi1>
      %sub3A_1099 = vector.broadcast %mul3A_5 : i32 to vector<16xi32>
      %sub3A_1100 = arith.subi %get3A_1091, %sub3A_1099 : vector<16xi32>
      %jit3A_1101 = arith.constant 2147483647 : i32
      %broadcast_in_dim3A_1102 = vector.broadcast %jit3A_1101 : i32 to vector<16xi32>
      %select_n3A_1103 = arith.select %and3A_1098, %sub3A_1100, %broadcast_in_dim3A_1102 : vector<16xi1>, vector<16xi32>
      %swap3A_1104 = arith.constant 48 : index
      %swap3A_1105 = tpu.vector_load %arg21[%swap3A_1104] {strides = array<i32>} : memref<80xi32, #tpu.memory_space<vmem>>, vector<16xi32>,
      %swap3A_1106 = vector.shape_cast %swap3A_1105 : vector<16xi32> to vector<16xi32>
      %swap3A_1107 = vector.shape_cast %select_n3A_1103 : vector<16xi32> to vector<16xi32>
      tpu.vector_store %arg21[%swap3A_1104], %swap3A_1107 {strides = array<i32>} : memref<80xi32, #tpu.memory_space<vmem>>, vector<16xi32>,
      %swap3A_1108 = arith.constant 16 : index
      %swap3A_1109 = tpu.vector_load %arg29[%swap3A_1108] {strides = array<i32>} : memref<32xi32, #tpu.memory_space<vmem>>, vector<16xi32>,
      %swap3A_1110 = vector.shape_cast %swap3A_1109 : vector<16xi32> to vector<16xi32>
      %swap3A_1111 = vector.shape_cast %select_n3A_1103 : vector<16xi32> to vector<16xi32>
      tpu.vector_store %arg29[%swap3A_1108], %swap3A_1111 {strides = array<i32>} : memref<32xi32, #tpu.memory_space<vmem>>, vector<16xi32>,
      %get3A_1112 = arith.constant 48 : index
      %get3A_1113 = tpu.vector_load %arg9[%get3A_1112] {strides = array<i32>} : memref<80xi32, #tpu.memory_space<vmem>>, vector<16xi32>,
      %get3A_1114 = vector.shape_cast %get3A_1113 : vector<16xi32> to vector<16xi32>
      %jit3A_1115 = arith.constant 2147483647 : i32
      %broadcast_in_dim3A_1116 = vector.broadcast %jit3A_1115 : i32 to vector<16xi32>
      %select_n3A_1117 = arith.select %and3A_1098, %get3A_1114, %broadcast_in_dim3A_1116 : vector<16xi1>, vector<16xi32>
      %swap3A_1118 = arith.constant 48 : index
      %swap3A_1119 = tpu.vector_load %arg17[%swap3A_1118] {strides = array<i32>} : memref<80xi32, #tpu.memory_space<vmem>>, vector<16xi32>,
      %swap3A_1120 = vector.shape_cast %swap3A_1119 : vector<16xi32> to vector<16xi32>
      %swap3A_1121 = vector.shape_cast %select_n3A_1117 : vector<16xi32> to vector<16xi32>
      tpu.vector_store %arg17[%swap3A_1118], %swap3A_1121 {strides = array<i32>} : memref<80xi32, #tpu.memory_space<vmem>>, vector<16xi32>,
      %get3A_1122 = arith.constant 64 : index
      %get3A_1123 = tpu.vector_load %arg13[%get3A_1122] {strides = array<i32>} : memref<80xi32, #tpu.memory_space<vmem>>, vector<16xi32>,
      %get3A_1124 = vector.shape_cast %get3A_1123 : vector<16xi32> to vector<16xi32>
      %ge3A_1125 = vector.broadcast %mul3A_5 : i32 to vector<16xi32>
      %ge3A_1126 = arith.cmpi sge, %get3A_1124, %ge3A_1125 : vector<16xi32>
      %add3A_1127 = arith.constant 5120 : i32
      %add3A_1128 = arith.addi %mul3A_5, %add3A_1127 : i32
      %lt3A_1129 = vector.broadcast %add3A_1128 : i32 to vector<16xi32>
      %lt3A_1130 = arith.cmpi slt, %get3A_1124, %lt3A_1129 : vector<16xi32>
      %and3A_1131 = arith.andi %ge3A_1126, %lt3A_1130 : vector<16xi1>
      %sub3A_1132 = vector.broadcast %mul3A_5 : i32 to vector<16xi32>
      %sub3A_1133 = arith.subi %get3A_1124, %sub3A_1132 : vector<16xi32>
      %jit3A_1134 = arith.constant 2147483647 : i32
      %broadcast_in_dim3A_1135 = vector.broadcast %jit3A_1134 : i32 to vector<16xi32>
      %select_n3A_1136 = arith.select %and3A_1131, %sub3A_1133, %broadcast_in_dim3A_1135 : vector<16xi1>, vector<16xi32>
      %swap3A_1137 = arith.constant 64 : index
      %swap3A_1138 = tpu.vector_load %arg21[%swap3A_1137] {strides = array<i32>} : memref<80xi32, #tpu.memory_space<vmem>>, vector<16xi32>,
      %swap3A_1139 = vector.shape_cast %swap3A_1138 : vector<16xi32> to vector<16xi32>
      %swap3A_1140 = vector.shape_cast %select_n3A_1136 : vector<16xi32> to vector<16xi32>
      tpu.vector_store %arg21[%swap3A_1137], %swap3A_1140 {strides = array<i32>} : memref<80xi32, #tpu.memory_space<vmem>>, vector<16xi32>,
      %swap3A_1141 = arith.constant 0 : index
      %swap3A_1142 = tpu.vector_load %arg33[%swap3A_1141] {strides = array<i32>} : memref<16xi32, #tpu.memory_space<vmem>>, vector<16xi32>,
      %swap3A_1143 = vector.shape_cast %swap3A_1142 : vector<16xi32> to vector<16xi32>
      %swap3A_1144 = vector.shape_cast %select_n3A_1136 : vector<16xi32> to vector<16xi32>
      tpu.vector_store %arg33[%swap3A_1141], %swap3A_1144 {strides = array<i32>} : memref<16xi32, #tpu.memory_space<vmem>>, vector<16xi32>,
      %get3A_1145 = arith.constant 64 : index
      %get3A_1146 = tpu.vector_load %arg9[%get3A_1145] {strides = array<i32>} : memref<80xi32, #tpu.memory_space<vmem>>, vector<16xi32>,
      %get3A_1147 = vector.shape_cast %get3A_1146 : vector<16xi32> to vector<16xi32>
      %jit3A_1148 = arith.constant 2147483647 : i32
      %broadcast_in_dim3A_1149 = vector.broadcast %jit3A_1148 : i32 to vector<16xi32>
      %select_n3A_1150 = arith.select %and3A_1131, %get3A_1147, %broadcast_in_dim3A_1149 : vector<16xi1>, vector<16xi32>
      %swap3A_1151 = arith.constant 64 : index
      %swap3A_1152 = tpu.vector_load %arg17[%swap3A_1151] {strides = array<i32>} : memref<80xi32, #tpu.memory_space<vmem>>, vector<16xi32>,
      %swap3A_1153 = vector.shape_cast %swap3A_1152 : vector<16xi32> to vector<16xi32>
      %swap3A_1154 = vector.shape_cast %select_n3A_1150 : vector<16xi32> to vector<16xi32>
      tpu.vector_store %arg17[%swap3A_1151], %swap3A_1154 {strides = array<i32>} : memref<80xi32, #tpu.memory_space<vmem>>, vector<16xi32>,
      %dma_start3A_1155 = arith.constant 0 : i32
      %dma_start3A_1156 = arith.constant 0 : i32
      %dma_start3A_1157 = tpu.memref_slice %arg2[%dma_start3A_1155, %dma_start3A_1156] : memref<10000x128xf32, #tpu.memory_space<hbm>> -> memref<10000x128xf32, #tpu.memory_space<hbm>>
      %dma_start3A_1158 = arith.constant 2147483647 : i32
      tpu.enqueue_indirect_dma source(%dma_start3A_1157 : memref<10000x128xf32, #tpu.memory_space<hbm>>) target(%arg37 : memref<80x128xf32, #tpu.memory_space<vmem>>) offsets(%arg17 : memref<80xi32, #tpu.memory_space<vmem>>) offset_filter(%dma_start3A_1158) semaphore(%arg48 : memref<!tpu.dma_semaphore, #tpu.memory_space<semaphore_mem>>)
      %dma_wait3A_1159 = arith.constant 0 : i32
      %dma_wait3A_1160 = arith.constant 0 : i32
      %dma_wait3A_1161 = tpu.memref_slice %arg2[%dma_wait3A_1159, %dma_wait3A_1160] : memref<10000x128xf32, #tpu.memory_space<hbm>> -> memref<10000x128xf32, #tpu.memory_space<hbm>>
      tpu.wait_indirect_dma semaphore(%arg46 : memref<!tpu.dma_semaphore, #tpu.memory_space<semaphore_mem>>) src(%dma_wait3A_1161 : memref<10000x128xf32, #tpu.memory_space<hbm>>) dst(%arg35 : memref<80x128xf32, #tpu.memory_space<vmem>>)
      %dma_start3A_1162 = arith.constant 0 : i32
      %dma_start3A_1163 = arith.constant 0 : i32
      %dma_start3A_1164 = tpu.memref_slice %arg40[%dma_start3A_1162, %dma_start3A_1163] : memref<5120x128xf32, #tpu.memory_space<vmem_shared>> -> memref<5120x128xf32, #tpu.memory_space<vmem_shared>>
      %dma_start3A_1165 = arith.constant 2147483647 : i32
      tpu.enqueue_indirect_dma source(%arg35 : memref<80x128xf32, #tpu.memory_space<vmem>>) target(%dma_start3A_1164 : memref<5120x128xf32, #tpu.memory_space<vmem_shared>>) offsets(%arg19 : memref<80xi32, #tpu.memory_space<vmem>>) offset_filter(%dma_start3A_1165) semaphore(%arg50 : memref<!tpu.dma_semaphore, #tpu.memory_space<semaphore_mem>>) {add = true}
      %dma_start3A_1166 = arith.constant 0 : i32
      %dma_start3A_1167 = arith.constant 0 : i32
      %dma_start3A_1168 = tpu.memref_slice %arg41[%dma_start3A_1166, %dma_start3A_1167] : memref<5120x128xf32, #tpu.memory_space<vmem_shared>> -> memref<5120x128xf32, #tpu.memory_space<vmem_shared>>
      %dma_start3A_1169 = arith.constant 2147483647 : i32
      tpu.enqueue_indirect_dma source(%arg39 : memref<32x128xf32, #tpu.memory_space<vmem>>) target(%dma_start3A_1168 : memref<5120x128xf32, #tpu.memory_space<vmem_shared>>) offsets(%arg23 : memref<32xi32, #tpu.memory_space<vmem>>) offset_filter(%dma_start3A_1169) semaphore(%arg54 : memref<!tpu.dma_semaphore, #tpu.memory_space<semaphore_mem>>) {add = true}
      %dma_start3A_1170 = arith.constant 0 : i32
      %dma_start3A_1171 = arith.constant 0 : i32
      %dma_start3A_1172 = tpu.memref_slice %arg41[%dma_start3A_1170, %dma_start3A_1171] : memref<5120x128xf32, #tpu.memory_space<vmem_shared>> -> memref<5120x128xf32, #tpu.memory_space<vmem_shared>>
      %dma_start3A_1173 = arith.constant 2147483647 : i32
      tpu.enqueue_indirect_dma source(%arg39 : memref<32x128xf32, #tpu.memory_space<vmem>>) target(%dma_start3A_1172 : memref<5120x128xf32, #tpu.memory_space<vmem_shared>>) offsets(%arg27 : memref<32xi32, #tpu.memory_space<vmem>>) offset_filter(%dma_start3A_1173) semaphore(%arg54 : memref<!tpu.dma_semaphore, #tpu.memory_space<semaphore_mem>>) {add = true}
      %dma_start3A_1174 = arith.constant 0 : i32
      %dma_start3A_1175 = arith.constant 0 : i32
      %dma_start3A_1176 = tpu.memref_slice %arg39[%dma_start3A_1174, %dma_start3A_1175] : memref<32x128xf32, #tpu.memory_space<vmem>> -> memref<16x128xf32, #tpu.memory_space<vmem>>
      %dma_start3A_1177 = arith.constant 0 : i32
      %dma_start3A_1178 = arith.constant 0 : i32
      %dma_start3A_1179 = tpu.memref_slice %arg41[%dma_start3A_1177, %dma_start3A_1178] : memref<5120x128xf32, #tpu.memory_space<vmem_shared>> -> memref<5120x128xf32, #tpu.memory_space<vmem_shared>>
      %dma_start3A_1180 = arith.constant 2147483647 : i32
      tpu.enqueue_indirect_dma source(%dma_start3A_1176 : memref<16x128xf32, #tpu.memory_space<vmem>>) target(%dma_start3A_1179 : memref<5120x128xf32, #tpu.memory_space<vmem_shared>>) offsets(%arg31 : memref<16xi32, #tpu.memory_space<vmem>>) offset_filter(%dma_start3A_1180) semaphore(%arg54 : memref<!tpu.dma_semaphore, #tpu.memory_space<semaphore_mem>>) {add = true}
      %mul3A_1181 = arith.constant 4 : i32
      %mul3A_1182 = arith.muli %add3A_565, %mul3A_1181 : i32
      %add3A_1183 = arith.constant 3 : i32
      %add3A_1184 = arith.addi %mul3A_1182, %add3A_1183 : i32
      %ge3A_1185 = arith.constant 1 : i32
      %ge3A_1186 = arith.cmpi sge, %add3A_565, %ge3A_1185 : i32
      %convert_element_type3A_1187 = arith.extui %ge3A_1186 : i1 to i32
      %cond3A_1188 = arith.constant 0 : i32
      %cond3A_1189 = arith.cmpi ne, %convert_element_type3A_1187, %cond3A_1188 : i32
      scf.if %cond3A_1189 {
        %dma_wait3A_1398 = arith.constant 0 : i32
        %dma_wait3A_1399 = arith.constant 0 : i32
        %dma_wait3A_1400 = tpu.memref_slice %arg40[%dma_wait3A_1398, %dma_wait3A_1399] : memref<5120x128xf32, #tpu.memory_space<vmem_shared>> -> memref<5120x128xf32, #tpu.memory_space<vmem_shared>>
        tpu.wait_indirect_dma semaphore(%arg53 : memref<!tpu.dma_semaphore, #tpu.memory_space<semaphore_mem>>) src(%arg38 : memref<80x128xf32, #tpu.memory_space<vmem>>) dst(%dma_wait3A_1400 : memref<5120x128xf32, #tpu.memory_space<vmem_shared>>)
        %dma_wait3A_1401 = arith.constant 0 : i32
        %dma_wait3A_1402 = arith.constant 0 : i32
        %dma_wait3A_1403 = tpu.memref_slice %arg41[%dma_wait3A_1401, %dma_wait3A_1402] : memref<5120x128xf32, #tpu.memory_space<vmem_shared>> -> memref<5120x128xf32, #tpu.memory_space<vmem_shared>>
        tpu.wait_indirect_dma semaphore(%arg57 : memref<!tpu.dma_semaphore, #tpu.memory_space<semaphore_mem>>) src(%arg39 : memref<32x128xf32, #tpu.memory_space<vmem>>) dst(%dma_wait3A_1403 : memref<5120x128xf32, #tpu.memory_space<vmem_shared>>)
        %dma_wait3A_1404 = arith.constant 0 : i32
        %dma_wait3A_1405 = arith.constant 0 : i32
        %dma_wait3A_1406 = tpu.memref_slice %arg41[%dma_wait3A_1404, %dma_wait3A_1405] : memref<5120x128xf32, #tpu.memory_space<vmem_shared>> -> memref<5120x128xf32, #tpu.memory_space<vmem_shared>>
        tpu.wait_indirect_dma semaphore(%arg57 : memref<!tpu.dma_semaphore, #tpu.memory_space<semaphore_mem>>) src(%arg39 : memref<32x128xf32, #tpu.memory_space<vmem>>) dst(%dma_wait3A_1406 : memref<5120x128xf32, #tpu.memory_space<vmem_shared>>)
        %dma_wait3A_1407 = arith.constant 0 : i32
        %dma_wait3A_1408 = arith.constant 0 : i32
        %dma_wait3A_1409 = tpu.memref_slice %arg39[%dma_wait3A_1407, %dma_wait3A_1408] : memref<32x128xf32, #tpu.memory_space<vmem>> -> memref<16x128xf32, #tpu.memory_space<vmem>>
        %dma_wait3A_1410 = arith.constant 0 : i32
        %dma_wait3A_1411 = arith.constant 0 : i32
        %dma_wait3A_1412 = tpu.memref_slice %arg41[%dma_wait3A_1410, %dma_wait3A_1411] : memref<5120x128xf32, #tpu.memory_space<vmem_shared>> -> memref<5120x128xf32, #tpu.memory_space<vmem_shared>>
        tpu.wait_indirect_dma semaphore(%arg57 : memref<!tpu.dma_semaphore, #tpu.memory_space<semaphore_mem>>) src(%dma_wait3A_1409 : memref<16x128xf32, #tpu.memory_space<vmem>>) dst(%dma_wait3A_1412 : memref<5120x128xf32, #tpu.memory_space<vmem_shared>>)
      } else {
      }
      %add3A_1190 = arith.constant 2 : i32
      %add3A_1191 = arith.addi %add3A_1184, %add3A_1190 : i32
      %mul3A_1192 = arith.constant 80 : i32
      %mul3A_1193 = arith.muli %add3A_1191, %mul3A_1192 : i32
      %add3A_1194 = arith.addi %mul3A_7, %mul3A_1193 : i32
      %dma_start3A_1195 = tpu.memref_slice %arg4[%add3A_1194] : memref<320000xi32, #tpu.memory_space<hbm>> -> memref<80xi32, #tpu.memory_space<hbm>>
      %dma_start3A_1196 = tpu.memref_slice %arg4[%add3A_1194] : memref<320000xi32, #tpu.memory_space<hbm>> -> memref<80xi32, #tpu.memory_space<hbm>>
      tpu.enqueue_dma source(%dma_start3A_1196 : memref<80xi32, #tpu.memory_space<hbm>>) target(%arg12 : memref<80xi32, #tpu.memory_space<vmem>>) target_semaphore(%arg43 : memref<!tpu.dma_semaphore, #tpu.memory_space<semaphore_mem>>)
      %dma_start3A_1197 = tpu.memref_slice %arg3[%add3A_1194] : memref<320000xi32, #tpu.memory_space<hbm>> -> memref<80xi32, #tpu.memory_space<hbm>>
      %dma_start3A_1198 = tpu.memref_slice %arg3[%add3A_1194] : memref<320000xi32, #tpu.memory_space<hbm>> -> memref<80xi32, #tpu.memory_space<hbm>>
      tpu.enqueue_dma source(%dma_start3A_1198 : memref<80xi32, #tpu.memory_space<hbm>>) target(%arg8 : memref<80xi32, #tpu.memory_space<vmem>>) target_semaphore(%arg43 : memref<!tpu.dma_semaphore, #tpu.memory_space<semaphore_mem>>)
      %dma_wait3A_1199 = arith.constant 0 : i32
      %dma_wait3A_1200 = tpu.memref_slice %arg4[%dma_wait3A_1199] : memref<320000xi32, #tpu.memory_space<hbm>> -> memref<80xi32, #tpu.memory_space<hbm>>
      %dma_wait3A_1201 = arith.constant 0 : i32
      %dma_wait3A_1202 = tpu.memref_slice %arg4[%dma_wait3A_1201] : memref<320000xi32, #tpu.memory_space<hbm>> -> memref<80xi32, #tpu.memory_space<hbm>>
      tpu.wait_dma2 semaphore(%arg45 : memref<!tpu.dma_semaphore, #tpu.memory_space<semaphore_mem>>) src(%dma_wait3A_1202 : memref<80xi32, #tpu.memory_space<hbm>>) dst(%arg14 : memref<80xi32, #tpu.memory_space<vmem>>)
      %dma_wait3A_1203 = arith.constant 0 : i32
      %dma_wait3A_1204 = tpu.memref_slice %arg3[%dma_wait3A_1203] : memref<320000xi32, #tpu.memory_space<hbm>> -> memref<80xi32, #tpu.memory_space<hbm>>
      %dma_wait3A_1205 = arith.constant 0 : i32
      %dma_wait3A_1206 = tpu.memref_slice %arg3[%dma_wait3A_1205] : memref<320000xi32, #tpu.memory_space<hbm>> -> memref<80xi32, #tpu.memory_space<hbm>>
      tpu.wait_dma2 semaphore(%arg45 : memref<!tpu.dma_semaphore, #tpu.memory_space<semaphore_mem>>) src(%dma_wait3A_1206 : memref<80xi32, #tpu.memory_space<hbm>>) dst(%arg10 : memref<80xi32, #tpu.memory_space<vmem>>)
      %get3A_1207 = arith.constant 0 : index
      %get3A_1208 = tpu.vector_load %arg14[%get3A_1207] {strides = array<i32>} : memref<80xi32, #tpu.memory_space<vmem>>, vector<16xi32>,
      %get3A_1209 = vector.shape_cast %get3A_1208 : vector<16xi32> to vector<16xi32>
      %ge3A_1210 = vector.broadcast %mul3A_5 : i32 to vector<16xi32>
      %ge3A_1211 = arith.cmpi sge, %get3A_1209, %ge3A_1210 : vector<16xi32>
      %add3A_1212 = arith.constant 5120 : i32
      %add3A_1213 = arith.addi %mul3A_5, %add3A_1212 : i32
      %lt3A_1214 = vector.broadcast %add3A_1213 : i32 to vector<16xi32>
      %lt3A_1215 = arith.cmpi slt, %get3A_1209, %lt3A_1214 : vector<16xi32>
      %and3A_1216 = arith.andi %ge3A_1211, %lt3A_1215 : vector<16xi1>
      %sub3A_1217 = vector.broadcast %mul3A_5 : i32 to vector<16xi32>
      %sub3A_1218 = arith.subi %get3A_1209, %sub3A_1217 : vector<16xi32>
      %jit3A_1219 = arith.constant 2147483647 : i32
      %broadcast_in_dim3A_1220 = vector.broadcast %jit3A_1219 : i32 to vector<16xi32>
      %select_n3A_1221 = arith.select %and3A_1216, %sub3A_1218, %broadcast_in_dim3A_1220 : vector<16xi1>, vector<16xi32>
      %swap3A_1222 = arith.constant 0 : index
      %swap3A_1223 = tpu.vector_load %arg22[%swap3A_1222] {strides = array<i32>} : memref<80xi32, #tpu.memory_space<vmem>>, vector<16xi32>,
      %swap3A_1224 = vector.shape_cast %swap3A_1223 : vector<16xi32> to vector<16xi32>
      %swap3A_1225 = vector.shape_cast %select_n3A_1221 : vector<16xi32> to vector<16xi32>
      tpu.vector_store %arg22[%swap3A_1222], %swap3A_1225 {strides = array<i32>} : memref<80xi32, #tpu.memory_space<vmem>>, vector<16xi32>,
      %swap3A_1226 = arith.constant 0 : index
      %swap3A_1227 = tpu.vector_load %arg26[%swap3A_1226] {strides = array<i32>} : memref<32xi32, #tpu.memory_space<vmem>>, vector<16xi32>,
      %swap3A_1228 = vector.shape_cast %swap3A_1227 : vector<16xi32> to vector<16xi32>
      %swap3A_1229 = vector.shape_cast %select_n3A_1221 : vector<16xi32> to vector<16xi32>
      tpu.vector_store %arg26[%swap3A_1226], %swap3A_1229 {strides = array<i32>} : memref<32xi32, #tpu.memory_space<vmem>>, vector<16xi32>,
      %get3A_1230 = arith.constant 0 : index
      %get3A_1231 = tpu.vector_load %arg10[%get3A_1230] {strides = array<i32>} : memref<80xi32, #tpu.memory_space<vmem>>, vector<16xi32>,
      %get3A_1232 = vector.shape_cast %get3A_1231 : vector<16xi32> to vector<16xi32>
      %jit3A_1233 = arith.constant 2147483647 : i32
      %broadcast_in_dim3A_1234 = vector.broadcast %jit3A_1233 : i32 to vector<16xi32>
      %select_n3A_1235 = arith.select %and3A_1216, %get3A_1232, %broadcast_in_dim3A_1234 : vector<16xi1>, vector<16xi32>
      %swap3A_1236 = arith.constant 0 : index
      %swap3A_1237 = tpu.vector_load %arg18[%swap3A_1236] {strides = array<i32>} : memref<80xi32, #tpu.memory_space<vmem>>, vector<16xi32>,
      %swap3A_1238 = vector.shape_cast %swap3A_1237 : vector<16xi32> to vector<16xi32>
      %swap3A_1239 = vector.shape_cast %select_n3A_1235 : vector<16xi32> to vector<16xi32>
      tpu.vector_store %arg18[%swap3A_1236], %swap3A_1239 {strides = array<i32>} : memref<80xi32, #tpu.memory_space<vmem>>, vector<16xi32>,
      %get3A_1240 = arith.constant 16 : index
      %get3A_1241 = tpu.vector_load %arg14[%get3A_1240] {strides = array<i32>} : memref<80xi32, #tpu.memory_space<vmem>>, vector<16xi32>,
      %get3A_1242 = vector.shape_cast %get3A_1241 : vector<16xi32> to vector<16xi32>
      %ge3A_1243 = vector.broadcast %mul3A_5 : i32 to vector<16xi32>
      %ge3A_1244 = arith.cmpi sge, %get3A_1242, %ge3A_1243 : vector<16xi32>
      %add3A_1245 = arith.constant 5120 : i32
      %add3A_1246 = arith.addi %mul3A_5, %add3A_1245 : i32
      %lt3A_1247 = vector.broadcast %add3A_1246 : i32 to vector<16xi32>
      %lt3A_1248 = arith.cmpi slt, %get3A_1242, %lt3A_1247 : vector<16xi32>
      %and3A_1249 = arith.andi %ge3A_1244, %lt3A_1248 : vector<16xi1>
      %sub3A_1250 = vector.broadcast %mul3A_5 : i32 to vector<16xi32>
      %sub3A_1251 = arith.subi %get3A_1242, %sub3A_1250 : vector<16xi32>
      %jit3A_1252 = arith.constant 2147483647 : i32
      %broadcast_in_dim3A_1253 = vector.broadcast %jit3A_1252 : i32 to vector<16xi32>
      %select_n3A_1254 = arith.select %and3A_1249, %sub3A_1251, %broadcast_in_dim3A_1253 : vector<16xi1>, vector<16xi32>
      %swap3A_1255 = arith.constant 16 : index
      %swap3A_1256 = tpu.vector_load %arg22[%swap3A_1255] {strides = array<i32>} : memref<80xi32, #tpu.memory_space<vmem>>, vector<16xi32>,
      %swap3A_1257 = vector.shape_cast %swap3A_1256 : vector<16xi32> to vector<16xi32>
      %swap3A_1258 = vector.shape_cast %select_n3A_1254 : vector<16xi32> to vector<16xi32>
      tpu.vector_store %arg22[%swap3A_1255], %swap3A_1258 {strides = array<i32>} : memref<80xi32, #tpu.memory_space<vmem>>, vector<16xi32>,
      %swap3A_1259 = arith.constant 16 : index
      %swap3A_1260 = tpu.vector_load %arg26[%swap3A_1259] {strides = array<i32>} : memref<32xi32, #tpu.memory_space<vmem>>, vector<16xi32>,
      %swap3A_1261 = vector.shape_cast %swap3A_1260 : vector<16xi32> to vector<16xi32>
      %swap3A_1262 = vector.shape_cast %select_n3A_1254 : vector<16xi32> to vector<16xi32>
      tpu.vector_store %arg26[%swap3A_1259], %swap3A_1262 {strides = array<i32>} : memref<32xi32, #tpu.memory_space<vmem>>, vector<16xi32>,
      %get3A_1263 = arith.constant 16 : index
      %get3A_1264 = tpu.vector_load %arg10[%get3A_1263] {strides = array<i32>} : memref<80xi32, #tpu.memory_space<vmem>>, vector<16xi32>,
      %get3A_1265 = vector.shape_cast %get3A_1264 : vector<16xi32> to vector<16xi32>
      %jit3A_1266 = arith.constant 2147483647 : i32
      %broadcast_in_dim3A_1267 = vector.broadcast %jit3A_1266 : i32 to vector<16xi32>
      %select_n3A_1268 = arith.select %and3A_1249, %get3A_1265, %broadcast_in_dim3A_1267 : vector<16xi1>, vector<16xi32>
      %swap3A_1269 = arith.constant 16 : index
      %swap3A_1270 = tpu.vector_load %arg18[%swap3A_1269] {strides = array<i32>} : memref<80xi32, #tpu.memory_space<vmem>>, vector<16xi32>,
      %swap3A_1271 = vector.shape_cast %swap3A_1270 : vector<16xi32> to vector<16xi32>
      %swap3A_1272 = vector.shape_cast %select_n3A_1268 : vector<16xi32> to vector<16xi32>
      tpu.vector_store %arg18[%swap3A_1269], %swap3A_1272 {strides = array<i32>} : memref<80xi32, #tpu.memory_space<vmem>>, vector<16xi32>,
      %get3A_1273 = arith.constant 32 : index
      %get3A_1274 = tpu.vector_load %arg14[%get3A_1273] {strides = array<i32>} : memref<80xi32, #tpu.memory_space<vmem>>, vector<16xi32>,
      %get3A_1275 = vector.shape_cast %get3A_1274 : vector<16xi32> to vector<16xi32>
      %ge3A_1276 = vector.broadcast %mul3A_5 : i32 to vector<16xi32>
      %ge3A_1277 = arith.cmpi sge, %get3A_1275, %ge3A_1276 : vector<16xi32>
      %add3A_1278 = arith.constant 5120 : i32
      %add3A_1279 = arith.addi %mul3A_5, %add3A_1278 : i32
      %lt3A_1280 = vector.broadcast %add3A_1279 : i32 to vector<16xi32>
      %lt3A_1281 = arith.cmpi slt, %get3A_1275, %lt3A_1280 : vector<16xi32>
      %and3A_1282 = arith.andi %ge3A_1277, %lt3A_1281 : vector<16xi1>
      %sub3A_1283 = vector.broadcast %mul3A_5 : i32 to vector<16xi32>
      %sub3A_1284 = arith.subi %get3A_1275, %sub3A_1283 : vector<16xi32>
      %jit3A_1285 = arith.constant 2147483647 : i32
      %broadcast_in_dim3A_1286 = vector.broadcast %jit3A_1285 : i32 to vector<16xi32>
      %select_n3A_1287 = arith.select %and3A_1282, %sub3A_1284, %broadcast_in_dim3A_1286 : vector<16xi1>, vector<16xi32>
      %swap3A_1288 = arith.constant 32 : index
      %swap3A_1289 = tpu.vector_load %arg22[%swap3A_1288] {strides = array<i32>} : memref<80xi32, #tpu.memory_space<vmem>>, vector<16xi32>,
      %swap3A_1290 = vector.shape_cast %swap3A_1289 : vector<16xi32> to vector<16xi32>
      %swap3A_1291 = vector.shape_cast %select_n3A_1287 : vector<16xi32> to vector<16xi32>
      tpu.vector_store %arg22[%swap3A_1288], %swap3A_1291 {strides = array<i32>} : memref<80xi32, #tpu.memory_space<vmem>>, vector<16xi32>,
      %swap3A_1292 = arith.constant 0 : index
      %swap3A_1293 = tpu.vector_load %arg30[%swap3A_1292] {strides = array<i32>} : memref<32xi32, #tpu.memory_space<vmem>>, vector<16xi32>,
      %swap3A_1294 = vector.shape_cast %swap3A_1293 : vector<16xi32> to vector<16xi32>
      %swap3A_1295 = vector.shape_cast %select_n3A_1287 : vector<16xi32> to vector<16xi32>
      tpu.vector_store %arg30[%swap3A_1292], %swap3A_1295 {strides = array<i32>} : memref<32xi32, #tpu.memory_space<vmem>>, vector<16xi32>,
      %get3A_1296 = arith.constant 32 : index
      %get3A_1297 = tpu.vector_load %arg10[%get3A_1296] {strides = array<i32>} : memref<80xi32, #tpu.memory_space<vmem>>, vector<16xi32>,
      %get3A_1298 = vector.shape_cast %get3A_1297 : vector<16xi32> to vector<16xi32>
      %jit3A_1299 = arith.constant 2147483647 : i32
      %broadcast_in_dim3A_1300 = vector.broadcast %jit3A_1299 : i32 to vector<16xi32>
      %select_n3A_1301 = arith.select %and3A_1282, %get3A_1298, %broadcast_in_dim3A_1300 : vector<16xi1>, vector<16xi32>
      %swap3A_1302 = arith.constant 32 : index
      %swap3A_1303 = tpu.vector_load %arg18[%swap3A_1302] {strides = array<i32>} : memref<80xi32, #tpu.memory_space<vmem>>, vector<16xi32>,
      %swap3A_1304 = vector.shape_cast %swap3A_1303 : vector<16xi32> to vector<16xi32>
      %swap3A_1305 = vector.shape_cast %select_n3A_1301 : vector<16xi32> to vector<16xi32>
      tpu.vector_store %arg18[%swap3A_1302], %swap3A_1305 {strides = array<i32>} : memref<80xi32, #tpu.memory_space<vmem>>, vector<16xi32>,
      %get3A_1306 = arith.constant 48 : index
      %get3A_1307 = tpu.vector_load %arg14[%get3A_1306] {strides = array<i32>} : memref<80xi32, #tpu.memory_space<vmem>>, vector<16xi32>,
      %get3A_1308 = vector.shape_cast %get3A_1307 : vector<16xi32> to vector<16xi32>
      %ge3A_1309 = vector.broadcast %mul3A_5 : i32 to vector<16xi32>
      %ge3A_1310 = arith.cmpi sge, %get3A_1308, %ge3A_1309 : vector<16xi32>
      %add3A_1311 = arith.constant 5120 : i32
      %add3A_1312 = arith.addi %mul3A_5, %add3A_1311 : i32
      %lt3A_1313 = vector.broadcast %add3A_1312 : i32 to vector<16xi32>
      %lt3A_1314 = arith.cmpi slt, %get3A_1308, %lt3A_1313 : vector<16xi32>
      %and3A_1315 = arith.andi %ge3A_1310, %lt3A_1314 : vector<16xi1>
      %sub3A_1316 = vector.broadcast %mul3A_5 : i32 to vector<16xi32>
      %sub3A_1317 = arith.subi %get3A_1308, %sub3A_1316 : vector<16xi32>
      %jit3A_1318 = arith.constant 2147483647 : i32
      %broadcast_in_dim3A_1319 = vector.broadcast %jit3A_1318 : i32 to vector<16xi32>
      %select_n3A_1320 = arith.select %and3A_1315, %sub3A_1317, %broadcast_in_dim3A_1319 : vector<16xi1>, vector<16xi32>
      %swap3A_1321 = arith.constant 48 : index
      %swap3A_1322 = tpu.vector_load %arg22[%swap3A_1321] {strides = array<i32>} : memref<80xi32, #tpu.memory_space<vmem>>, vector<16xi32>,
      %swap3A_1323 = vector.shape_cast %swap3A_1322 : vector<16xi32> to vector<16xi32>
      %swap3A_1324 = vector.shape_cast %select_n3A_1320 : vector<16xi32> to vector<16xi32>
      tpu.vector_store %arg22[%swap3A_1321], %swap3A_1324 {strides = array<i32>} : memref<80xi32, #tpu.memory_space<vmem>>, vector<16xi32>,
      %swap3A_1325 = arith.constant 16 : index
      %swap3A_1326 = tpu.vector_load %arg30[%swap3A_1325] {strides = array<i32>} : memref<32xi32, #tpu.memory_space<vmem>>, vector<16xi32>,
      %swap3A_1327 = vector.shape_cast %swap3A_1326 : vector<16xi32> to vector<16xi32>
      %swap3A_1328 = vector.shape_cast %select_n3A_1320 : vector<16xi32> to vector<16xi32>
      tpu.vector_store %arg30[%swap3A_1325], %swap3A_1328 {strides = array<i32>} : memref<32xi32, #tpu.memory_space<vmem>>, vector<16xi32>,
      %get3A_1329 = arith.constant 48 : index
      %get3A_1330 = tpu.vector_load %arg10[%get3A_1329] {strides = array<i32>} : memref<80xi32, #tpu.memory_space<vmem>>, vector<16xi32>,
      %get3A_1331 = vector.shape_cast %get3A_1330 : vector<16xi32> to vector<16xi32>
      %jit3A_1332 = arith.constant 2147483647 : i32
      %broadcast_in_dim3A_1333 = vector.broadcast %jit3A_1332 : i32 to vector<16xi32>
      %select_n3A_1334 = arith.select %and3A_1315, %get3A_1331, %broadcast_in_dim3A_1333 : vector<16xi1>, vector<16xi32>
      %swap3A_1335 = arith.constant 48 : index
      %swap3A_1336 = tpu.vector_load %arg18[%swap3A_1335] {strides = array<i32>} : memref<80xi32, #tpu.memory_space<vmem>>, vector<16xi32>,
      %swap3A_1337 = vector.shape_cast %swap3A_1336 : vector<16xi32> to vector<16xi32>
      %swap3A_1338 = vector.shape_cast %select_n3A_1334 : vector<16xi32> to vector<16xi32>
      tpu.vector_store %arg18[%swap3A_1335], %swap3A_1338 {strides = array<i32>} : memref<80xi32, #tpu.memory_space<vmem>>, vector<16xi32>,
      %get3A_1339 = arith.constant 64 : index
      %get3A_1340 = tpu.vector_load %arg14[%get3A_1339] {strides = array<i32>} : memref<80xi32, #tpu.memory_space<vmem>>, vector<16xi32>,
      %get3A_1341 = vector.shape_cast %get3A_1340 : vector<16xi32> to vector<16xi32>
      %ge3A_1342 = vector.broadcast %mul3A_5 : i32 to vector<16xi32>
      %ge3A_1343 = arith.cmpi sge, %get3A_1341, %ge3A_1342 : vector<16xi32>
      %add3A_1344 = arith.constant 5120 : i32
      %add3A_1345 = arith.addi %mul3A_5, %add3A_1344 : i32
      %lt3A_1346 = vector.broadcast %add3A_1345 : i32 to vector<16xi32>
      %lt3A_1347 = arith.cmpi slt, %get3A_1341, %lt3A_1346 : vector<16xi32>
      %and3A_1348 = arith.andi %ge3A_1343, %lt3A_1347 : vector<16xi1>
      %sub3A_1349 = vector.broadcast %mul3A_5 : i32 to vector<16xi32>
      %sub3A_1350 = arith.subi %get3A_1341, %sub3A_1349 : vector<16xi32>
      %jit3A_1351 = arith.constant 2147483647 : i32
      %broadcast_in_dim3A_1352 = vector.broadcast %jit3A_1351 : i32 to vector<16xi32>
      %select_n3A_1353 = arith.select %and3A_1348, %sub3A_1350, %broadcast_in_dim3A_1352 : vector<16xi1>, vector<16xi32>
      %swap3A_1354 = arith.constant 64 : index
      %swap3A_1355 = tpu.vector_load %arg22[%swap3A_1354] {strides = array<i32>} : memref<80xi32, #tpu.memory_space<vmem>>, vector<16xi32>,
      %swap3A_1356 = vector.shape_cast %swap3A_1355 : vector<16xi32> to vector<16xi32>
      %swap3A_1357 = vector.shape_cast %select_n3A_1353 : vector<16xi32> to vector<16xi32>
      tpu.vector_store %arg22[%swap3A_1354], %swap3A_1357 {strides = array<i32>} : memref<80xi32, #tpu.memory_space<vmem>>, vector<16xi32>,
      %swap3A_1358 = arith.constant 0 : index
      %swap3A_1359 = tpu.vector_load %arg34[%swap3A_1358] {strides = array<i32>} : memref<16xi32, #tpu.memory_space<vmem>>, vector<16xi32>,
      %swap3A_1360 = vector.shape_cast %swap3A_1359 : vector<16xi32> to vector<16xi32>
      %swap3A_1361 = vector.shape_cast %select_n3A_1353 : vector<16xi32> to vector<16xi32>
      tpu.vector_store %arg34[%swap3A_1358], %swap3A_1361 {strides = array<i32>} : memref<16xi32, #tpu.memory_space<vmem>>, vector<16xi32>,
      %get3A_1362 = arith.constant 64 : index
      %get3A_1363 = tpu.vector_load %arg10[%get3A_1362] {strides = array<i32>} : memref<80xi32, #tpu.memory_space<vmem>>, vector<16xi32>,
      %get3A_1364 = vector.shape_cast %get3A_1363 : vector<16xi32> to vector<16xi32>
      %jit3A_1365 = arith.constant 2147483647 : i32
      %broadcast_in_dim3A_1366 = vector.broadcast %jit3A_1365 : i32 to vector<16xi32>
      %select_n3A_1367 = arith.select %and3A_1348, %get3A_1364, %broadcast_in_dim3A_1366 : vector<16xi1>, vector<16xi32>
      %swap3A_1368 = arith.constant 64 : index
      %swap3A_1369 = tpu.vector_load %arg18[%swap3A_1368] {strides = array<i32>} : memref<80xi32, #tpu.memory_space<vmem>>, vector<16xi32>,
      %swap3A_1370 = vector.shape_cast %swap3A_1369 : vector<16xi32> to vector<16xi32>
      %swap3A_1371 = vector.shape_cast %select_n3A_1367 : vector<16xi32> to vector<16xi32>
      tpu.vector_store %arg18[%swap3A_1368], %swap3A_1371 {strides = array<i32>} : memref<80xi32, #tpu.memory_space<vmem>>, vector<16xi32>,
      %dma_start3A_1372 = arith.constant 0 : i32
      %dma_start3A_1373 = arith.constant 0 : i32
      %dma_start3A_1374 = tpu.memref_slice %arg2[%dma_start3A_1372, %dma_start3A_1373] : memref<10000x128xf32, #tpu.memory_space<hbm>> -> memref<10000x128xf32, #tpu.memory_space<hbm>>
      %dma_start3A_1375 = arith.constant 2147483647 : i32
      tpu.enqueue_indirect_dma source(%dma_start3A_1374 : memref<10000x128xf32, #tpu.memory_space<hbm>>) target(%arg38 : memref<80x128xf32, #tpu.memory_space<vmem>>) offsets(%arg18 : memref<80xi32, #tpu.memory_space<vmem>>) offset_filter(%dma_start3A_1375) semaphore(%arg49 : memref<!tpu.dma_semaphore, #tpu.memory_space<semaphore_mem>>)
      %dma_wait3A_1376 = arith.constant 0 : i32
      %dma_wait3A_1377 = arith.constant 0 : i32
      %dma_wait3A_1378 = tpu.memref_slice %arg2[%dma_wait3A_1376, %dma_wait3A_1377] : memref<10000x128xf32, #tpu.memory_space<hbm>> -> memref<10000x128xf32, #tpu.memory_space<hbm>>
      tpu.wait_indirect_dma semaphore(%arg47 : memref<!tpu.dma_semaphore, #tpu.memory_space<semaphore_mem>>) src(%dma_wait3A_1378 : memref<10000x128xf32, #tpu.memory_space<hbm>>) dst(%arg36 : memref<80x128xf32, #tpu.memory_space<vmem>>)
      %dma_start3A_1379 = arith.constant 0 : i32
      %dma_start3A_1380 = arith.constant 0 : i32
      %dma_start3A_1381 = tpu.memref_slice %arg40[%dma_start3A_1379, %dma_start3A_1380] : memref<5120x128xf32, #tpu.memory_space<vmem_shared>> -> memref<5120x128xf32, #tpu.memory_space<vmem_shared>>
      %dma_start3A_1382 = arith.constant 2147483647 : i32
      tpu.enqueue_indirect_dma source(%arg36 : memref<80x128xf32, #tpu.memory_space<vmem>>) target(%dma_start3A_1381 : memref<5120x128xf32, #tpu.memory_space<vmem_shared>>) offsets(%arg20 : memref<80xi32, #tpu.memory_space<vmem>>) offset_filter(%dma_start3A_1382) semaphore(%arg51 : memref<!tpu.dma_semaphore, #tpu.memory_space<semaphore_mem>>) {add = true}
      %dma_start3A_1383 = arith.constant 0 : i32
      %dma_start3A_1384 = arith.constant 0 : i32
      %dma_start3A_1385 = tpu.memref_slice %arg41[%dma_start3A_1383, %dma_start3A_1384] : memref<5120x128xf32, #tpu.memory_space<vmem_shared>> -> memref<5120x128xf32, #tpu.memory_space<vmem_shared>>
      %dma_start3A_1386 = arith.constant 2147483647 : i32
      tpu.enqueue_indirect_dma source(%arg39 : memref<32x128xf32, #tpu.memory_space<vmem>>) target(%dma_start3A_1385 : memref<5120x128xf32, #tpu.memory_space<vmem_shared>>) offsets(%arg24 : memref<32xi32, #tpu.memory_space<vmem>>) offset_filter(%dma_start3A_1386) semaphore(%arg55 : memref<!tpu.dma_semaphore, #tpu.memory_space<semaphore_mem>>) {add = true}
      %dma_start3A_1387 = arith.constant 0 : i32
      %dma_start3A_1388 = arith.constant 0 : i32
      %dma_start3A_1389 = tpu.memref_slice %arg41[%dma_start3A_1387, %dma_start3A_1388] : memref<5120x128xf32, #tpu.memory_space<vmem_shared>> -> memref<5120x128xf32, #tpu.memory_space<vmem_shared>>
      %dma_start3A_1390 = arith.constant 2147483647 : i32
      tpu.enqueue_indirect_dma source(%arg39 : memref<32x128xf32, #tpu.memory_space<vmem>>) target(%dma_start3A_1389 : memref<5120x128xf32, #tpu.memory_space<vmem_shared>>) offsets(%arg28 : memref<32xi32, #tpu.memory_space<vmem>>) offset_filter(%dma_start3A_1390) semaphore(%arg55 : memref<!tpu.dma_semaphore, #tpu.memory_space<semaphore_mem>>) {add = true}
      %dma_start3A_1391 = arith.constant 0 : i32
      %dma_start3A_1392 = arith.constant 0 : i32
      %dma_start3A_1393 = tpu.memref_slice %arg39[%dma_start3A_1391, %dma_start3A_1392] : memref<32x128xf32, #tpu.memory_space<vmem>> -> memref<16x128xf32, #tpu.memory_space<vmem>>
      %dma_start3A_1394 = arith.constant 0 : i32
      %dma_start3A_1395 = arith.constant 0 : i32
      %dma_start3A_1396 = tpu.memref_slice %arg41[%dma_start3A_1394, %dma_start3A_1395] : memref<5120x128xf32, #tpu.memory_space<vmem_shared>> -> memref<5120x128xf32, #tpu.memory_space<vmem_shared>>
      %dma_start3A_1397 = arith.constant 2147483647 : i32
      tpu.enqueue_indirect_dma source(%dma_start3A_1393 : memref<16x128xf32, #tpu.memory_space<vmem>>) target(%dma_start3A_1396 : memref<5120x128xf32, #tpu.memory_space<vmem_shared>>) offsets(%arg32 : memref<16xi32, #tpu.memory_space<vmem>>) offset_filter(%dma_start3A_1397) semaphore(%arg55 : memref<!tpu.dma_semaphore, #tpu.memory_space<semaphore_mem>>) {add = true}
    }
    %scan3A_36 = arith.constant 62 : i32
    %dma_wait3A = arith.constant 0 : i32
    %dma_wait3A_37 = arith.constant 0 : i32
    %dma_wait3A_38 = tpu.memref_slice %arg40[%dma_wait3A, %dma_wait3A_37] : memref<5120x128xf32, #tpu.memory_space<vmem_shared>> -> memref<5120x128xf32, #tpu.memory_space<vmem_shared>>
    tpu.wait_indirect_dma semaphore(%arg50 : memref<!tpu.dma_semaphore, #tpu.memory_space<semaphore_mem>>) src(%arg35 : memref<80x128xf32, #tpu.memory_space<vmem>>) dst(%dma_wait3A_38 : memref<5120x128xf32, #tpu.memory_space<vmem_shared>>)
    %dma_wait3A_39 = arith.constant 0 : i32
    %dma_wait3A_40 = arith.constant 0 : i32
    %dma_wait3A_41 = tpu.memref_slice %arg41[%dma_wait3A_39, %dma_wait3A_40] : memref<5120x128xf32, #tpu.memory_space<vmem_shared>> -> memref<5120x128xf32, #tpu.memory_space<vmem_shared>>
    tpu.wait_indirect_dma semaphore(%arg54 : memref<!tpu.dma_semaphore, #tpu.memory_space<semaphore_mem>>) src(%arg39 : memref<32x128xf32, #tpu.memory_space<vmem>>) dst(%dma_wait3A_41 : memref<5120x128xf32, #tpu.memory_space<vmem_shared>>)
    %dma_wait3A_42 = arith.constant 0 : i32
    %dma_wait3A_43 = arith.constant 0 : i32
    %dma_wait3A_44 = tpu.memref_slice %arg41[%dma_wait3A_42, %dma_wait3A_43] : memref<5120x128xf32, #tpu.memory_space<vmem_shared>> -> memref<5120x128xf32, #tpu.memory_space<vmem_shared>>
    tpu.wait_indirect_dma semaphore(%arg54 : memref<!tpu.dma_semaphore, #tpu.memory_space<semaphore_mem>>) src(%arg39 : memref<32x128xf32, #tpu.memory_space<vmem>>) dst(%dma_wait3A_44 : memref<5120x128xf32, #tpu.memory_space<vmem_shared>>)
    %dma_wait3A_45 = arith.constant 0 : i32
    %dma_wait3A_46 = arith.constant 0 : i32
    %dma_wait3A_47 = tpu.memref_slice %arg39[%dma_wait3A_45, %dma_wait3A_46] : memref<32x128xf32, #tpu.memory_space<vmem>> -> memref<16x128xf32, #tpu.memory_space<vmem>>
    %dma_wait3A_48 = arith.constant 0 : i32
    %dma_wait3A_49 = arith.constant 0 : i32
    %dma_wait3A_50 = tpu.memref_slice %arg41[%dma_wait3A_48, %dma_wait3A_49] : memref<5120x128xf32, #tpu.memory_space<vmem_shared>> -> memref<5120x128xf32, #tpu.memory_space<vmem_shared>>
    tpu.wait_indirect_dma semaphore(%arg54 : memref<!tpu.dma_semaphore, #tpu.memory_space<semaphore_mem>>) src(%dma_wait3A_47 : memref<16x128xf32, #tpu.memory_space<vmem>>) dst(%dma_wait3A_50 : memref<5120x128xf32, #tpu.memory_space<vmem_shared>>)
    %dma_wait3A_51 = arith.constant 0 : i32
    %dma_wait3A_52 = tpu.memref_slice %arg4[%dma_wait3A_51] : memref<320000xi32, #tpu.memory_space<hbm>> -> memref<80xi32, #tpu.memory_space<hbm>>
    %dma_wait3A_53 = arith.constant 0 : i32
    %dma_wait3A_54 = tpu.memref_slice %arg4[%dma_wait3A_53] : memref<320000xi32, #tpu.memory_space<hbm>> -> memref<80xi32, #tpu.memory_space<hbm>>
    tpu.wait_dma2 semaphore(%arg42 : memref<!tpu.dma_semaphore, #tpu.memory_space<semaphore_mem>>) src(%dma_wait3A_54 : memref<80xi32, #tpu.memory_space<hbm>>) dst(%arg11 : memref<80xi32, #tpu.memory_space<vmem>>)
    %dma_wait3A_55 = arith.constant 0 : i32
    %dma_wait3A_56 = tpu.memref_slice %arg3[%dma_wait3A_55] : memref<320000xi32, #tpu.memory_space<hbm>> -> memref<80xi32, #tpu.memory_space<hbm>>
    %dma_wait3A_57 = arith.constant 0 : i32
    %dma_wait3A_58 = tpu.memref_slice %arg3[%dma_wait3A_57] : memref<320000xi32, #tpu.memory_space<hbm>> -> memref<80xi32, #tpu.memory_space<hbm>>
    tpu.wait_dma2 semaphore(%arg42 : memref<!tpu.dma_semaphore, #tpu.memory_space<semaphore_mem>>) src(%dma_wait3A_58 : memref<80xi32, #tpu.memory_space<hbm>>) dst(%arg7 : memref<80xi32, #tpu.memory_space<vmem>>)
    %get3A = arith.constant 0 : index
    %get3A_59 = tpu.vector_load %arg11[%get3A] {strides = array<i32>} : memref<80xi32, #tpu.memory_space<vmem>>, vector<16xi32>,
    %get3A_60 = vector.shape_cast %get3A_59 : vector<16xi32> to vector<16xi32>
    %ge3A = vector.broadcast %mul3A_5 : i32 to vector<16xi32>
    %ge3A_61 = arith.cmpi sge, %get3A_60, %ge3A : vector<16xi32>
    %add3A_62 = arith.constant 5120 : i32
    %add3A_63 = arith.addi %mul3A_5, %add3A_62 : i32
    %lt3A = vector.broadcast %add3A_63 : i32 to vector<16xi32>
    %lt3A_64 = arith.cmpi slt, %get3A_60, %lt3A : vector<16xi32>
    %and3A = arith.andi %ge3A_61, %lt3A_64 : vector<16xi1>
    %sub3A = vector.broadcast %mul3A_5 : i32 to vector<16xi32>
    %sub3A_65 = arith.subi %get3A_60, %sub3A : vector<16xi32>
    %jit3A = arith.constant 2147483647 : i32
    %broadcast_in_dim3A_66 = vector.broadcast %jit3A : i32 to vector<16xi32>
    %select_n3A = arith.select %and3A, %sub3A_65, %broadcast_in_dim3A_66 : vector<16xi1>, vector<16xi32>
    %swap3A = arith.constant 0 : index
    %swap3A_67 = tpu.vector_load %arg19[%swap3A] {strides = array<i32>} : memref<80xi32, #tpu.memory_space<vmem>>, vector<16xi32>,
    %swap3A_68 = vector.shape_cast %swap3A_67 : vector<16xi32> to vector<16xi32>
    %swap3A_69 = vector.shape_cast %select_n3A : vector<16xi32> to vector<16xi32>
    tpu.vector_store %arg19[%swap3A], %swap3A_69 {strides = array<i32>} : memref<80xi32, #tpu.memory_space<vmem>>, vector<16xi32>,
    %swap3A_70 = arith.constant 0 : index
    %swap3A_71 = tpu.vector_load %arg23[%swap3A_70] {strides = array<i32>} : memref<32xi32, #tpu.memory_space<vmem>>, vector<16xi32>,
    %swap3A_72 = vector.shape_cast %swap3A_71 : vector<16xi32> to vector<16xi32>
    %swap3A_73 = vector.shape_cast %select_n3A : vector<16xi32> to vector<16xi32>
    tpu.vector_store %arg23[%swap3A_70], %swap3A_73 {strides = array<i32>} : memref<32xi32, #tpu.memory_space<vmem>>, vector<16xi32>,
    %get3A_74 = arith.constant 0 : index
    %get3A_75 = tpu.vector_load %arg7[%get3A_74] {strides = array<i32>} : memref<80xi32, #tpu.memory_space<vmem>>, vector<16xi32>,
    %get3A_76 = vector.shape_cast %get3A_75 : vector<16xi32> to vector<16xi32>
    %jit3A_77 = arith.constant 2147483647 : i32
    %broadcast_in_dim3A_78 = vector.broadcast %jit3A_77 : i32 to vector<16xi32>
    %select_n3A_79 = arith.select %and3A, %get3A_76, %broadcast_in_dim3A_78 : vector<16xi1>, vector<16xi32>
    %swap3A_80 = arith.constant 0 : index
    %swap3A_81 = tpu.vector_load %arg15[%swap3A_80] {strides = array<i32>} : memref<80xi32, #tpu.memory_space<vmem>>, vector<16xi32>,
    %swap3A_82 = vector.shape_cast %swap3A_81 : vector<16xi32> to vector<16xi32>
    %swap3A_83 = vector.shape_cast %select_n3A_79 : vector<16xi32> to vector<16xi32>
    tpu.vector_store %arg15[%swap3A_80], %swap3A_83 {strides = array<i32>} : memref<80xi32, #tpu.memory_space<vmem>>, vector<16xi32>,
    %get3A_84 = arith.constant 16 : index
    %get3A_85 = tpu.vector_load %arg11[%get3A_84] {strides = array<i32>} : memref<80xi32, #tpu.memory_space<vmem>>, vector<16xi32>,
    %get3A_86 = vector.shape_cast %get3A_85 : vector<16xi32> to vector<16xi32>
    %ge3A_87 = vector.broadcast %mul3A_5 : i32 to vector<16xi32>
    %ge3A_88 = arith.cmpi sge, %get3A_86, %ge3A_87 : vector<16xi32>
    %add3A_89 = arith.constant 5120 : i32
    %add3A_90 = arith.addi %mul3A_5, %add3A_89 : i32
    %lt3A_91 = vector.broadcast %add3A_90 : i32 to vector<16xi32>
    %lt3A_92 = arith.cmpi slt, %get3A_86, %lt3A_91 : vector<16xi32>
    %and3A_93 = arith.andi %ge3A_88, %lt3A_92 : vector<16xi1>
    %sub3A_94 = vector.broadcast %mul3A_5 : i32 to vector<16xi32>
    %sub3A_95 = arith.subi %get3A_86, %sub3A_94 : vector<16xi32>
    %jit3A_96 = arith.constant 2147483647 : i32
    %broadcast_in_dim3A_97 = vector.broadcast %jit3A_96 : i32 to vector<16xi32>
    %select_n3A_98 = arith.select %and3A_93, %sub3A_95, %broadcast_in_dim3A_97 : vector<16xi1>, vector<16xi32>
    %swap3A_99 = arith.constant 16 : index
    %swap3A_100 = tpu.vector_load %arg19[%swap3A_99] {strides = array<i32>} : memref<80xi32, #tpu.memory_space<vmem>>, vector<16xi32>,
    %swap3A_101 = vector.shape_cast %swap3A_100 : vector<16xi32> to vector<16xi32>
    %swap3A_102 = vector.shape_cast %select_n3A_98 : vector<16xi32> to vector<16xi32>
    tpu.vector_store %arg19[%swap3A_99], %swap3A_102 {strides = array<i32>} : memref<80xi32, #tpu.memory_space<vmem>>, vector<16xi32>,
    %swap3A_103 = arith.constant 16 : index
    %swap3A_104 = tpu.vector_load %arg23[%swap3A_103] {strides = array<i32>} : memref<32xi32, #tpu.memory_space<vmem>>, vector<16xi32>,
    %swap3A_105 = vector.shape_cast %swap3A_104 : vector<16xi32> to vector<16xi32>
    %swap3A_106 = vector.shape_cast %select_n3A_98 : vector<16xi32> to vector<16xi32>
    tpu.vector_store %arg23[%swap3A_103], %swap3A_106 {strides = array<i32>} : memref<32xi32, #tpu.memory_space<vmem>>, vector<16xi32>,
    %get3A_107 = arith.constant 16 : index
    %get3A_108 = tpu.vector_load %arg7[%get3A_107] {strides = array<i32>} : memref<80xi32, #tpu.memory_space<vmem>>, vector<16xi32>,
    %get3A_109 = vector.shape_cast %get3A_108 : vector<16xi32> to vector<16xi32>
    %jit3A_110 = arith.constant 2147483647 : i32
    %broadcast_in_dim3A_111 = vector.broadcast %jit3A_110 : i32 to vector<16xi32>
    %select_n3A_112 = arith.select %and3A_93, %get3A_109, %broadcast_in_dim3A_111 : vector<16xi1>, vector<16xi32>
    %swap3A_113 = arith.constant 16 : index
    %swap3A_114 = tpu.vector_load %arg15[%swap3A_113] {strides = array<i32>} : memref<80xi32, #tpu.memory_space<vmem>>, vector<16xi32>,
    %swap3A_115 = vector.shape_cast %swap3A_114 : vector<16xi32> to vector<16xi32>
    %swap3A_116 = vector.shape_cast %select_n3A_112 : vector<16xi32> to vector<16xi32>
    tpu.vector_store %arg15[%swap3A_113], %swap3A_116 {strides = array<i32>} : memref<80xi32, #tpu.memory_space<vmem>>, vector<16xi32>,
    %get3A_117 = arith.constant 32 : index
    %get3A_118 = tpu.vector_load %arg11[%get3A_117] {strides = array<i32>} : memref<80xi32, #tpu.memory_space<vmem>>, vector<16xi32>,
    %get3A_119 = vector.shape_cast %get3A_118 : vector<16xi32> to vector<16xi32>
    %ge3A_120 = vector.broadcast %mul3A_5 : i32 to vector<16xi32>
    %ge3A_121 = arith.cmpi sge, %get3A_119, %ge3A_120 : vector<16xi32>
    %add3A_122 = arith.constant 5120 : i32
    %add3A_123 = arith.addi %mul3A_5, %add3A_122 : i32
    %lt3A_124 = vector.broadcast %add3A_123 : i32 to vector<16xi32>
    %lt3A_125 = arith.cmpi slt, %get3A_119, %lt3A_124 : vector<16xi32>
    %and3A_126 = arith.andi %ge3A_121, %lt3A_125 : vector<16xi1>
    %sub3A_127 = vector.broadcast %mul3A_5 : i32 to vector<16xi32>
    %sub3A_128 = arith.subi %get3A_119, %sub3A_127 : vector<16xi32>
    %jit3A_129 = arith.constant 2147483647 : i32
    %broadcast_in_dim3A_130 = vector.broadcast %jit3A_129 : i32 to vector<16xi32>
    %select_n3A_131 = arith.select %and3A_126, %sub3A_128, %broadcast_in_dim3A_130 : vector<16xi1>, vector<16xi32>
    %swap3A_132 = arith.constant 32 : index
    %swap3A_133 = tpu.vector_load %arg19[%swap3A_132] {strides = array<i32>} : memref<80xi32, #tpu.memory_space<vmem>>, vector<16xi32>,
    %swap3A_134 = vector.shape_cast %swap3A_133 : vector<16xi32> to vector<16xi32>
    %swap3A_135 = vector.shape_cast %select_n3A_131 : vector<16xi32> to vector<16xi32>
    tpu.vector_store %arg19[%swap3A_132], %swap3A_135 {strides = array<i32>} : memref<80xi32, #tpu.memory_space<vmem>>, vector<16xi32>,
    %swap3A_136 = arith.constant 0 : index
    %swap3A_137 = tpu.vector_load %arg27[%swap3A_136] {strides = array<i32>} : memref<32xi32, #tpu.memory_space<vmem>>, vector<16xi32>,
    %swap3A_138 = vector.shape_cast %swap3A_137 : vector<16xi32> to vector<16xi32>
    %swap3A_139 = vector.shape_cast %select_n3A_131 : vector<16xi32> to vector<16xi32>
    tpu.vector_store %arg27[%swap3A_136], %swap3A_139 {strides = array<i32>} : memref<32xi32, #tpu.memory_space<vmem>>, vector<16xi32>,
    %get3A_140 = arith.constant 32 : index
    %get3A_141 = tpu.vector_load %arg7[%get3A_140] {strides = array<i32>} : memref<80xi32, #tpu.memory_space<vmem>>, vector<16xi32>,
    %get3A_142 = vector.shape_cast %get3A_141 : vector<16xi32> to vector<16xi32>
    %jit3A_143 = arith.constant 2147483647 : i32
    %broadcast_in_dim3A_144 = vector.broadcast %jit3A_143 : i32 to vector<16xi32>
    %select_n3A_145 = arith.select %and3A_126, %get3A_142, %broadcast_in_dim3A_144 : vector<16xi1>, vector<16xi32>
    %swap3A_146 = arith.constant 32 : index
    %swap3A_147 = tpu.vector_load %arg15[%swap3A_146] {strides = array<i32>} : memref<80xi32, #tpu.memory_space<vmem>>, vector<16xi32>,
    %swap3A_148 = vector.shape_cast %swap3A_147 : vector<16xi32> to vector<16xi32>
    %swap3A_149 = vector.shape_cast %select_n3A_145 : vector<16xi32> to vector<16xi32>
    tpu.vector_store %arg15[%swap3A_146], %swap3A_149 {strides = array<i32>} : memref<80xi32, #tpu.memory_space<vmem>>, vector<16xi32>,
    %get3A_150 = arith.constant 48 : index
    %get3A_151 = tpu.vector_load %arg11[%get3A_150] {strides = array<i32>} : memref<80xi32, #tpu.memory_space<vmem>>, vector<16xi32>,
    %get3A_152 = vector.shape_cast %get3A_151 : vector<16xi32> to vector<16xi32>
    %ge3A_153 = vector.broadcast %mul3A_5 : i32 to vector<16xi32>
    %ge3A_154 = arith.cmpi sge, %get3A_152, %ge3A_153 : vector<16xi32>
    %add3A_155 = arith.constant 5120 : i32
    %add3A_156 = arith.addi %mul3A_5, %add3A_155 : i32
    %lt3A_157 = vector.broadcast %add3A_156 : i32 to vector<16xi32>
    %lt3A_158 = arith.cmpi slt, %get3A_152, %lt3A_157 : vector<16xi32>
    %and3A_159 = arith.andi %ge3A_154, %lt3A_158 : vector<16xi1>
    %sub3A_160 = vector.broadcast %mul3A_5 : i32 to vector<16xi32>
    %sub3A_161 = arith.subi %get3A_152, %sub3A_160 : vector<16xi32>
    %jit3A_162 = arith.constant 2147483647 : i32
    %broadcast_in_dim3A_163 = vector.broadcast %jit3A_162 : i32 to vector<16xi32>
    %select_n3A_164 = arith.select %and3A_159, %sub3A_161, %broadcast_in_dim3A_163 : vector<16xi1>, vector<16xi32>
    %swap3A_165 = arith.constant 48 : index
    %swap3A_166 = tpu.vector_load %arg19[%swap3A_165] {strides = array<i32>} : memref<80xi32, #tpu.memory_space<vmem>>, vector<16xi32>,
    %swap3A_167 = vector.shape_cast %swap3A_166 : vector<16xi32> to vector<16xi32>
    %swap3A_168 = vector.shape_cast %select_n3A_164 : vector<16xi32> to vector<16xi32>
    tpu.vector_store %arg19[%swap3A_165], %swap3A_168 {strides = array<i32>} : memref<80xi32, #tpu.memory_space<vmem>>, vector<16xi32>,
    %swap3A_169 = arith.constant 16 : index
    %swap3A_170 = tpu.vector_load %arg27[%swap3A_169] {strides = array<i32>} : memref<32xi32, #tpu.memory_space<vmem>>, vector<16xi32>,
    %swap3A_171 = vector.shape_cast %swap3A_170 : vector<16xi32> to vector<16xi32>
    %swap3A_172 = vector.shape_cast %select_n3A_164 : vector<16xi32> to vector<16xi32>
    tpu.vector_store %arg27[%swap3A_169], %swap3A_172 {strides = array<i32>} : memref<32xi32, #tpu.memory_space<vmem>>, vector<16xi32>,
    %get3A_173 = arith.constant 48 : index
    %get3A_174 = tpu.vector_load %arg7[%get3A_173] {strides = array<i32>} : memref<80xi32, #tpu.memory_space<vmem>>, vector<16xi32>,
    %get3A_175 = vector.shape_cast %get3A_174 : vector<16xi32> to vector<16xi32>
    %jit3A_176 = arith.constant 2147483647 : i32
    %broadcast_in_dim3A_177 = vector.broadcast %jit3A_176 : i32 to vector<16xi32>
    %select_n3A_178 = arith.select %and3A_159, %get3A_175, %broadcast_in_dim3A_177 : vector<16xi1>, vector<16xi32>
    %swap3A_179 = arith.constant 48 : index
    %swap3A_180 = tpu.vector_load %arg15[%swap3A_179] {strides = array<i32>} : memref<80xi32, #tpu.memory_space<vmem>>, vector<16xi32>,
    %swap3A_181 = vector.shape_cast %swap3A_180 : vector<16xi32> to vector<16xi32>
    %swap3A_182 = vector.shape_cast %select_n3A_178 : vector<16xi32> to vector<16xi32>
    tpu.vector_store %arg15[%swap3A_179], %swap3A_182 {strides = array<i32>} : memref<80xi32, #tpu.memory_space<vmem>>, vector<16xi32>,
    %get3A_183 = arith.constant 64 : index
    %get3A_184 = tpu.vector_load %arg11[%get3A_183] {strides = array<i32>} : memref<80xi32, #tpu.memory_space<vmem>>, vector<16xi32>,
    %get3A_185 = vector.shape_cast %get3A_184 : vector<16xi32> to vector<16xi32>
    %ge3A_186 = vector.broadcast %mul3A_5 : i32 to vector<16xi32>
    %ge3A_187 = arith.cmpi sge, %get3A_185, %ge3A_186 : vector<16xi32>
    %add3A_188 = arith.constant 5120 : i32
    %add3A_189 = arith.addi %mul3A_5, %add3A_188 : i32
    %lt3A_190 = vector.broadcast %add3A_189 : i32 to vector<16xi32>
    %lt3A_191 = arith.cmpi slt, %get3A_185, %lt3A_190 : vector<16xi32>
    %and3A_192 = arith.andi %ge3A_187, %lt3A_191 : vector<16xi1>
    %sub3A_193 = vector.broadcast %mul3A_5 : i32 to vector<16xi32>
    %sub3A_194 = arith.subi %get3A_185, %sub3A_193 : vector<16xi32>
    %jit3A_195 = arith.constant 2147483647 : i32
    %broadcast_in_dim3A_196 = vector.broadcast %jit3A_195 : i32 to vector<16xi32>
    %select_n3A_197 = arith.select %and3A_192, %sub3A_194, %broadcast_in_dim3A_196 : vector<16xi1>, vector<16xi32>
    %swap3A_198 = arith.constant 64 : index
    %swap3A_199 = tpu.vector_load %arg19[%swap3A_198] {strides = array<i32>} : memref<80xi32, #tpu.memory_space<vmem>>, vector<16xi32>,
    %swap3A_200 = vector.shape_cast %swap3A_199 : vector<16xi32> to vector<16xi32>
    %swap3A_201 = vector.shape_cast %select_n3A_197 : vector<16xi32> to vector<16xi32>
    tpu.vector_store %arg19[%swap3A_198], %swap3A_201 {strides = array<i32>} : memref<80xi32, #tpu.memory_space<vmem>>, vector<16xi32>,
    %swap3A_202 = arith.constant 0 : index
    %swap3A_203 = tpu.vector_load %arg31[%swap3A_202] {strides = array<i32>} : memref<16xi32, #tpu.memory_space<vmem>>, vector<16xi32>,
    %swap3A_204 = vector.shape_cast %swap3A_203 : vector<16xi32> to vector<16xi32>
    %swap3A_205 = vector.shape_cast %select_n3A_197 : vector<16xi32> to vector<16xi32>
    tpu.vector_store %arg31[%swap3A_202], %swap3A_205 {strides = array<i32>} : memref<16xi32, #tpu.memory_space<vmem>>, vector<16xi32>,
    %get3A_206 = arith.constant 64 : index
    %get3A_207 = tpu.vector_load %arg7[%get3A_206] {strides = array<i32>} : memref<80xi32, #tpu.memory_space<vmem>>, vector<16xi32>,
    %get3A_208 = vector.shape_cast %get3A_207 : vector<16xi32> to vector<16xi32>
    %jit3A_209 = arith.constant 2147483647 : i32
    %broadcast_in_dim3A_210 = vector.broadcast %jit3A_209 : i32 to vector<16xi32>
    %select_n3A_211 = arith.select %and3A_192, %get3A_208, %broadcast_in_dim3A_210 : vector<16xi1>, vector<16xi32>
    %swap3A_212 = arith.constant 64 : index
    %swap3A_213 = tpu.vector_load %arg15[%swap3A_212] {strides = array<i32>} : memref<80xi32, #tpu.memory_space<vmem>>, vector<16xi32>,
    %swap3A_214 = vector.shape_cast %swap3A_213 : vector<16xi32> to vector<16xi32>
    %swap3A_215 = vector.shape_cast %select_n3A_211 : vector<16xi32> to vector<16xi32>
    tpu.vector_store %arg15[%swap3A_212], %swap3A_215 {strides = array<i32>} : memref<80xi32, #tpu.memory_space<vmem>>, vector<16xi32>,
    %dma_start3A_216 = arith.constant 0 : i32
    %dma_start3A_217 = arith.constant 0 : i32
    %dma_start3A_218 = tpu.memref_slice %arg2[%dma_start3A_216, %dma_start3A_217] : memref<10000x128xf32, #tpu.memory_space<hbm>> -> memref<10000x128xf32, #tpu.memory_space<hbm>>
    %dma_start3A_219 = arith.constant 2147483647 : i32
    tpu.enqueue_indirect_dma source(%dma_start3A_218 : memref<10000x128xf32, #tpu.memory_space<hbm>>) target(%arg35 : memref<80x128xf32, #tpu.memory_space<vmem>>) offsets(%arg15 : memref<80xi32, #tpu.memory_space<vmem>>) offset_filter(%dma_start3A_219) semaphore(%arg46 : memref<!tpu.dma_semaphore, #tpu.memory_space<semaphore_mem>>)
    %dma_wait3A_220 = arith.constant 0 : i32
    %dma_wait3A_221 = arith.constant 0 : i32
    %dma_wait3A_222 = tpu.memref_slice %arg40[%dma_wait3A_220, %dma_wait3A_221] : memref<5120x128xf32, #tpu.memory_space<vmem_shared>> -> memref<5120x128xf32, #tpu.memory_space<vmem_shared>>
    tpu.wait_indirect_dma semaphore(%arg51 : memref<!tpu.dma_semaphore, #tpu.memory_space<semaphore_mem>>) src(%arg36 : memref<80x128xf32, #tpu.memory_space<vmem>>) dst(%dma_wait3A_222 : memref<5120x128xf32, #tpu.memory_space<vmem_shared>>)
    %dma_wait3A_223 = arith.constant 0 : i32
    %dma_wait3A_224 = arith.constant 0 : i32
    %dma_wait3A_225 = tpu.memref_slice %arg41[%dma_wait3A_223, %dma_wait3A_224] : memref<5120x128xf32, #tpu.memory_space<vmem_shared>> -> memref<5120x128xf32, #tpu.memory_space<vmem_shared>>
    tpu.wait_indirect_dma semaphore(%arg55 : memref<!tpu.dma_semaphore, #tpu.memory_space<semaphore_mem>>) src(%arg39 : memref<32x128xf32, #tpu.memory_space<vmem>>) dst(%dma_wait3A_225 : memref<5120x128xf32, #tpu.memory_space<vmem_shared>>)
    %dma_wait3A_226 = arith.constant 0 : i32
    %dma_wait3A_227 = arith.constant 0 : i32
    %dma_wait3A_228 = tpu.memref_slice %arg41[%dma_wait3A_226, %dma_wait3A_227] : memref<5120x128xf32, #tpu.memory_space<vmem_shared>> -> memref<5120x128xf32, #tpu.memory_space<vmem_shared>>
    tpu.wait_indirect_dma semaphore(%arg55 : memref<!tpu.dma_semaphore, #tpu.memory_space<semaphore_mem>>) src(%arg39 : memref<32x128xf32, #tpu.memory_space<vmem>>) dst(%dma_wait3A_228 : memref<5120x128xf32, #tpu.memory_space<vmem_shared>>)
    %dma_wait3A_229 = arith.constant 0 : i32
    %dma_wait3A_230 = arith.constant 0 : i32
    %dma_wait3A_231 = tpu.memref_slice %arg39[%dma_wait3A_229, %dma_wait3A_230] : memref<32x128xf32, #tpu.memory_space<vmem>> -> memref<16x128xf32, #tpu.memory_space<vmem>>
    %dma_wait3A_232 = arith.constant 0 : i32
    %dma_wait3A_233 = arith.constant 0 : i32
    %dma_wait3A_234 = tpu.memref_slice %arg41[%dma_wait3A_232, %dma_wait3A_233] : memref<5120x128xf32, #tpu.memory_space<vmem_shared>> -> memref<5120x128xf32, #tpu.memory_space<vmem_shared>>
    tpu.wait_indirect_dma semaphore(%arg55 : memref<!tpu.dma_semaphore, #tpu.memory_space<semaphore_mem>>) src(%dma_wait3A_231 : memref<16x128xf32, #tpu.memory_space<vmem>>) dst(%dma_wait3A_234 : memref<5120x128xf32, #tpu.memory_space<vmem_shared>>)
    %dma_wait3A_235 = arith.constant 0 : i32
    %dma_wait3A_236 = tpu.memref_slice %arg4[%dma_wait3A_235] : memref<320000xi32, #tpu.memory_space<hbm>> -> memref<80xi32, #tpu.memory_space<hbm>>
    %dma_wait3A_237 = arith.constant 0 : i32
    %dma_wait3A_238 = tpu.memref_slice %arg4[%dma_wait3A_237] : memref<320000xi32, #tpu.memory_space<hbm>> -> memref<80xi32, #tpu.memory_space<hbm>>
    tpu.wait_dma2 semaphore(%arg43 : memref<!tpu.dma_semaphore, #tpu.memory_space<semaphore_mem>>) src(%dma_wait3A_238 : memref<80xi32, #tpu.memory_space<hbm>>) dst(%arg12 : memref<80xi32, #tpu.memory_space<vmem>>)
    %dma_wait3A_239 = arith.constant 0 : i32
    %dma_wait3A_240 = tpu.memref_slice %arg3[%dma_wait3A_239] : memref<320000xi32, #tpu.memory_space<hbm>> -> memref<80xi32, #tpu.memory_space<hbm>>
    %dma_wait3A_241 = arith.constant 0 : i32
    %dma_wait3A_242 = tpu.memref_slice %arg3[%dma_wait3A_241] : memref<320000xi32, #tpu.memory_space<hbm>> -> memref<80xi32, #tpu.memory_space<hbm>>
    tpu.wait_dma2 semaphore(%arg43 : memref<!tpu.dma_semaphore, #tpu.memory_space<semaphore_mem>>) src(%dma_wait3A_242 : memref<80xi32, #tpu.memory_space<hbm>>) dst(%arg8 : memref<80xi32, #tpu.memory_space<vmem>>)
    %get3A_243 = arith.constant 0 : index
    %get3A_244 = tpu.vector_load %arg12[%get3A_243] {strides = array<i32>} : memref<80xi32, #tpu.memory_space<vmem>>, vector<16xi32>,
    %get3A_245 = vector.shape_cast %get3A_244 : vector<16xi32> to vector<16xi32>
    %ge3A_246 = vector.broadcast %mul3A_5 : i32 to vector<16xi32>
    %ge3A_247 = arith.cmpi sge, %get3A_245, %ge3A_246 : vector<16xi32>
    %add3A_248 = arith.constant 5120 : i32
    %add3A_249 = arith.addi %mul3A_5, %add3A_248 : i32
    %lt3A_250 = vector.broadcast %add3A_249 : i32 to vector<16xi32>
    %lt3A_251 = arith.cmpi slt, %get3A_245, %lt3A_250 : vector<16xi32>
    %and3A_252 = arith.andi %ge3A_247, %lt3A_251 : vector<16xi1>
    %sub3A_253 = vector.broadcast %mul3A_5 : i32 to vector<16xi32>
    %sub3A_254 = arith.subi %get3A_245, %sub3A_253 : vector<16xi32>
    %jit3A_255 = arith.constant 2147483647 : i32
    %broadcast_in_dim3A_256 = vector.broadcast %jit3A_255 : i32 to vector<16xi32>
    %select_n3A_257 = arith.select %and3A_252, %sub3A_254, %broadcast_in_dim3A_256 : vector<16xi1>, vector<16xi32>
    %swap3A_258 = arith.constant 0 : index
    %swap3A_259 = tpu.vector_load %arg20[%swap3A_258] {strides = array<i32>} : memref<80xi32, #tpu.memory_space<vmem>>, vector<16xi32>,
    %swap3A_260 = vector.shape_cast %swap3A_259 : vector<16xi32> to vector<16xi32>
    %swap3A_261 = vector.shape_cast %select_n3A_257 : vector<16xi32> to vector<16xi32>
    tpu.vector_store %arg20[%swap3A_258], %swap3A_261 {strides = array<i32>} : memref<80xi32, #tpu.memory_space<vmem>>, vector<16xi32>,
    %swap3A_262 = arith.constant 0 : index
    %swap3A_263 = tpu.vector_load %arg24[%swap3A_262] {strides = array<i32>} : memref<32xi32, #tpu.memory_space<vmem>>, vector<16xi32>,
    %swap3A_264 = vector.shape_cast %swap3A_263 : vector<16xi32> to vector<16xi32>
    %swap3A_265 = vector.shape_cast %select_n3A_257 : vector<16xi32> to vector<16xi32>
    tpu.vector_store %arg24[%swap3A_262], %swap3A_265 {strides = array<i32>} : memref<32xi32, #tpu.memory_space<vmem>>, vector<16xi32>,
    %get3A_266 = arith.constant 0 : index
    %get3A_267 = tpu.vector_load %arg8[%get3A_266] {strides = array<i32>} : memref<80xi32, #tpu.memory_space<vmem>>, vector<16xi32>,
    %get3A_268 = vector.shape_cast %get3A_267 : vector<16xi32> to vector<16xi32>
    %jit3A_269 = arith.constant 2147483647 : i32
    %broadcast_in_dim3A_270 = vector.broadcast %jit3A_269 : i32 to vector<16xi32>
    %select_n3A_271 = arith.select %and3A_252, %get3A_268, %broadcast_in_dim3A_270 : vector<16xi1>, vector<16xi32>
    %swap3A_272 = arith.constant 0 : index
    %swap3A_273 = tpu.vector_load %arg16[%swap3A_272] {strides = array<i32>} : memref<80xi32, #tpu.memory_space<vmem>>, vector<16xi32>,
    %swap3A_274 = vector.shape_cast %swap3A_273 : vector<16xi32> to vector<16xi32>
    %swap3A_275 = vector.shape_cast %select_n3A_271 : vector<16xi32> to vector<16xi32>
    tpu.vector_store %arg16[%swap3A_272], %swap3A_275 {strides = array<i32>} : memref<80xi32, #tpu.memory_space<vmem>>, vector<16xi32>,
    %get3A_276 = arith.constant 16 : index
    %get3A_277 = tpu.vector_load %arg12[%get3A_276] {strides = array<i32>} : memref<80xi32, #tpu.memory_space<vmem>>, vector<16xi32>,
    %get3A_278 = vector.shape_cast %get3A_277 : vector<16xi32> to vector<16xi32>
    %ge3A_279 = vector.broadcast %mul3A_5 : i32 to vector<16xi32>
    %ge3A_280 = arith.cmpi sge, %get3A_278, %ge3A_279 : vector<16xi32>
    %add3A_281 = arith.constant 5120 : i32
    %add3A_282 = arith.addi %mul3A_5, %add3A_281 : i32
    %lt3A_283 = vector.broadcast %add3A_282 : i32 to vector<16xi32>
    %lt3A_284 = arith.cmpi slt, %get3A_278, %lt3A_283 : vector<16xi32>
    %and3A_285 = arith.andi %ge3A_280, %lt3A_284 : vector<16xi1>
    %sub3A_286 = vector.broadcast %mul3A_5 : i32 to vector<16xi32>
    %sub3A_287 = arith.subi %get3A_278, %sub3A_286 : vector<16xi32>
    %jit3A_288 = arith.constant 2147483647 : i32
    %broadcast_in_dim3A_289 = vector.broadcast %jit3A_288 : i32 to vector<16xi32>
    %select_n3A_290 = arith.select %and3A_285, %sub3A_287, %broadcast_in_dim3A_289 : vector<16xi1>, vector<16xi32>
    %swap3A_291 = arith.constant 16 : index
    %swap3A_292 = tpu.vector_load %arg20[%swap3A_291] {strides = array<i32>} : memref<80xi32, #tpu.memory_space<vmem>>, vector<16xi32>,
    %swap3A_293 = vector.shape_cast %swap3A_292 : vector<16xi32> to vector<16xi32>
    %swap3A_294 = vector.shape_cast %select_n3A_290 : vector<16xi32> to vector<16xi32>
    tpu.vector_store %arg20[%swap3A_291], %swap3A_294 {strides = array<i32>} : memref<80xi32, #tpu.memory_space<vmem>>, vector<16xi32>,
    %swap3A_295 = arith.constant 16 : index
    %swap3A_296 = tpu.vector_load %arg24[%swap3A_295] {strides = array<i32>} : memref<32xi32, #tpu.memory_space<vmem>>, vector<16xi32>,
    %swap3A_297 = vector.shape_cast %swap3A_296 : vector<16xi32> to vector<16xi32>
    %swap3A_298 = vector.shape_cast %select_n3A_290 : vector<16xi32> to vector<16xi32>
    tpu.vector_store %arg24[%swap3A_295], %swap3A_298 {strides = array<i32>} : memref<32xi32, #tpu.memory_space<vmem>>, vector<16xi32>,
    %get3A_299 = arith.constant 16 : index
    %get3A_300 = tpu.vector_load %arg8[%get3A_299] {strides = array<i32>} : memref<80xi32, #tpu.memory_space<vmem>>, vector<16xi32>,
    %get3A_301 = vector.shape_cast %get3A_300 : vector<16xi32> to vector<16xi32>
    %jit3A_302 = arith.constant 2147483647 : i32
    %broadcast_in_dim3A_303 = vector.broadcast %jit3A_302 : i32 to vector<16xi32>
    %select_n3A_304 = arith.select %and3A_285, %get3A_301, %broadcast_in_dim3A_303 : vector<16xi1>, vector<16xi32>
    %swap3A_305 = arith.constant 16 : index
    %swap3A_306 = tpu.vector_load %arg16[%swap3A_305] {strides = array<i32>} : memref<80xi32, #tpu.memory_space<vmem>>, vector<16xi32>,
    %swap3A_307 = vector.shape_cast %swap3A_306 : vector<16xi32> to vector<16xi32>
    %swap3A_308 = vector.shape_cast %select_n3A_304 : vector<16xi32> to vector<16xi32>
    tpu.vector_store %arg16[%swap3A_305], %swap3A_308 {strides = array<i32>} : memref<80xi32, #tpu.memory_space<vmem>>, vector<16xi32>,
    %get3A_309 = arith.constant 32 : index
    %get3A_310 = tpu.vector_load %arg12[%get3A_309] {strides = array<i32>} : memref<80xi32, #tpu.memory_space<vmem>>, vector<16xi32>,
    %get3A_311 = vector.shape_cast %get3A_310 : vector<16xi32> to vector<16xi32>
    %ge3A_312 = vector.broadcast %mul3A_5 : i32 to vector<16xi32>
    %ge3A_313 = arith.cmpi sge, %get3A_311, %ge3A_312 : vector<16xi32>
    %add3A_314 = arith.constant 5120 : i32
    %add3A_315 = arith.addi %mul3A_5, %add3A_314 : i32
    %lt3A_316 = vector.broadcast %add3A_315 : i32 to vector<16xi32>
    %lt3A_317 = arith.cmpi slt, %get3A_311, %lt3A_316 : vector<16xi32>
    %and3A_318 = arith.andi %ge3A_313, %lt3A_317 : vector<16xi1>
    %sub3A_319 = vector.broadcast %mul3A_5 : i32 to vector<16xi32>
    %sub3A_320 = arith.subi %get3A_311, %sub3A_319 : vector<16xi32>
    %jit3A_321 = arith.constant 2147483647 : i32
    %broadcast_in_dim3A_322 = vector.broadcast %jit3A_321 : i32 to vector<16xi32>
    %select_n3A_323 = arith.select %and3A_318, %sub3A_320, %broadcast_in_dim3A_322 : vector<16xi1>, vector<16xi32>
    %swap3A_324 = arith.constant 32 : index
    %swap3A_325 = tpu.vector_load %arg20[%swap3A_324] {strides = array<i32>} : memref<80xi32, #tpu.memory_space<vmem>>, vector<16xi32>,
    %swap3A_326 = vector.shape_cast %swap3A_325 : vector<16xi32> to vector<16xi32>
    %swap3A_327 = vector.shape_cast %select_n3A_323 : vector<16xi32> to vector<16xi32>
    tpu.vector_store %arg20[%swap3A_324], %swap3A_327 {strides = array<i32>} : memref<80xi32, #tpu.memory_space<vmem>>, vector<16xi32>,
    %swap3A_328 = arith.constant 0 : index
    %swap3A_329 = tpu.vector_load %arg28[%swap3A_328] {strides = array<i32>} : memref<32xi32, #tpu.memory_space<vmem>>, vector<16xi32>,
    %swap3A_330 = vector.shape_cast %swap3A_329 : vector<16xi32> to vector<16xi32>
    %swap3A_331 = vector.shape_cast %select_n3A_323 : vector<16xi32> to vector<16xi32>
    tpu.vector_store %arg28[%swap3A_328], %swap3A_331 {strides = array<i32>} : memref<32xi32, #tpu.memory_space<vmem>>, vector<16xi32>,
    %get3A_332 = arith.constant 32 : index
    %get3A_333 = tpu.vector_load %arg8[%get3A_332] {strides = array<i32>} : memref<80xi32, #tpu.memory_space<vmem>>, vector<16xi32>,
    %get3A_334 = vector.shape_cast %get3A_333 : vector<16xi32> to vector<16xi32>
    %jit3A_335 = arith.constant 2147483647 : i32
    %broadcast_in_dim3A_336 = vector.broadcast %jit3A_335 : i32 to vector<16xi32>
    %select_n3A_337 = arith.select %and3A_318, %get3A_334, %broadcast_in_dim3A_336 : vector<16xi1>, vector<16xi32>
    %swap3A_338 = arith.constant 32 : index
    %swap3A_339 = tpu.vector_load %arg16[%swap3A_338] {strides = array<i32>} : memref<80xi32, #tpu.memory_space<vmem>>, vector<16xi32>,
    %swap3A_340 = vector.shape_cast %swap3A_339 : vector<16xi32> to vector<16xi32>
    %swap3A_341 = vector.shape_cast %select_n3A_337 : vector<16xi32> to vector<16xi32>
    tpu.vector_store %arg16[%swap3A_338], %swap3A_341 {strides = array<i32>} : memref<80xi32, #tpu.memory_space<vmem>>, vector<16xi32>,
    %get3A_342 = arith.constant 48 : index
    %get3A_343 = tpu.vector_load %arg12[%get3A_342] {strides = array<i32>} : memref<80xi32, #tpu.memory_space<vmem>>, vector<16xi32>,
    %get3A_344 = vector.shape_cast %get3A_343 : vector<16xi32> to vector<16xi32>
    %ge3A_345 = vector.broadcast %mul3A_5 : i32 to vector<16xi32>
    %ge3A_346 = arith.cmpi sge, %get3A_344, %ge3A_345 : vector<16xi32>
    %add3A_347 = arith.constant 5120 : i32
    %add3A_348 = arith.addi %mul3A_5, %add3A_347 : i32
    %lt3A_349 = vector.broadcast %add3A_348 : i32 to vector<16xi32>
    %lt3A_350 = arith.cmpi slt, %get3A_344, %lt3A_349 : vector<16xi32>
    %and3A_351 = arith.andi %ge3A_346, %lt3A_350 : vector<16xi1>
    %sub3A_352 = vector.broadcast %mul3A_5 : i32 to vector<16xi32>
    %sub3A_353 = arith.subi %get3A_344, %sub3A_352 : vector<16xi32>
    %jit3A_354 = arith.constant 2147483647 : i32
    %broadcast_in_dim3A_355 = vector.broadcast %jit3A_354 : i32 to vector<16xi32>
    %select_n3A_356 = arith.select %and3A_351, %sub3A_353, %broadcast_in_dim3A_355 : vector<16xi1>, vector<16xi32>
    %swap3A_357 = arith.constant 48 : index
    %swap3A_358 = tpu.vector_load %arg20[%swap3A_357] {strides = array<i32>} : memref<80xi32, #tpu.memory_space<vmem>>, vector<16xi32>,
    %swap3A_359 = vector.shape_cast %swap3A_358 : vector<16xi32> to vector<16xi32>
    %swap3A_360 = vector.shape_cast %select_n3A_356 : vector<16xi32> to vector<16xi32>
    tpu.vector_store %arg20[%swap3A_357], %swap3A_360 {strides = array<i32>} : memref<80xi32, #tpu.memory_space<vmem>>, vector<16xi32>,
    %swap3A_361 = arith.constant 16 : index
    %swap3A_362 = tpu.vector_load %arg28[%swap3A_361] {strides = array<i32>} : memref<32xi32, #tpu.memory_space<vmem>>, vector<16xi32>,
    %swap3A_363 = vector.shape_cast %swap3A_362 : vector<16xi32> to vector<16xi32>
    %swap3A_364 = vector.shape_cast %select_n3A_356 : vector<16xi32> to vector<16xi32>
    tpu.vector_store %arg28[%swap3A_361], %swap3A_364 {strides = array<i32>} : memref<32xi32, #tpu.memory_space<vmem>>, vector<16xi32>,
    %get3A_365 = arith.constant 48 : index
    %get3A_366 = tpu.vector_load %arg8[%get3A_365] {strides = array<i32>} : memref<80xi32, #tpu.memory_space<vmem>>, vector<16xi32>,
    %get3A_367 = vector.shape_cast %get3A_366 : vector<16xi32> to vector<16xi32>
    %jit3A_368 = arith.constant 2147483647 : i32
    %broadcast_in_dim3A_369 = vector.broadcast %jit3A_368 : i32 to vector<16xi32>
    %select_n3A_370 = arith.select %and3A_351, %get3A_367, %broadcast_in_dim3A_369 : vector<16xi1>, vector<16xi32>
    %swap3A_371 = arith.constant 48 : index
    %swap3A_372 = tpu.vector_load %arg16[%swap3A_371] {strides = array<i32>} : memref<80xi32, #tpu.memory_space<vmem>>, vector<16xi32>,
    %swap3A_373 = vector.shape_cast %swap3A_372 : vector<16xi32> to vector<16xi32>
    %swap3A_374 = vector.shape_cast %select_n3A_370 : vector<16xi32> to vector<16xi32>
    tpu.vector_store %arg16[%swap3A_371], %swap3A_374 {strides = array<i32>} : memref<80xi32, #tpu.memory_space<vmem>>, vector<16xi32>,
    %get3A_375 = arith.constant 64 : index
    %get3A_376 = tpu.vector_load %arg12[%get3A_375] {strides = array<i32>} : memref<80xi32, #tpu.memory_space<vmem>>, vector<16xi32>,
    %get3A_377 = vector.shape_cast %get3A_376 : vector<16xi32> to vector<16xi32>
    %ge3A_378 = vector.broadcast %mul3A_5 : i32 to vector<16xi32>
    %ge3A_379 = arith.cmpi sge, %get3A_377, %ge3A_378 : vector<16xi32>
    %add3A_380 = arith.constant 5120 : i32
    %add3A_381 = arith.addi %mul3A_5, %add3A_380 : i32
    %lt3A_382 = vector.broadcast %add3A_381 : i32 to vector<16xi32>
    %lt3A_383 = arith.cmpi slt, %get3A_377, %lt3A_382 : vector<16xi32>
    %and3A_384 = arith.andi %ge3A_379, %lt3A_383 : vector<16xi1>
    %sub3A_385 = vector.broadcast %mul3A_5 : i32 to vector<16xi32>
    %sub3A_386 = arith.subi %get3A_377, %sub3A_385 : vector<16xi32>
    %jit3A_387 = arith.constant 2147483647 : i32
    %broadcast_in_dim3A_388 = vector.broadcast %jit3A_387 : i32 to vector<16xi32>
    %select_n3A_389 = arith.select %and3A_384, %sub3A_386, %broadcast_in_dim3A_388 : vector<16xi1>, vector<16xi32>
    %swap3A_390 = arith.constant 64 : index
    %swap3A_391 = tpu.vector_load %arg20[%swap3A_390] {strides = array<i32>} : memref<80xi32, #tpu.memory_space<vmem>>, vector<16xi32>,
    %swap3A_392 = vector.shape_cast %swap3A_391 : vector<16xi32> to vector<16xi32>
    %swap3A_393 = vector.shape_cast %select_n3A_389 : vector<16xi32> to vector<16xi32>
    tpu.vector_store %arg20[%swap3A_390], %swap3A_393 {strides = array<i32>} : memref<80xi32, #tpu.memory_space<vmem>>, vector<16xi32>,
    %swap3A_394 = arith.constant 0 : index
    %swap3A_395 = tpu.vector_load %arg32[%swap3A_394] {strides = array<i32>} : memref<16xi32, #tpu.memory_space<vmem>>, vector<16xi32>,
    %swap3A_396 = vector.shape_cast %swap3A_395 : vector<16xi32> to vector<16xi32>
    %swap3A_397 = vector.shape_cast %select_n3A_389 : vector<16xi32> to vector<16xi32>
    tpu.vector_store %arg32[%swap3A_394], %swap3A_397 {strides = array<i32>} : memref<16xi32, #tpu.memory_space<vmem>>, vector<16xi32>,
    %get3A_398 = arith.constant 64 : index
    %get3A_399 = tpu.vector_load %arg8[%get3A_398] {strides = array<i32>} : memref<80xi32, #tpu.memory_space<vmem>>, vector<16xi32>,
    %get3A_400 = vector.shape_cast %get3A_399 : vector<16xi32> to vector<16xi32>
    %jit3A_401 = arith.constant 2147483647 : i32
    %broadcast_in_dim3A_402 = vector.broadcast %jit3A_401 : i32 to vector<16xi32>
    %select_n3A_403 = arith.select %and3A_384, %get3A_400, %broadcast_in_dim3A_402 : vector<16xi1>, vector<16xi32>
    %swap3A_404 = arith.constant 64 : index
    %swap3A_405 = tpu.vector_load %arg16[%swap3A_404] {strides = array<i32>} : memref<80xi32, #tpu.memory_space<vmem>>, vector<16xi32>,
    %swap3A_406 = vector.shape_cast %swap3A_405 : vector<16xi32> to vector<16xi32>
    %swap3A_407 = vector.shape_cast %select_n3A_403 : vector<16xi32> to vector<16xi32>
    tpu.vector_store %arg16[%swap3A_404], %swap3A_407 {strides = array<i32>} : memref<80xi32, #tpu.memory_space<vmem>>, vector<16xi32>,
    %dma_start3A_408 = arith.constant 0 : i32
    %dma_start3A_409 = arith.constant 0 : i32
    %dma_start3A_410 = tpu.memref_slice %arg2[%dma_start3A_408, %dma_start3A_409] : memref<10000x128xf32, #tpu.memory_space<hbm>> -> memref<10000x128xf32, #tpu.memory_space<hbm>>
    %dma_start3A_411 = arith.constant 2147483647 : i32
    tpu.enqueue_indirect_dma source(%dma_start3A_410 : memref<10000x128xf32, #tpu.memory_space<hbm>>) target(%arg36 : memref<80x128xf32, #tpu.memory_space<vmem>>) offsets(%arg16 : memref<80xi32, #tpu.memory_space<vmem>>) offset_filter(%dma_start3A_411) semaphore(%arg47 : memref<!tpu.dma_semaphore, #tpu.memory_space<semaphore_mem>>)
    %dma_wait3A_412 = arith.constant 0 : i32
    %dma_wait3A_413 = arith.constant 0 : i32
    %dma_wait3A_414 = tpu.memref_slice %arg2[%dma_wait3A_412, %dma_wait3A_413] : memref<10000x128xf32, #tpu.memory_space<hbm>> -> memref<10000x128xf32, #tpu.memory_space<hbm>>
    tpu.wait_indirect_dma semaphore(%arg48 : memref<!tpu.dma_semaphore, #tpu.memory_space<semaphore_mem>>) src(%dma_wait3A_414 : memref<10000x128xf32, #tpu.memory_space<hbm>>) dst(%arg37 : memref<80x128xf32, #tpu.memory_space<vmem>>)
    %dma_start3A_415 = arith.constant 0 : i32
    %dma_start3A_416 = arith.constant 0 : i32
    %dma_start3A_417 = tpu.memref_slice %arg40[%dma_start3A_415, %dma_start3A_416] : memref<5120x128xf32, #tpu.memory_space<vmem_shared>> -> memref<5120x128xf32, #tpu.memory_space<vmem_shared>>
    %dma_start3A_418 = arith.constant 2147483647 : i32
    tpu.enqueue_indirect_dma source(%arg37 : memref<80x128xf32, #tpu.memory_space<vmem>>) target(%dma_start3A_417 : memref<5120x128xf32, #tpu.memory_space<vmem_shared>>) offsets(%arg21 : memref<80xi32, #tpu.memory_space<vmem>>) offset_filter(%dma_start3A_418) semaphore(%arg52 : memref<!tpu.dma_semaphore, #tpu.memory_space<semaphore_mem>>) {add = true}
    %dma_start3A_419 = arith.constant 0 : i32
    %dma_start3A_420 = arith.constant 0 : i32
    %dma_start3A_421 = tpu.memref_slice %arg41[%dma_start3A_419, %dma_start3A_420] : memref<5120x128xf32, #tpu.memory_space<vmem_shared>> -> memref<5120x128xf32, #tpu.memory_space<vmem_shared>>
    %dma_start3A_422 = arith.constant 2147483647 : i32
    tpu.enqueue_indirect_dma source(%arg39 : memref<32x128xf32, #tpu.memory_space<vmem>>) target(%dma_start3A_421 : memref<5120x128xf32, #tpu.memory_space<vmem_shared>>) offsets(%arg25 : memref<32xi32, #tpu.memory_space<vmem>>) offset_filter(%dma_start3A_422) semaphore(%arg56 : memref<!tpu.dma_semaphore, #tpu.memory_space<semaphore_mem>>) {add = true}
    %dma_start3A_423 = arith.constant 0 : i32
    %dma_start3A_424 = arith.constant 0 : i32
    %dma_start3A_425 = tpu.memref_slice %arg41[%dma_start3A_423, %dma_start3A_424] : memref<5120x128xf32, #tpu.memory_space<vmem_shared>> -> memref<5120x128xf32, #tpu.memory_space<vmem_shared>>
    %dma_start3A_426 = arith.constant 2147483647 : i32
    tpu.enqueue_indirect_dma source(%arg39 : memref<32x128xf32, #tpu.memory_space<vmem>>) target(%dma_start3A_425 : memref<5120x128xf32, #tpu.memory_space<vmem_shared>>) offsets(%arg29 : memref<32xi32, #tpu.memory_space<vmem>>) offset_filter(%dma_start3A_426) semaphore(%arg56 : memref<!tpu.dma_semaphore, #tpu.memory_space<semaphore_mem>>) {add = true}
    %dma_start3A_427 = arith.constant 0 : i32
    %dma_start3A_428 = arith.constant 0 : i32
    %dma_start3A_429 = tpu.memref_slice %arg39[%dma_start3A_427, %dma_start3A_428] : memref<32x128xf32, #tpu.memory_space<vmem>> -> memref<16x128xf32, #tpu.memory_space<vmem>>
    %dma_start3A_430 = arith.constant 0 : i32
    %dma_start3A_431 = arith.constant 0 : i32
    %dma_start3A_432 = tpu.memref_slice %arg41[%dma_start3A_430, %dma_start3A_431] : memref<5120x128xf32, #tpu.memory_space<vmem_shared>> -> memref<5120x128xf32, #tpu.memory_space<vmem_shared>>
    %dma_start3A_433 = arith.constant 2147483647 : i32
    tpu.enqueue_indirect_dma source(%dma_start3A_429 : memref<16x128xf32, #tpu.memory_space<vmem>>) target(%dma_start3A_432 : memref<5120x128xf32, #tpu.memory_space<vmem_shared>>) offsets(%arg33 : memref<16xi32, #tpu.memory_space<vmem>>) offset_filter(%dma_start3A_433) semaphore(%arg56 : memref<!tpu.dma_semaphore, #tpu.memory_space<semaphore_mem>>) {add = true}
    %dma_wait3A_434 = arith.constant 0 : i32
    %dma_wait3A_435 = arith.constant 0 : i32
    %dma_wait3A_436 = tpu.memref_slice %arg2[%dma_wait3A_434, %dma_wait3A_435] : memref<10000x128xf32, #tpu.memory_space<hbm>> -> memref<10000x128xf32, #tpu.memory_space<hbm>>
    tpu.wait_indirect_dma semaphore(%arg49 : memref<!tpu.dma_semaphore, #tpu.memory_space<semaphore_mem>>) src(%dma_wait3A_436 : memref<10000x128xf32, #tpu.memory_space<hbm>>) dst(%arg38 : memref<80x128xf32, #tpu.memory_space<vmem>>)
    %dma_start3A_437 = arith.constant 0 : i32
    %dma_start3A_438 = arith.constant 0 : i32
    %dma_start3A_439 = tpu.memref_slice %arg40[%dma_start3A_437, %dma_start3A_438] : memref<5120x128xf32, #tpu.memory_space<vmem_shared>> -> memref<5120x128xf32, #tpu.memory_space<vmem_shared>>
    %dma_start3A_440 = arith.constant 2147483647 : i32
    tpu.enqueue_indirect_dma source(%arg38 : memref<80x128xf32, #tpu.memory_space<vmem>>) target(%dma_start3A_439 : memref<5120x128xf32, #tpu.memory_space<vmem_shared>>) offsets(%arg22 : memref<80xi32, #tpu.memory_space<vmem>>) offset_filter(%dma_start3A_440) semaphore(%arg53 : memref<!tpu.dma_semaphore, #tpu.memory_space<semaphore_mem>>) {add = true}
    %dma_start3A_441 = arith.constant 0 : i32
    %dma_start3A_442 = arith.constant 0 : i32
    %dma_start3A_443 = tpu.memref_slice %arg41[%dma_start3A_441, %dma_start3A_442] : memref<5120x128xf32, #tpu.memory_space<vmem_shared>> -> memref<5120x128xf32, #tpu.memory_space<vmem_shared>>
    %dma_start3A_444 = arith.constant 2147483647 : i32
    tpu.enqueue_indirect_dma source(%arg39 : memref<32x128xf32, #tpu.memory_space<vmem>>) target(%dma_start3A_443 : memref<5120x128xf32, #tpu.memory_space<vmem_shared>>) offsets(%arg26 : memref<32xi32, #tpu.memory_space<vmem>>) offset_filter(%dma_start3A_444) semaphore(%arg57 : memref<!tpu.dma_semaphore, #tpu.memory_space<semaphore_mem>>) {add = true}
    %dma_start3A_445 = arith.constant 0 : i32
    %dma_start3A_446 = arith.constant 0 : i32
    %dma_start3A_447 = tpu.memref_slice %arg41[%dma_start3A_445, %dma_start3A_446] : memref<5120x128xf32, #tpu.memory_space<vmem_shared>> -> memref<5120x128xf32, #tpu.memory_space<vmem_shared>>
    %dma_start3A_448 = arith.constant 2147483647 : i32
    tpu.enqueue_indirect_dma source(%arg39 : memref<32x128xf32, #tpu.memory_space<vmem>>) target(%dma_start3A_447 : memref<5120x128xf32, #tpu.memory_space<vmem_shared>>) offsets(%arg30 : memref<32xi32, #tpu.memory_space<vmem>>) offset_filter(%dma_start3A_448) semaphore(%arg57 : memref<!tpu.dma_semaphore, #tpu.memory_space<semaphore_mem>>) {add = true}
    %dma_start3A_449 = arith.constant 0 : i32
    %dma_start3A_450 = arith.constant 0 : i32
    %dma_start3A_451 = tpu.memref_slice %arg39[%dma_start3A_449, %dma_start3A_450] : memref<32x128xf32, #tpu.memory_space<vmem>> -> memref<16x128xf32, #tpu.memory_space<vmem>>
    %dma_start3A_452 = arith.constant 0 : i32
    %dma_start3A_453 = arith.constant 0 : i32
    %dma_start3A_454 = tpu.memref_slice %arg41[%dma_start3A_452, %dma_start3A_453] : memref<5120x128xf32, #tpu.memory_space<vmem_shared>> -> memref<5120x128xf32, #tpu.memory_space<vmem_shared>>
    %dma_start3A_455 = arith.constant 2147483647 : i32
    tpu.enqueue_indirect_dma source(%dma_start3A_451 : memref<16x128xf32, #tpu.memory_space<vmem>>) target(%dma_start3A_454 : memref<5120x128xf32, #tpu.memory_space<vmem_shared>>) offsets(%arg34 : memref<16xi32, #tpu.memory_space<vmem>>) offset_filter(%dma_start3A_455) semaphore(%arg57 : memref<!tpu.dma_semaphore, #tpu.memory_space<semaphore_mem>>) {add = true}
    %dma_wait3A_456 = arith.constant 0 : i32
    %dma_wait3A_457 = arith.constant 0 : i32
    %dma_wait3A_458 = tpu.memref_slice %arg2[%dma_wait3A_456, %dma_wait3A_457] : memref<10000x128xf32, #tpu.memory_space<hbm>> -> memref<10000x128xf32, #tpu.memory_space<hbm>>
    tpu.wait_indirect_dma semaphore(%arg46 : memref<!tpu.dma_semaphore, #tpu.memory_space<semaphore_mem>>) src(%dma_wait3A_458 : memref<10000x128xf32, #tpu.memory_space<hbm>>) dst(%arg35 : memref<80x128xf32, #tpu.memory_space<vmem>>)
    %dma_start3A_459 = arith.constant 0 : i32
    %dma_start3A_460 = arith.constant 0 : i32
    %dma_start3A_461 = tpu.memref_slice %arg40[%dma_start3A_459, %dma_start3A_460] : memref<5120x128xf32, #tpu.memory_space<vmem_shared>> -> memref<5120x128xf32, #tpu.memory_space<vmem_shared>>
    %dma_start3A_462 = arith.constant 2147483647 : i32
    tpu.enqueue_indirect_dma source(%arg35 : memref<80x128xf32, #tpu.memory_space<vmem>>) target(%dma_start3A_461 : memref<5120x128xf32, #tpu.memory_space<vmem_shared>>) offsets(%arg19 : memref<80xi32, #tpu.memory_space<vmem>>) offset_filter(%dma_start3A_462) semaphore(%arg50 : memref<!tpu.dma_semaphore, #tpu.memory_space<semaphore_mem>>) {add = true}
    %dma_start3A_463 = arith.constant 0 : i32
    %dma_start3A_464 = arith.constant 0 : i32
    %dma_start3A_465 = tpu.memref_slice %arg41[%dma_start3A_463, %dma_start3A_464] : memref<5120x128xf32, #tpu.memory_space<vmem_shared>> -> memref<5120x128xf32, #tpu.memory_space<vmem_shared>>
    %dma_start3A_466 = arith.constant 2147483647 : i32
    tpu.enqueue_indirect_dma source(%arg39 : memref<32x128xf32, #tpu.memory_space<vmem>>) target(%dma_start3A_465 : memref<5120x128xf32, #tpu.memory_space<vmem_shared>>) offsets(%arg23 : memref<32xi32, #tpu.memory_space<vmem>>) offset_filter(%dma_start3A_466) semaphore(%arg54 : memref<!tpu.dma_semaphore, #tpu.memory_space<semaphore_mem>>) {add = true}
    %dma_start3A_467 = arith.constant 0 : i32
    %dma_start3A_468 = arith.constant 0 : i32
    %dma_start3A_469 = tpu.memref_slice %arg41[%dma_start3A_467, %dma_start3A_468] : memref<5120x128xf32, #tpu.memory_space<vmem_shared>> -> memref<5120x128xf32, #tpu.memory_space<vmem_shared>>
    %dma_start3A_470 = arith.constant 2147483647 : i32
    tpu.enqueue_indirect_dma source(%arg39 : memref<32x128xf32, #tpu.memory_space<vmem>>) target(%dma_start3A_469 : memref<5120x128xf32, #tpu.memory_space<vmem_shared>>) offsets(%arg27 : memref<32xi32, #tpu.memory_space<vmem>>) offset_filter(%dma_start3A_470) semaphore(%arg54 : memref<!tpu.dma_semaphore, #tpu.memory_space<semaphore_mem>>) {add = true}
    %dma_start3A_471 = arith.constant 0 : i32
    %dma_start3A_472 = arith.constant 0 : i32
    %dma_start3A_473 = tpu.memref_slice %arg39[%dma_start3A_471, %dma_start3A_472] : memref<32x128xf32, #tpu.memory_space<vmem>> -> memref<16x128xf32, #tpu.memory_space<vmem>>
    %dma_start3A_474 = arith.constant 0 : i32
    %dma_start3A_475 = arith.constant 0 : i32
    %dma_start3A_476 = tpu.memref_slice %arg41[%dma_start3A_474, %dma_start3A_475] : memref<5120x128xf32, #tpu.memory_space<vmem_shared>> -> memref<5120x128xf32, #tpu.memory_space<vmem_shared>>
    %dma_start3A_477 = arith.constant 2147483647 : i32
    tpu.enqueue_indirect_dma source(%dma_start3A_473 : memref<16x128xf32, #tpu.memory_space<vmem>>) target(%dma_start3A_476 : memref<5120x128xf32, #tpu.memory_space<vmem_shared>>) offsets(%arg31 : memref<16xi32, #tpu.memory_space<vmem>>) offset_filter(%dma_start3A_477) semaphore(%arg54 : memref<!tpu.dma_semaphore, #tpu.memory_space<semaphore_mem>>) {add = true}
    %dma_wait3A_478 = arith.constant 0 : i32
    %dma_wait3A_479 = arith.constant 0 : i32
    %dma_wait3A_480 = tpu.memref_slice %arg2[%dma_wait3A_478, %dma_wait3A_479] : memref<10000x128xf32, #tpu.memory_space<hbm>> -> memref<10000x128xf32, #tpu.memory_space<hbm>>
    tpu.wait_indirect_dma semaphore(%arg47 : memref<!tpu.dma_semaphore, #tpu.memory_space<semaphore_mem>>) src(%dma_wait3A_480 : memref<10000x128xf32, #tpu.memory_space<hbm>>) dst(%arg36 : memref<80x128xf32, #tpu.memory_space<vmem>>)
    %dma_start3A_481 = arith.constant 0 : i32
    %dma_start3A_482 = arith.constant 0 : i32
    %dma_start3A_483 = tpu.memref_slice %arg40[%dma_start3A_481, %dma_start3A_482] : memref<5120x128xf32, #tpu.memory_space<vmem_shared>> -> memref<5120x128xf32, #tpu.memory_space<vmem_shared>>
    %dma_start3A_484 = arith.constant 2147483647 : i32
    tpu.enqueue_indirect_dma source(%arg36 : memref<80x128xf32, #tpu.memory_space<vmem>>) target(%dma_start3A_483 : memref<5120x128xf32, #tpu.memory_space<vmem_shared>>) offsets(%arg20 : memref<80xi32, #tpu.memory_space<vmem>>) offset_filter(%dma_start3A_484) semaphore(%arg51 : memref<!tpu.dma_semaphore, #tpu.memory_space<semaphore_mem>>) {add = true}
    %dma_start3A_485 = arith.constant 0 : i32
    %dma_start3A_486 = arith.constant 0 : i32
    %dma_start3A_487 = tpu.memref_slice %arg41[%dma_start3A_485, %dma_start3A_486] : memref<5120x128xf32, #tpu.memory_space<vmem_shared>> -> memref<5120x128xf32, #tpu.memory_space<vmem_shared>>
    %dma_start3A_488 = arith.constant 2147483647 : i32
    tpu.enqueue_indirect_dma source(%arg39 : memref<32x128xf32, #tpu.memory_space<vmem>>) target(%dma_start3A_487 : memref<5120x128xf32, #tpu.memory_space<vmem_shared>>) offsets(%arg24 : memref<32xi32, #tpu.memory_space<vmem>>) offset_filter(%dma_start3A_488) semaphore(%arg55 : memref<!tpu.dma_semaphore, #tpu.memory_space<semaphore_mem>>) {add = true}
    %dma_start3A_489 = arith.constant 0 : i32
    %dma_start3A_490 = arith.constant 0 : i32
    %dma_start3A_491 = tpu.memref_slice %arg41[%dma_start3A_489, %dma_start3A_490] : memref<5120x128xf32, #tpu.memory_space<vmem_shared>> -> memref<5120x128xf32, #tpu.memory_space<vmem_shared>>
    %dma_start3A_492 = arith.constant 2147483647 : i32
    tpu.enqueue_indirect_dma source(%arg39 : memref<32x128xf32, #tpu.memory_space<vmem>>) target(%dma_start3A_491 : memref<5120x128xf32, #tpu.memory_space<vmem_shared>>) offsets(%arg28 : memref<32xi32, #tpu.memory_space<vmem>>) offset_filter(%dma_start3A_492) semaphore(%arg55 : memref<!tpu.dma_semaphore, #tpu.memory_space<semaphore_mem>>) {add = true}
    %dma_start3A_493 = arith.constant 0 : i32
    %dma_start3A_494 = arith.constant 0 : i32
    %dma_start3A_495 = tpu.memref_slice %arg39[%dma_start3A_493, %dma_start3A_494] : memref<32x128xf32, #tpu.memory_space<vmem>> -> memref<16x128xf32, #tpu.memory_space<vmem>>
    %dma_start3A_496 = arith.constant 0 : i32
    %dma_start3A_497 = arith.constant 0 : i32
    %dma_start3A_498 = tpu.memref_slice %arg41[%dma_start3A_496, %dma_start3A_497] : memref<5120x128xf32, #tpu.memory_space<vmem_shared>> -> memref<5120x128xf32, #tpu.memory_space<vmem_shared>>
    %dma_start3A_499 = arith.constant 2147483647 : i32
    tpu.enqueue_indirect_dma source(%dma_start3A_495 : memref<16x128xf32, #tpu.memory_space<vmem>>) target(%dma_start3A_498 : memref<5120x128xf32, #tpu.memory_space<vmem_shared>>) offsets(%arg32 : memref<16xi32, #tpu.memory_space<vmem>>) offset_filter(%dma_start3A_499) semaphore(%arg55 : memref<!tpu.dma_semaphore, #tpu.memory_space<semaphore_mem>>) {add = true}
    %dma_wait3A_500 = arith.constant 0 : i32
    %dma_wait3A_501 = arith.constant 0 : i32
    %dma_wait3A_502 = tpu.memref_slice %arg40[%dma_wait3A_500, %dma_wait3A_501] : memref<5120x128xf32, #tpu.memory_space<vmem_shared>> -> memref<5120x128xf32, #tpu.memory_space<vmem_shared>>
    tpu.wait_indirect_dma semaphore(%arg50 : memref<!tpu.dma_semaphore, #tpu.memory_space<semaphore_mem>>) src(%arg35 : memref<80x128xf32, #tpu.memory_space<vmem>>) dst(%dma_wait3A_502 : memref<5120x128xf32, #tpu.memory_space<vmem_shared>>)
    %dma_wait3A_503 = arith.constant 0 : i32
    %dma_wait3A_504 = arith.constant 0 : i32
    %dma_wait3A_505 = tpu.memref_slice %arg41[%dma_wait3A_503, %dma_wait3A_504] : memref<5120x128xf32, #tpu.memory_space<vmem_shared>> -> memref<5120x128xf32, #tpu.memory_space<vmem_shared>>
    tpu.wait_indirect_dma semaphore(%arg54 : memref<!tpu.dma_semaphore, #tpu.memory_space<semaphore_mem>>) src(%arg39 : memref<32x128xf32, #tpu.memory_space<vmem>>) dst(%dma_wait3A_505 : memref<5120x128xf32, #tpu.memory_space<vmem_shared>>)
    %dma_wait3A_506 = arith.constant 0 : i32
    %dma_wait3A_507 = arith.constant 0 : i32
    %dma_wait3A_508 = tpu.memref_slice %arg41[%dma_wait3A_506, %dma_wait3A_507] : memref<5120x128xf32, #tpu.memory_space<vmem_shared>> -> memref<5120x128xf32, #tpu.memory_space<vmem_shared>>
    tpu.wait_indirect_dma semaphore(%arg54 : memref<!tpu.dma_semaphore, #tpu.memory_space<semaphore_mem>>) src(%arg39 : memref<32x128xf32, #tpu.memory_space<vmem>>) dst(%dma_wait3A_508 : memref<5120x128xf32, #tpu.memory_space<vmem_shared>>)
    %dma_wait3A_509 = arith.constant 0 : i32
    %dma_wait3A_510 = arith.constant 0 : i32
    %dma_wait3A_511 = tpu.memref_slice %arg39[%dma_wait3A_509, %dma_wait3A_510] : memref<32x128xf32, #tpu.memory_space<vmem>> -> memref<16x128xf32, #tpu.memory_space<vmem>>
    %dma_wait3A_512 = arith.constant 0 : i32
    %dma_wait3A_513 = arith.constant 0 : i32
    %dma_wait3A_514 = tpu.memref_slice %arg41[%dma_wait3A_512, %dma_wait3A_513] : memref<5120x128xf32, #tpu.memory_space<vmem_shared>> -> memref<5120x128xf32, #tpu.memory_space<vmem_shared>>
    tpu.wait_indirect_dma semaphore(%arg54 : memref<!tpu.dma_semaphore, #tpu.memory_space<semaphore_mem>>) src(%dma_wait3A_511 : memref<16x128xf32, #tpu.memory_space<vmem>>) dst(%dma_wait3A_514 : memref<5120x128xf32, #tpu.memory_space<vmem_shared>>)
    %dma_wait3A_515 = arith.constant 0 : i32
    %dma_wait3A_516 = arith.constant 0 : i32
    %dma_wait3A_517 = tpu.memref_slice %arg40[%dma_wait3A_515, %dma_wait3A_516] : memref<5120x128xf32, #tpu.memory_space<vmem_shared>> -> memref<5120x128xf32, #tpu.memory_space<vmem_shared>>
    tpu.wait_indirect_dma semaphore(%arg51 : memref<!tpu.dma_semaphore, #tpu.memory_space<semaphore_mem>>) src(%arg36 : memref<80x128xf32, #tpu.memory_space<vmem>>) dst(%dma_wait3A_517 : memref<5120x128xf32, #tpu.memory_space<vmem_shared>>)
    %dma_wait3A_518 = arith.constant 0 : i32
    %dma_wait3A_519 = arith.constant 0 : i32
    %dma_wait3A_520 = tpu.memref_slice %arg41[%dma_wait3A_518, %dma_wait3A_519] : memref<5120x128xf32, #tpu.memory_space<vmem_shared>> -> memref<5120x128xf32, #tpu.memory_space<vmem_shared>>
    tpu.wait_indirect_dma semaphore(%arg55 : memref<!tpu.dma_semaphore, #tpu.memory_space<semaphore_mem>>) src(%arg39 : memref<32x128xf32, #tpu.memory_space<vmem>>) dst(%dma_wait3A_520 : memref<5120x128xf32, #tpu.memory_space<vmem_shared>>)
    %dma_wait3A_521 = arith.constant 0 : i32
    %dma_wait3A_522 = arith.constant 0 : i32
    %dma_wait3A_523 = tpu.memref_slice %arg41[%dma_wait3A_521, %dma_wait3A_522] : memref<5120x128xf32, #tpu.memory_space<vmem_shared>> -> memref<5120x128xf32, #tpu.memory_space<vmem_shared>>
    tpu.wait_indirect_dma semaphore(%arg55 : memref<!tpu.dma_semaphore, #tpu.memory_space<semaphore_mem>>) src(%arg39 : memref<32x128xf32, #tpu.memory_space<vmem>>) dst(%dma_wait3A_523 : memref<5120x128xf32, #tpu.memory_space<vmem_shared>>)
    %dma_wait3A_524 = arith.constant 0 : i32
    %dma_wait3A_525 = arith.constant 0 : i32
    %dma_wait3A_526 = tpu.memref_slice %arg39[%dma_wait3A_524, %dma_wait3A_525] : memref<32x128xf32, #tpu.memory_space<vmem>> -> memref<16x128xf32, #tpu.memory_space<vmem>>
    %dma_wait3A_527 = arith.constant 0 : i32
    %dma_wait3A_528 = arith.constant 0 : i32
    %dma_wait3A_529 = tpu.memref_slice %arg41[%dma_wait3A_527, %dma_wait3A_528] : memref<5120x128xf32, #tpu.memory_space<vmem_shared>> -> memref<5120x128xf32, #tpu.memory_space<vmem_shared>>
    tpu.wait_indirect_dma semaphore(%arg55 : memref<!tpu.dma_semaphore, #tpu.memory_space<semaphore_mem>>) src(%dma_wait3A_526 : memref<16x128xf32, #tpu.memory_space<vmem>>) dst(%dma_wait3A_529 : memref<5120x128xf32, #tpu.memory_space<vmem_shared>>)
    %dma_wait3A_530 = arith.constant 0 : i32
    %dma_wait3A_531 = arith.constant 0 : i32
    %dma_wait3A_532 = tpu.memref_slice %arg40[%dma_wait3A_530, %dma_wait3A_531] : memref<5120x128xf32, #tpu.memory_space<vmem_shared>> -> memref<5120x128xf32, #tpu.memory_space<vmem_shared>>
    tpu.wait_indirect_dma semaphore(%arg52 : memref<!tpu.dma_semaphore, #tpu.memory_space<semaphore_mem>>) src(%arg37 : memref<80x128xf32, #tpu.memory_space<vmem>>) dst(%dma_wait3A_532 : memref<5120x128xf32, #tpu.memory_space<vmem_shared>>)
    %dma_wait3A_533 = arith.constant 0 : i32
    %dma_wait3A_534 = arith.constant 0 : i32
    %dma_wait3A_535 = tpu.memref_slice %arg41[%dma_wait3A_533, %dma_wait3A_534] : memref<5120x128xf32, #tpu.memory_space<vmem_shared>> -> memref<5120x128xf32, #tpu.memory_space<vmem_shared>>
    tpu.wait_indirect_dma semaphore(%arg56 : memref<!tpu.dma_semaphore, #tpu.memory_space<semaphore_mem>>) src(%arg39 : memref<32x128xf32, #tpu.memory_space<vmem>>) dst(%dma_wait3A_535 : memref<5120x128xf32, #tpu.memory_space<vmem_shared>>)
    %dma_wait3A_536 = arith.constant 0 : i32
    %dma_wait3A_537 = arith.constant 0 : i32
    %dma_wait3A_538 = tpu.memref_slice %arg41[%dma_wait3A_536, %dma_wait3A_537] : memref<5120x128xf32, #tpu.memory_space<vmem_shared>> -> memref<5120x128xf32, #tpu.memory_space<vmem_shared>>
    tpu.wait_indirect_dma semaphore(%arg56 : memref<!tpu.dma_semaphore, #tpu.memory_space<semaphore_mem>>) src(%arg39 : memref<32x128xf32, #tpu.memory_space<vmem>>) dst(%dma_wait3A_538 : memref<5120x128xf32, #tpu.memory_space<vmem_shared>>)
    %dma_wait3A_539 = arith.constant 0 : i32
    %dma_wait3A_540 = arith.constant 0 : i32
    %dma_wait3A_541 = tpu.memref_slice %arg39[%dma_wait3A_539, %dma_wait3A_540] : memref<32x128xf32, #tpu.memory_space<vmem>> -> memref<16x128xf32, #tpu.memory_space<vmem>>
    %dma_wait3A_542 = arith.constant 0 : i32
    %dma_wait3A_543 = arith.constant 0 : i32
    %dma_wait3A_544 = tpu.memref_slice %arg41[%dma_wait3A_542, %dma_wait3A_543] : memref<5120x128xf32, #tpu.memory_space<vmem_shared>> -> memref<5120x128xf32, #tpu.memory_space<vmem_shared>>
    tpu.wait_indirect_dma semaphore(%arg56 : memref<!tpu.dma_semaphore, #tpu.memory_space<semaphore_mem>>) src(%dma_wait3A_541 : memref<16x128xf32, #tpu.memory_space<vmem>>) dst(%dma_wait3A_544 : memref<5120x128xf32, #tpu.memory_space<vmem_shared>>)
    %dma_wait3A_545 = arith.constant 0 : i32
    %dma_wait3A_546 = arith.constant 0 : i32
    %dma_wait3A_547 = tpu.memref_slice %arg40[%dma_wait3A_545, %dma_wait3A_546] : memref<5120x128xf32, #tpu.memory_space<vmem_shared>> -> memref<5120x128xf32, #tpu.memory_space<vmem_shared>>
    tpu.wait_indirect_dma semaphore(%arg53 : memref<!tpu.dma_semaphore, #tpu.memory_space<semaphore_mem>>) src(%arg38 : memref<80x128xf32, #tpu.memory_space<vmem>>) dst(%dma_wait3A_547 : memref<5120x128xf32, #tpu.memory_space<vmem_shared>>)
    %dma_wait3A_548 = arith.constant 0 : i32
    %dma_wait3A_549 = arith.constant 0 : i32
    %dma_wait3A_550 = tpu.memref_slice %arg41[%dma_wait3A_548, %dma_wait3A_549] : memref<5120x128xf32, #tpu.memory_space<vmem_shared>> -> memref<5120x128xf32, #tpu.memory_space<vmem_shared>>
    tpu.wait_indirect_dma semaphore(%arg57 : memref<!tpu.dma_semaphore, #tpu.memory_space<semaphore_mem>>) src(%arg39 : memref<32x128xf32, #tpu.memory_space<vmem>>) dst(%dma_wait3A_550 : memref<5120x128xf32, #tpu.memory_space<vmem_shared>>)
    %dma_wait3A_551 = arith.constant 0 : i32
    %dma_wait3A_552 = arith.constant 0 : i32
    %dma_wait3A_553 = tpu.memref_slice %arg41[%dma_wait3A_551, %dma_wait3A_552] : memref<5120x128xf32, #tpu.memory_space<vmem_shared>> -> memref<5120x128xf32, #tpu.memory_space<vmem_shared>>
    tpu.wait_indirect_dma semaphore(%arg57 : memref<!tpu.dma_semaphore, #tpu.memory_space<semaphore_mem>>) src(%arg39 : memref<32x128xf32, #tpu.memory_space<vmem>>) dst(%dma_wait3A_553 : memref<5120x128xf32, #tpu.memory_space<vmem_shared>>)
    %dma_wait3A_554 = arith.constant 0 : i32
    %dma_wait3A_555 = arith.constant 0 : i32
    %dma_wait3A_556 = tpu.memref_slice %arg39[%dma_wait3A_554, %dma_wait3A_555] : memref<32x128xf32, #tpu.memory_space<vmem>> -> memref<16x128xf32, #tpu.memory_space<vmem>>
    %dma_wait3A_557 = arith.constant 0 : i32
    %dma_wait3A_558 = arith.constant 0 : i32
    %dma_wait3A_559 = tpu.memref_slice %arg41[%dma_wait3A_557, %dma_wait3A_558] : memref<5120x128xf32, #tpu.memory_space<vmem_shared>> -> memref<5120x128xf32, #tpu.memory_space<vmem_shared>>
    tpu.wait_indirect_dma semaphore(%arg57 : memref<!tpu.dma_semaphore, #tpu.memory_space<semaphore_mem>>) src(%dma_wait3A_556 : memref<16x128xf32, #tpu.memory_space<vmem>>) dst(%dma_wait3A_559 : memref<5120x128xf32, #tpu.memory_space<vmem_shared>>)
    %barrier3A_560 = arith.constant 0 : index
    tpu.barrier barrier_id(%barrier3A_560)
    "tpu.region"() ({
      %run_scoped3A = tpu.sem_alloc : memref<!tpu.dma_semaphore, #tpu.memory_space<semaphore_mem>>
      %dma_start3A_561 = arith.constant 0 : i32
      %dma_start3A_562 = tpu.memref_slice %arg5[%arg0, %mul3A_3, %dma_start3A_561] : memref<2x5120x128xf32, #tpu.memory_space<hbm>> -> memref<1x320x128xf32, #tpu.memory_space<hbm>>
      %dma_start3A_563 = tpu.memref_squeeze %dma_start3A_562 : memref<1x320x128xf32, #tpu.memory_space<hbm>> -> memref<320x128xf32, #tpu.memory_space<hbm>>
      %dma_start3A_564 = arith.constant 0 : i32
      %dma_start3A_565 = tpu.memref_slice %arg40[%mul3A_3, %dma_start3A_564] : memref<5120x128xf32, #tpu.memory_space<vmem_shared>> -> memref<320x128xf32, #tpu.memory_space<vmem_shared>>
      tpu.enqueue_dma source(%dma_start3A_565 : memref<320x128xf32, #tpu.memory_space<vmem_shared>>) target(%dma_start3A_563 : memref<320x128xf32, #tpu.memory_space<hbm>>) target_semaphore(%run_scoped3A : memref<!tpu.dma_semaphore, #tpu.memory_space<semaphore_mem>>)
      %dma_wait3A_566 = arith.constant 0 : i32
      %dma_wait3A_567 = tpu.memref_slice %arg5[%arg0, %mul3A_3, %dma_wait3A_566] : memref<2x5120x128xf32, #tpu.memory_space<hbm>> -> memref<1x320x128xf32, #tpu.memory_space<hbm>>
      %dma_wait3A_568 = tpu.memref_squeeze %dma_wait3A_567 : memref<1x320x128xf32, #tpu.memory_space<hbm>> -> memref<320x128xf32, #tpu.memory_space<hbm>>
      %dma_wait3A_569 = arith.constant 0 : i32
      %dma_wait3A_570 = tpu.memref_slice %arg40[%mul3A_3, %dma_wait3A_569] : memref<5120x128xf32, #tpu.memory_space<vmem_shared>> -> memref<320x128xf32, #tpu.memory_space<vmem_shared>>
      tpu.wait_dma2 semaphore(%run_scoped3A : memref<!tpu.dma_semaphore, #tpu.memory_space<semaphore_mem>>) src(%dma_wait3A_570 : memref<320x128xf32, #tpu.memory_space<vmem_shared>>) dst(%dma_wait3A_568 : memref<320x128xf32, #tpu.memory_space<hbm>>)
      tpu.yield
    }) : () -> ()
    "tpu.region"() ({
      %run_scoped3A = tpu.sem_alloc : memref<!tpu.dma_semaphore, #tpu.memory_space<semaphore_mem>>
      %dma_start3A_561 = arith.constant 0 : i32
      %dma_start3A_562 = tpu.memref_slice %arg6[%arg0, %mul3A_3, %dma_start3A_561] : memref<2x5120x128xf32, #tpu.memory_space<hbm>> -> memref<1x320x128xf32, #tpu.memory_space<hbm>>
      %dma_start3A_563 = tpu.memref_squeeze %dma_start3A_562 : memref<1x320x128xf32, #tpu.memory_space<hbm>> -> memref<320x128xf32, #tpu.memory_space<hbm>>
      %dma_start3A_564 = arith.constant 0 : i32
      %dma_start3A_565 = tpu.memref_slice %arg41[%mul3A_3, %dma_start3A_564] : memref<5120x128xf32, #tpu.memory_space<vmem_shared>> -> memref<320x128xf32, #tpu.memory_space<vmem_shared>>
      tpu.enqueue_dma source(%dma_start3A_565 : memref<320x128xf32, #tpu.memory_space<vmem_shared>>) target(%dma_start3A_563 : memref<320x128xf32, #tpu.memory_space<hbm>>) target_semaphore(%run_scoped3A : memref<!tpu.dma_semaphore, #tpu.memory_space<semaphore_mem>>)
      %dma_wait3A_566 = arith.constant 0 : i32
      %dma_wait3A_567 = tpu.memref_slice %arg6[%arg0, %mul3A_3, %dma_wait3A_566] : memref<2x5120x128xf32, #tpu.memory_space<hbm>> -> memref<1x320x128xf32, #tpu.memory_space<hbm>>
      %dma_wait3A_568 = tpu.memref_squeeze %dma_wait3A_567 : memref<1x320x128xf32, #tpu.memory_space<hbm>> -> memref<320x128xf32, #tpu.memory_space<hbm>>
      %dma_wait3A_569 = arith.constant 0 : i32
      %dma_wait3A_570 = tpu.memref_slice %arg41[%mul3A_3, %dma_wait3A_569] : memref<5120x128xf32, #tpu.memory_space<vmem_shared>> -> memref<320x128xf32, #tpu.memory_space<vmem_shared>>
      tpu.wait_dma2 semaphore(%run_scoped3A : memref<!tpu.dma_semaphore, #tpu.memory_space<semaphore_mem>>) src(%dma_wait3A_570 : memref<320x128xf32, #tpu.memory_space<vmem_shared>>) dst(%dma_wait3A_568 : memref<320x128xf32, #tpu.memory_space<hbm>>)
      tpu.yield
    }) : () -> ()
    return
  }
}

module attributes {stable_mosaic.version = 14 : i64} {
  func.func @_tc_combine_kernel(%arg0: i32, %arg1: memref<2000x128xf32, #tpu.memory_space<vmem>>, %arg2: memref<2000x128xf32, #tpu.memory_space<vmem>>, %arg3: memref<2000x128xf32, #tpu.memory_space<vmem>>, %arg4: memref<128x128xf32, #tpu.memory_space<vmem>>, %arg5: memref<1x128xf32, #tpu.memory_space<vmem>>, %arg6: memref<128x128xf32, #tpu.memory_space<vmem>>, %arg7: memref<2000x128xf32, #tpu.memory_space<vmem>>) attributes {dimension_semantics = [#tpu.dimension_semantics<arbitrary>], iteration_bounds = array<i64: 5>, scalar_prefetch = 0 : i64, scratch_operands = 0 : i64, tpu.core_type = #tpu.core_type<tc>, window_params = [{transform_indices = @transform_0, window_bounds = array<i64: 2000, 128>}, {transform_indices = @transform_1, window_bounds = array<i64: 2000, 128>}, {transform_indices = @transform_2, window_bounds = array<i64: 2000, 128>}, {pipeline_mode = #tpu.pipeline_mode<synchronous>, transform_indices = @transform_3, window_bounds = array<i64: 128, 128>}, {pipeline_mode = #tpu.pipeline_mode<synchronous>, transform_indices = @transform_4, window_bounds = array<i64: 1, 128>}, {pipeline_mode = #tpu.pipeline_mode<synchronous>, transform_indices = @transform_5, window_bounds = array<i64: 128, 128>}, {transform_indices = @transform_6, window_bounds = array<i64: 2000, 128>}]} {
    %get3A = arith.constant 0 : index
    %get3A_0 = arith.constant 0 : index
    %get3A_1 = vector.load %arg2[%get3A, %get3A_0] : memref<2000x128xf32, #tpu.memory_space<vmem>>, vector<2000x1xf32>
    %get3A_2 = arith.constant 0 : index
    %get3A_3 = arith.constant 0 : index
    %get3A_4 = vector.load %arg1[%get3A_2, %get3A_3] : memref<2000x128xf32, #tpu.memory_space<vmem>>, vector<2000x128xf32>
    %max3A = arith.constant 1.000000e+00 : f32
    %max3A_5 = vector.broadcast %max3A : f32 to vector<2000x1xf32>
    %max3A_6 = arith.maximumf %get3A_1, %max3A_5 : vector<2000x1xf32>
    %div3A = vector.broadcast %max3A_6 : vector<2000x1xf32> to vector<2000x128xf32>
    %div3A_7 = arith.divf %get3A_4, %div3A : vector<2000x128xf32>
    %get3A_8 = arith.constant 0 : index
    %get3A_9 = arith.constant 0 : index
    %get3A_10 = vector.load %arg4[%get3A_8, %get3A_9] : memref<128x128xf32, #tpu.memory_space<vmem>>, vector<128x128xf32>
    %dot_general3A = arith.constant dense<0.000000e+00> : vector<2000x128xf32>
    %dot_general3A_11 = tpu.matmul %div3A_7, %get3A_10, %dot_general3A {dimension_numbers = #tpu.dot_dimension_numbers<[1], [1], [0], [0], [0, 0, 1, 0], [], []>, transpose_lhs_hint = false} : vector<2000x128xf32>, vector<128x128xf32>, vector<2000x128xf32> -> vector<2000x128xf32>
    %get3A_12 = arith.constant 0 : index
    %get3A_13 = arith.constant 0 : index
    %get3A_14 = vector.load %arg3[%get3A_12, %get3A_13] : memref<2000x128xf32, #tpu.memory_space<vmem>>, vector<2000x128xf32>
    %get3A_15 = arith.constant 0 : index
    %get3A_16 = arith.constant 0 : index
    %get3A_17 = vector.load %arg6[%get3A_15, %get3A_16] : memref<128x128xf32, #tpu.memory_space<vmem>>, vector<128x128xf32>
    %dot_general3A_18 = arith.constant dense<0.000000e+00> : vector<2000x128xf32>
    %dot_general3A_19 = tpu.matmul %get3A_14, %get3A_17, %dot_general3A_18 {dimension_numbers = #tpu.dot_dimension_numbers<[1], [1], [0], [0], [0, 0, 1, 0], [], []>, transpose_lhs_hint = false} : vector<2000x128xf32>, vector<128x128xf32>, vector<2000x128xf32> -> vector<2000x128xf32>
    %add3A = arith.addf %dot_general3A_11, %dot_general3A_19 : vector<2000x128xf32>
    %get3A_20 = arith.constant 0 : index
    %get3A_21 = arith.constant 0 : index
    %get3A_22 = vector.load %arg5[%get3A_20, %get3A_21] : memref<1x128xf32, #tpu.memory_space<vmem>>, vector<1x128xf32>
    %add3A_23 = vector.broadcast %get3A_22 : vector<1x128xf32> to vector<2000x128xf32>
    %add3A_24 = arith.addf %add3A, %add3A_23 : vector<2000x128xf32>
    %swap3A = arith.constant 0 : index
    %swap3A_25 = arith.constant 0 : index
    %swap3A_26 = vector.load %arg7[%swap3A, %swap3A_25] : memref<2000x128xf32, #tpu.memory_space<vmem>>, vector<2000x128xf32>
    tpu.vector_store %arg7[%swap3A, %swap3A_25], %add3A_24 {strides = array<i32>} : memref<2000x128xf32, #tpu.memory_space<vmem>>, vector<2000x128xf32>,
    return
  }
  func.func @transform_0(%arg0: i32) -> (i32, i32) {
    %c0_i32 = arith.constant 0 : i32
    %c0_i32_0 = arith.constant 0 : i32
    return %arg0, %c0_i32 : i32, i32
  }
  func.func @transform_1(%arg0: i32) -> (i32, i32) {
    %c0_i32 = arith.constant 0 : i32
    %c0_i32_0 = arith.constant 0 : i32
    return %arg0, %c0_i32 : i32, i32
  }
  func.func @transform_2(%arg0: i32) -> (i32, i32) {
    %c0_i32 = arith.constant 0 : i32
    %c0_i32_0 = arith.constant 0 : i32
    return %arg0, %c0_i32 : i32, i32
  }
  func.func @transform_3(%arg0: i32) -> (i32, i32) {
    %c0_i32 = arith.constant 0 : i32
    %c0_i32_0 = arith.constant 0 : i32
    %c0_i32_1 = arith.constant 0 : i32
    return %c0_i32, %c0_i32_0 : i32, i32
  }
  func.func @transform_4(%arg0: i32) -> (i32, i32) {
    %c0_i32 = arith.constant 0 : i32
    %c0_i32_0 = arith.constant 0 : i32
    %c0_i32_1 = arith.constant 0 : i32
    return %c0_i32, %c0_i32_0 : i32, i32
  }
  func.func @transform_5(%arg0: i32) -> (i32, i32) {
    %c0_i32 = arith.constant 0 : i32
    %c0_i32_0 = arith.constant 0 : i32
    %c0_i32_1 = arith.constant 0 : i32
    return %c0_i32, %c0_i32_0 : i32, i32
  }
  func.func @transform_6(%arg0: i32) -> (i32, i32) {
    %c0_i32 = arith.constant 0 : i32
    %c0_i32_0 = arith.constant 0 : i32
    return %arg0, %c0_i32 : i32, i32
  }
}

</mosaic_0001>

<sc_bundles>
// kernel: kernel.4.cloned.1.call-start
scs
__scs_entry_jumppad:
0x0: {  	(pc) =	sbr.rel $0x88, $3  }
0x1: {  	(tag) =	ssettag $0x0;
	lr =	simm.s32 $0x1  }
0x2: {  	[smem:$0x3F9B] =	sst lr;
	_ =	strace $0xD0000000  }
0x3: {  	_ = 	snop  }
0x4: {  	_ = 	snop  }
0x5: {  	_ = 	snop  }
0x6: {  	_ = 	snop  }
0x7: {  	_ = 	snop  }
__scs_overlays_trampoline_lowered:
0x8: {  	[smem:$0x3FAA] =	sst s0  }
0x9: {  	[smem:$0x3FAB] =	sst s1  }
0xa: {  	[smem:$0x3FAC] =	sst s2  }
0xb: {  	[smem:$0x3FAD] =	sst s3  }
0xc: {  	[smem:$0x3FAE] =	sst s4  }
0xd: {  	[smem:$0x3FAF] =	sst s5  }
0xe: {  	[smem:$0x3FB0] =	sst s6  }
0xf: {  	[smem:$0x3FB1] =	sst s7  }
0x10: {  	[smem:$0x3FB2] =	sst s8  }
0x11: {  	[smem:$0x3FB3] =	sst s9;
	s0 =	simm.s32 @!p0 $0x0  }
0x12: {  	s1 =	sld [smem:$0x3F99];
	s0 =	simm.s32 @p0 $0x1  }
0x13: {  	[smem:$0x3FB4] =	sst s0;
	s0 =	simm.s32 @!p1 $0x0  }
0x14: {  	s2 =	sld [smem:$0x3F98];
	s0 =	simm.s32 @p1 $0x1  }
0x15: {  	[smem:$0x3FB5] =	sst s0;
	s0 =	simm.s32 @!p2 $0x0  }
0x16: {  	s3 =	sld [smem:$0x3FDB];
	s0 =	simm.s32 @p2 $0x1  }
0x17: {  	s4 =	simm.s32 $0x1BF5;
	[smem:$0x3FB7] =	sst s0  }
0x18: {  	s0 =	sld [smem:$0x3F9A];
	_ =	swait.ge [sflag:s4], $0x0  }
0x19: {  	s7 =	sld [smem:$0x3F9B]  }
0x1a: {  	s8 =	sadd.s32 $0xFFFFE003, lr  }
0x1b: {  	s9 =	sadd.s32 $0xFFFFFEF7, lr;
	s5 =	simm.s32 $0xFFFFFFFF;
	p2 =	slt.u32 s8, $0xFFFFF086  }
0x1c: {  	p1 =	slt.u32 s9, $0xF7A;
	s5 =	simm.s32 @!p2 $0x0  }
0x1d: {  	s5 =	simm.s32 @p1 $0x1;
	p0 =	seq.s32 s7, s2  }
0x1e: {  	s7 =	smul.u32 @!p0 $0xF7A, s2;
	p2 =	seq.s32 @!p0 s5, $0x0  }
0x1f: {  	s9 =	smul.u32 $0xF7A, s1;
	s8 =	simm.s32 @!p0 $0x1BF5;
	p2 =	por !p2, p0  }
0x20: {  	[sflag:s8] =	ssyncset.s32 @!p0 $0xFFFFF086;
	s6 =	sadd.s32 @!p0 s3, s7;
	s7 =	simm.s32 @!p0 $0x108  }
0x21: {  	s3 =	sadd.s32 s3, s9;
	s6 =	sadd.s32 @!p0 $0x88, s6;
	s7 =	simm.s32 @p2 $0x1082  }
0x22: {  	[simem:s7], [sflag:s8] =	dma.local @!p0 [hbm:s6], $0xF7A  }
0x23: {  	s9 =	sor.u32 $0xD0000000, s2;
	s6 =	simm.s32 $0x108;
	_ =	swait.ge @!p0 [sflag:s8], $0x0  }
0x24: {  	s3 =	sadd.s32 $0x88, s3;
	s6 =	simm.s32 @!p1 $0x1082;
	[sflag:s4] =	ssyncset.s32 $0xFFFFF086  }
0x25: {  	[simem:s6], [sflag:s4] =	dma.local [hbm:s3], $0xF7A  }
0x26: {  	[smem:$0x3F9B] =	sst s1;
	(tag) =	ssettag s2;
	_ =	strace s9  }
0x27: {  	s1 =	sld [smem:$0x3FAB]  }
0x28: {  	s2 =	sld [smem:$0x3FAC]  }
0x29: {  	s4 =	sld [smem:$0x3FAE]  }
0x2a: {  	p0 =	seq.s32 s5, $0x0;
	s5 =	sld [smem:$0x3FAF]  }
0x2b: {  	s6 =	sld [smem:$0x3FB0]  }
0x2c: {  	s7 =	sld [smem:$0x3FB1]  }
0x2d: {  	s3 =	simm.s32 $0x108;
	s8 =	sld [smem:$0x3FB2]  }
0x2e: {  	s3 =	simm.s32 @!p0 $0x1082;
	s9 =	sld [smem:$0x3FB3]  }
0x2f: {  	lr =	sadd.s32 s0, s3;
	s0 =	sld [smem:$0x3FAA]  }
0x30: {  	s3 =	sld [smem:$0x3FAD]  }
0x31: {  	[smem:$0x3FB6] =	sst s10  }
0x32: {  	s10 =	sld [smem:$0x3FB4];
	_ =	sdelay $0x3  }
0x33: {  	p0 =	seq.s32 s10, $0x1;
	s10 =	sld [smem:$0x3FB6];
	_ =	sdelay $0x3  }
0x34: {  	[smem:$0x3FB6] =	sst s10  }
0x35: {  	s10 =	sld [smem:$0x3FB5];
	_ =	sdelay $0x3  }
0x36: {  	p1 =	seq.s32 s10, $0x1;
	s10 =	sld [smem:$0x3FB6];
	_ =	sdelay $0x3  }
0x37: {  	[smem:$0x3FB6] =	sst s10  }
0x38: {  	s10 =	sld [smem:$0x3FB7]  }
0x39: {  	_ = 	snop;
	(pc) =	sbr.ind lr, $3  }
0x3a: {  	_ = 	snop  }
0x3b: {  	_ = 	snop  }
0x3c: {  	p2 =	seq.s32 s10, $0x1;
	s10 =	sld [smem:$0x3FB6]  }
0x3d: {  	_ =	shalt  }
0x3e: {  	_ =	shalt  }
0x3f: {  	_ =	shalt  }
0x40: {  	_ =	shalt  }
0x41: {  	_ =	shalt  }
0x42: {  	_ =	shalt  }
0x43: {  	_ =	shalt  }
0x44: {  	_ =	shalt  }
0x45: {  	_ =	shalt  }
0x46: {  	_ =	shalt  }
0x47: {  	_ =	shalt  }
0x48: {  	_ =	shalt  }
0x49: {  	_ =	shalt  }
0x4a: {  	_ =	shalt  }
0x4b: {  	_ =	shalt  }
0x4c: {  	_ =	shalt  }
0x4d: {  	_ =	shalt  }
0x4e: {  	_ =	shalt  }
0x4f: {  	_ =	shalt  }
0x50: {  	_ =	shalt  }
0x51: {  	_ =	shalt  }
0x52: {  	_ =	shalt  }
0x53: {  	_ =	shalt  }
0x54: {  	_ =	shalt  }
0x55: {  	_ =	shalt  }
0x56: {  	_ =	shalt  }
0x57: {  	_ =	shalt  }
0x58: {  	_ =	shalt  }
0x59: {  	_ =	shalt  }
0x5a: {  	_ =	shalt  }
0x5b: {  	_ =	shalt  }
0x5c: {  	_ =	shalt  }
0x5d: {  	_ =	shalt  }
0x5e: {  	_ =	shalt  }
0x5f: {  	_ =	shalt  }
0x60: {  	_ =	shalt  }
0x61: {  	_ =	shalt  }
0x62: {  	_ =	shalt  }
0x63: {  	_ =	shalt  }
0x64: {  	_ =	shalt  }
0x65: {  	_ =	shalt  }
0x66: {  	_ =	shalt  }
0x67: {  	_ =	shalt  }
0x68: {  	_ =	shalt  }
0x69: {  	_ =	shalt  }
0x6a: {  	_ =	shalt  }
0x6b: {  	_ =	shalt  }
0x6c: {  	_ =	shalt  }
0x6d: {  	_ =	shalt  }
0x6e: {  	_ =	shalt  }
0x6f: {  	_ =	shalt  }
0x70: {  	_ =	shalt  }
0x71: {  	_ =	shalt  }
0x72: {  	_ =	shalt  }
0x73: {  	_ =	shalt  }
0x74: {  	_ =	shalt  }
0x75: {  	_ =	shalt  }
0x76: {  	_ =	shalt  }
0x77: {  	_ =	shalt  }
0x78: {  	_ =	shalt  }
0x79: {  	_ =	shalt  }
0x7a: {  	_ =	shalt  }
0x7b: {  	_ =	shalt  }
0x7c: {  	_ =	shalt  }
0x7d: {  	_ =	shalt  }
0x7e: {  	_ =	shalt  }
0x7f: {  	_ =	shalt  }
0x80: {  	_ =	shalt  }
0x81: {  	_ =	shalt  }
0x82: {  	_ =	shalt  }
0x83: {  	_ =	shalt  }
0x84: {  	_ =	shalt  }
0x85: {  	_ =	shalt  }
0x86: {  	_ =	shalt  }
0x87: {  	_ =	shalt  }
.Lfunc_end0:
.L_simem_size_0:
called_computation_lowered:
.L_overlay_start_0:
0x88: {  	s2 =	sld [smem:$0x3FD9]  }
0x89: {  	s3 =	sld [smem:$0x3FFE];
	_ =	sdelay $0x1  }
0x8a: {  	s1 =	srdreg.scid  }
0x8b: {  	s0 =	sand.u32 $0x1, s1  }
0x8c: {  	s17 =	sshll.u32 s0, $0xA;
	s2 =	sadd.s32 s3, s2  }
0x8d: {  	s2 =	sadd.s32 s2, s17  }
0x8e: {  	[smem:$0x3FC2] =	sst s2  }
0x8f: {  	_ = 	snop  }
0x90: {  	s2 =	sld [smem:$0x3FC9]  }
0x91: {  	s18 =	sld [smem:$0x3FD0];
	(tm) =	ssettm $0x1  }
0x92: {  	s4 =	sld [smem:$0x3FFB];
	_ =	sdelay $0x3  }
0x93: {  	_ =	strace s4  }
0x94: {  	s4 =	sld [smem:$0x3FFC];
	_ =	sdelay $0x3  }
0x95: {  	_ =	strace s4  }
0x96: {  	s4 =	sld [smem:$0x3FFD];
	_ =	sdelay $0x3  }
0x97: {  	_ =	strace s4  }
0x98: {  	_ =	strace $0x8FFFFFFF  }
0x99: {  	s19 =	sld [smem:$0x3FDB];
	_ =	sdelay $0x1  }
0x9a: {  	s5 =	simm.s32 $_scs_section_size  }
0x9b: {  	s6 =	simm.s32 $_size__tile_overlayer_lowered;
	s7 =	simm.s32 $_tile_overlayer_lowered  }
0x9c: {  	s22 =	simm.s32 $0x1BFF;
	s21 =	sshll.u32 s7, $0x1;
	s4 =	sadd.s32 s5, s19  }
0x9d: {  	s8 =	simm.s32 $0x0;
	s20 =	sshll.u32 s6, $0x1;
	s6 =	sadd.s32 s21, s4  }
0x9e: {  	[timem:s8], [sflag:s22] =	dma.local [hbm:s6], s20  }
0x9f: {  	_ =	swait.ge [sflag:s22], s20  }
0xa0: {  	s5 =	ssub.s32 $0x0, s20;
	[sflag:s22] =	ssyncset.done $0x0  }
0xa1: {  	[sflag:s22] =	ssyncadd.s32 s5;
	_ =	sdelay $0x1  }
0xa2: {  	s23 =	simm.s32 $0x1B8B  }
0xa3: {  	_ =	swait.ge [sflag:s23], $0x1  }
0xa4: {  	[sflag:s23] =	ssyncset.done $0x0  }
0xa5: {  	s25 =	simm.s32 $0x1B8E;
	s24 =	sld [smem:$0x3FFE];
	[sflag:s23] =	ssyncadd.s32 $0xFFFFFFFF  }
0xa6: {  	s26 =	simm.s32 $execute0_lowered;
	[smem:$0x3FD2] =	sst s25  }
0xa7: {  	s6 =	sshll.u32 s26, $0x1;
	_ =	strace $0x80000046;
	[dreg:$0x1] =	wrdreg $0xFFFFFFFF  }
0xa8: {  	s28 =	simm.s32 $_size_execute0_lowered;
	s4 =	sadd.s32 s4, s6;
	[dreg:$0x0] =	wrdreg $0x0  }
0xa9: {  	s6 =	sshll.u32 s28, $0x1;
	[dreg:$0x2] =	wrdreg s4  }
0xaa: {  	[dreg:$0x3] =	wrdreg s6  }
0xab: {  	[dreg:$0x4] =	wrdreg $0xC0  }
0xac: {  	_ =	task [dreg:s8], $0x5FFFF  }
0xad: {  	[dreg:$0x1] =	wrdreg $0xFFFFFFFF  }
0xae: {  	[dreg:$0x0] =	wrdreg $0x60  }
0xaf: {  	[dreg:$0x2] =	wrdreg s2  }
0xb0: {  	[dreg:$0x3] =	wrdreg s24  }
0xb1: {  	[dreg:$0x4] =	wrdreg s18  }
0xb2: {  	[dreg:$0x5] =	wrdreg $0xBE000  }
0xb3: {  	[dreg:$0x6] =	wrdreg $0x15E000  }
0xb4: {  	[dreg:$0x7] =	wrdreg $0x9  }
0xb5: {  	_ =	task.clear_ibuf [dreg:s8], $0x8FFFF;
	_ =	strace $0x90000046  }
0xb6: {  	s29 =	simm.s32 $0x9;
	_ =	strace $0x80000048  }
0xb7: {  	_ =	swait.ge [sflag:s29], $0x1  }
0xb8: {  	[sflag:s29] =	ssyncadd.s32 $0xFFFFFFFF  }
0xb9: {  	_ =	strace $0x90000048  }
0xba: {  	_ =	sfence  }
0xbb: {  	s30 =	sld [smem:$0x0];
	_ =	sdelay $0x2  }
0xbc: {  	s31 =	sshll.u32 s1, $0xD;
	s1 =	sshrl.u32 s1, $0x2  }
0xbd: {  	s3 =	sand.u32 $0x4000, s31;
	s1 =	sadd.s32 s1, s30  }
0xbe: {  	s0 =	sor.u32 s3, s0;
	s1 =	sshll.u32 s1, $0x11  }
0xbf: {  	s0 =	sor.u32 s1, s0  }
0xc0: {  	s0 =	sadd.s32 $0x8F2B, s0  }
0xc1: {  	[sflag:s0] =	ssyncadd.remote.s32 $0x1  }
0xc2: {  	_ =	sfence.sel $0xFFFF  }
0xc3: {  	[dreg:$0x0] =	wrdreg $0xFFFFFFFF;
	(pc) =	sbr.abs _section_cstart, $3  }
0xc4: {  	[dreg:$0x1] =	wrdreg $0xFFFFFFFF  }
0xc5: {  	_ =	task.clear_ibuf [dreg:s8], $0x2FFFF;
	_ =	strace $0x9FFFFFFF  }
0xc6: {  	(tm) =	ssettm $0x7FFFFFFF  }
0xc7: {  	_ =	shalt  }
tec
execute0_lowered:
.L_overlay_start_1:
0x0: {  	(tag) =	ssettag $0x1  }
0x1: {  	s1 =	rddreg [dreg:$0x0]  }
0x2: {  	s2 =	rddreg [dreg:$0x1]  }
0x3: {  	s6 =	rddreg [dreg:$0x2]  }
0x4: {  	s3 =	rddreg [dreg:$0x3]  }
0x5: {  	s0 =	srdreg.scid;
	s13 =	stileid.u32  }
0x6: {  	s4 =	rddreg [dreg:$0x4];
	s7 =	sand.u32 $0x1, s0;
	s0 =	smul.u32 $0xA000, s13  }
0x7: {  	s5 =	simm.s32 $0x0;
	s30 =	simm.s32 $0x4;
	s10 =	smul.u32 $0x4E20, s13  }
0x8: {  	s28 =	simm.s32 $0x600;
	s29 =	simm.s32 $0x800;
	s21 =	smul.u32 $0x9C4, s13  }
0x9: {  	[smem:$0x7FF] =	sst s5;
	s11 =	sadd.s32 $0x1200, s2;
	s8 =	smul.u32 $0xA0000, s7  }
0xa: {  	_ =	strace $0x80000047;
	s10 =	sshrl.u32 s10, $0x3;
	s26 =	sadd.s32 s21, s11  }
0xb: {  	s19 =	sor.u32 $0x1000, s0;
	s14 =	sadd.s32 s6, s10;
	[dreg:$0x6] =	wrdreg s26  }
0xc: {  	s15 =	sadd.s32 $0xA, s10;
	s10 =	sadd.s32 s11, s10;
	[dreg:$0xe] =	wrdreg s14  }
0xd: {  	s20 =	sadd.s32 $0x2000, s0;
	s22 =	sadd.s32 s19, s3;
	[dreg:$0xf] =	wrdreg s10  }
0xe: {  	s9 =	ssub.s32 $0x2, s7;
	s23 =	sadd.s32 s20, s3;
	[dreg:$0x15] =	wrdreg s22  }
0xf: {  	s25 =	sadd.s32 $0x3000, s0;
	s24 =	sadd.s32 s20, s4;
	[dreg:$0x17] =	wrdreg s23  }
0x10: {  	s12 =	sshrl.u32 s9, $0x1;
	s31 =	sadd.s32 s25, s3;
	[dreg:$0x18] =	wrdreg s24  }
0x11: {  	s12 =	ssub.s32 s9, s12;
	s16 =	sadd.s32 s6, s15;
	[dreg:$0x19] =	wrdreg s31  }
0x12: {  	s9 =	smul.u32 $0x1400, s7;
	s7 =	sadd.s32 s11, s15;
	[dreg:$0x10] =	wrdreg s16  }
0x13: {  	s8 =	sadd.s32 s0, s8;
	s18 =	smax.u32 s12, $0x1;
	[dreg:$0x11] =	wrdreg s7  }
0x14: {  	s20 =	sadd.s32 $0x6000, s0;
	s6 =	sadd.s32 s21, s6;
	[dreg:$0x14] =	wrdreg s18  }
0x15: {  	s8 =	sshrl.u32 s8, $0x3;
	s10 =	simm.s32 $0x300;
	[dreg:$0x7] =	wrdreg s6  }
0x16: {  	s11 =	sadd.s32 $0x4000, s0;
	s12 =	simm.s32 $0x100;
	[dreg:$0x8] =	wrdreg s10  }
0x17: {  	s14 =	simm.s32 $0x380;
	s15 =	simm.s32 $0x180;
	[dreg:$0x9] =	wrdreg s12  }
0x18: {  	s21 =	sadd.s32 s20, s3;
	s22 =	sadd.s32 $0x7000, s0;
	[dreg:$0xa] =	wrdreg s14  }
0x19: {  	s24 =	sadd.s32 $0x8000, s0;
	s2 =	sadd.s32 s8, s2;
	[dreg:$0xb] =	wrdreg s15  }
0x1a: {  	s13 =	sadd.s32 s11, s3;
	s6 =	sadd.s32 s11, s4;
	[dreg:$0x1f] =	wrdreg s21  }
0x1b: {  	s16 =	sadd.s32 $0x5000, s0;
	s23 =	sadd.s32 s22, s3;
	[dreg:$0x1b] =	wrdreg s13  }
0x1c: {  	s31 =	sadd.s32 $0x1400, s9;
	s7 =	simm.s32 $0x11;
	[dreg:$0x1c] =	wrdreg s6  }
0x1d: {  	s21 =	simm.s32 $0x200;
	s17 =	sadd.s32 $0xB000, s2;
	[smem:$0x7F6] =	sst s23  }
0x1e: {  	s11 =	simm.s32 $0x1;
	s2 =	sadd.s32 $0x33000, s2;
	[dreg:$0x12] =	wrdreg s17  }
0x1f: {  	s12 =	simm.s32 $0x50;
	s18 =	sadd.s32 s16, s3;
	[dreg:$0x13] =	wrdreg s2  }
0x20: {  	s14 =	simm.s32 $0xE00;
	s6 =	sadd.s32 s16, s4;
	[dreg:$0x1d] =	wrdreg s18  }
0x21: {  	s15 =	simm.s32 $0x2;
	s16 =	sadd.s32 s0, s3;
	[dreg:$0x1e] =	wrdreg s6  }
0x22: {  	s8 =	simm.s32 $0x8600;
	s2 =	sadd.s32 s19, s4;
	[smem:$0x7FC] =	sst s16  }
0x23: {  	s23 =	simm.s32 $0x280;
	s17 =	simm.s32 $0x500;
	[dreg:$0x16] =	wrdreg s2  }
0x24: {  	s19 =	simm.s32 $0x580;
	s6 =	simm.s32 $0xAE00;
	[dreg:$0xc] =	wrdreg s17  }
0x25: {  	s18 =	simm.s32 $0x3;
	s2 =	sadd.s32 s25, s4;
	[dreg:$0xd] =	wrdreg s19  }
0x26: {  	s19 =	sadd.s32 s0, s4;
	s25 =	sadd.s32 s24, s3;
	[dreg:$0x1a] =	wrdreg s2  }
0x27: {  	s0 =	sadd.s32 $0x9000, s0;
	s17 =	simm.s32 $0x3600;
	[smem:$0x7F8] =	sst s25  }
0x28: {  	s2 =	sadd.s32 s20, s4;
	s26 =	sadd.s32 s0, s3;
	[smem:$0x7FD] =	sst s19  }
0x29: {  	s0 =	sadd.s32 s0, s4;
	s20 =	simm.s32 $0x5;
	[smem:$0x7F5] =	sst s2  }
0x2a: {  	s25 =	simm.s32 $0x10;
	s2 =	sadd.s32 s22, s4;
	[smem:$0x7FA] =	sst s26  }
0x2b: {  	[smem:$0x7FB] =	sst s0;
	s26 =	simm.s32 $0x400;
	s22 =	simm.s32 $0x20  }
0x2c: {  	v2 =	vimm.f32 $0.0e+00;
	s0 =	simm.s32 $0x6;
	[smem:$0x7F7] =	sst s2;
	s2 =	sadd.s32 s24, s4  }
0x2d: {  	v3 =	vimm.f32 $1.000000000e+00;
	v0 =	vmov s9;
	v1 =	vmov s31;
	s24 =	simm.s32 $0x80;
	[smem:$0x7F9] =	sst s2;
	s2 =	simm.s32 $0x0  }
.LBB2_1:
0x2e: {  	s9 =	simm.s32 $0x0;
	s10 =	simm.s32 $0x200  }
.LBB2_2:
0x2f: {  	p0 =	sne.s32 s10, $0x3E00;
	[tilespmem:s9+$0xAE70] =	vst v2  }
0x30: {  	[tilespmem:s9+$0xAE00] =	vst v2  }
0x31: {  	[tilespmem:s9+$0xAE10] =	vst v2  }
.Ltmp0:
0x32: {  	[tilespmem:s9+$0xAE20] =	vst v2;
	(pc) =	sbr.rel @p0 .LBB2_2-.Ltmp0, $4  }
0x33: {  	[tilespmem:s9+$0xAE30] =	vst v2  }
0x34: {  	[tilespmem:s9+$0xAE40] =	vst v2  }
0x35: {  	[tilespmem:s9+$0xAE50] =	vst v2  }
0x36: {  	[tilespmem:s9+$0xAE60] =	vst v2;
	s9 =	sshra.s32 s10, $0x2;
	s10 =	sadd.s32 $0x200, s10  }
0x37: {  	[tilespmem:s9+$0xAE70] =	vst v2  }
0x38: {  	[tilespmem:s9+$0xAE00] =	vst v2  }
0x39: {  	[tilespmem:s9+$0xAE10] =	vst v2  }
0x3a: {  	[tilespmem:s9+$0xAE20] =	vst v2  }
0x3b: {  	[tilespmem:s9+$0xAE30] =	vst v2  }
0x3c: {  	[tilespmem:s9+$0xAE40] =	vst v2  }
0x3d: {  	[tilespmem:s9+$0xAE50] =	vst v2  }
0x3e: {  	[smem:$0x7F4] =	sst s2;
	[tilespmem:s9+$0xAE60] =	vst v2  }
0x3f: {  	[spmem:s16] =	stream.linear.scatter [tilespmem:s6], [sflag:$0x11], $0x1000, $0x38;
	[tilespmem:$0x1FE00] =	vst v63  }
0x40: {  	_ =	swait.ge [sflag:s7], $0x1000  }
0x41: {  	[sflag:s7] =	ssyncset.done $0x0  }
0x42: {  	[sflag:s7] =	ssyncadd.s32 $0xFFFFF000  }
0x43: {  	[spmem:s19] =	stream.linear.scatter [tilespmem:s6], [sflag:$0x11], $0x1000, $0x38;
	[tilespmem:$0x1FE00] =	vst v63  }
0x44: {  	_ =	swait.ge [sflag:s7], $0x1000  }
0x45: {  	[sflag:s7] =	ssyncset.done $0x0  }
0x46: {  	s2 =	rddreg [dreg:$0x15];
	[sflag:s7] =	ssyncadd.s32 $0xFFFFF000  }
0x47: {  	[spmem:s2] =	stream.linear.scatter [tilespmem:s6], [sflag:$0x11], $0x1000, $0x38;
	[tilespmem:$0x1FE00] =	vst v63  }
0x48: {  	_ =	swait.ge [sflag:s7], $0x1000  }
0x49: {  	[sflag:s7] =	ssyncset.done $0x0  }
0x4a: {  	s10 =	rddreg [dreg:$0x16];
	[sflag:s7] =	ssyncadd.s32 $0xFFFFF000  }
0x4b: {  	[spmem:s10] =	stream.linear.scatter [tilespmem:s6], [sflag:$0x11], $0x1000, $0x38;
	[tilespmem:$0x1FE00] =	vst v63  }
0x4c: {  	_ =	swait.ge [sflag:s7], $0x1000  }
0x4d: {  	[sflag:s7] =	ssyncset.done $0x0  }
0x4e: {  	s13 =	rddreg [dreg:$0x17];
	[sflag:s7] =	ssyncadd.s32 $0xFFFFF000  }
0x4f: {  	[spmem:s13] =	stream.linear.scatter [tilespmem:s6], [sflag:$0x11], $0x1000, $0x38;
	[tilespmem:$0x1FE00] =	vst v63  }
0x50: {  	_ =	swait.ge [sflag:s7], $0x1000  }
0x51: {  	[sflag:s7] =	ssyncset.done $0x0  }
0x52: {  	s16 =	rddreg [dreg:$0x18];
	[sflag:s7] =	ssyncadd.s32 $0xFFFFF000  }
0x53: {  	[spmem:s16] =	stream.linear.scatter [tilespmem:s6], [sflag:$0x11], $0x1000, $0x38;
	[tilespmem:$0x1FE00] =	vst v63  }
0x54: {  	_ =	swait.ge [sflag:s7], $0x1000  }
0x55: {  	[sflag:s7] =	ssyncset.done $0x0  }
0x56: {  	s19 =	rddreg [dreg:$0x19];
	[sflag:s7] =	ssyncadd.s32 $0xFFFFF000  }
0x57: {  	[spmem:s19] =	stream.linear.scatter [tilespmem:s6], [sflag:$0x11], $0x1000, $0x38;
	[tilespmem:$0x1FE00] =	vst v63  }
0x58: {  	_ =	swait.ge [sflag:s7], $0x1000  }
0x59: {  	[sflag:s7] =	ssyncset.done $0x0  }
0x5a: {  	s31 =	rddreg [dreg:$0x1a];
	[sflag:s7] =	ssyncadd.s32 $0xFFFFF000  }
0x5b: {  	[spmem:s31] =	stream.linear.scatter [tilespmem:s6], [sflag:$0x11], $0x1000, $0x38;
	[tilespmem:$0x1FE00] =	vst v63  }
0x5c: {  	_ =	swait.ge [sflag:s7], $0x1000  }
0x5d: {  	[sflag:s7] =	ssyncset.done $0x0  }
0x5e: {  	s2 =	rddreg [dreg:$0x1b];
	[sflag:s7] =	ssyncadd.s32 $0xFFFFF000  }
0x5f: {  	[spmem:s2] =	stream.linear.scatter [tilespmem:s6], [sflag:$0x11], $0x1000, $0x38;
	[tilespmem:$0x1FE00] =	vst v63  }
0x60: {  	_ =	swait.ge [sflag:s7], $0x1000  }
0x61: {  	[sflag:s7] =	ssyncset.done $0x0  }
0x62: {  	s10 =	rddreg [dreg:$0x1c];
	[sflag:s7] =	ssyncadd.s32 $0xFFFFF000  }
0x63: {  	[spmem:s10] =	stream.linear.scatter [tilespmem:s6], [sflag:$0x11], $0x1000, $0x38;
	[tilespmem:$0x1FE00] =	vst v63  }
0x64: {  	_ =	swait.ge [sflag:s7], $0x1000  }
0x65: {  	[sflag:s7] =	ssyncset.done $0x0  }
0x66: {  	s13 =	rddreg [dreg:$0x1d];
	[sflag:s7] =	ssyncadd.s32 $0xFFFFF000  }
0x67: {  	[spmem:s13] =	stream.linear.scatter [tilespmem:s6], [sflag:$0x11], $0x1000, $0x38;
	[tilespmem:$0x1FE00] =	vst v63  }
0x68: {  	_ =	swait.ge [sflag:s7], $0x1000  }
0x69: {  	[sflag:s7] =	ssyncset.done $0x0  }
0x6a: {  	s16 =	rddreg [dreg:$0x1e];
	[sflag:s7] =	ssyncadd.s32 $0xFFFFF000  }
0x6b: {  	[spmem:s16] =	stream.linear.scatter [tilespmem:s6], [sflag:$0x11], $0x1000, $0x38;
	[tilespmem:$0x1FE00] =	vst v63  }
0x6c: {  	_ =	swait.ge [sflag:s7], $0x1000  }
0x6d: {  	[sflag:s7] =	ssyncset.done $0x0  }
0x6e: {  	s19 =	rddreg [dreg:$0x1f];
	[sflag:s7] =	ssyncadd.s32 $0xFFFFF000  }
0x6f: {  	[spmem:s19] =	stream.linear.scatter [tilespmem:s6], [sflag:$0x11], $0x1000, $0x38;
	[tilespmem:$0x1FE00] =	vst v63  }
0x70: {  	_ =	swait.ge [sflag:s7], $0x1000  }
0x71: {  	s31 =	sld [smem:$0x7F5]  }
0x72: {  	[sflag:s7] =	ssyncset.done $0x0  }
0x73: {  	[sflag:s7] =	ssyncadd.s32 $0xFFFFF000  }
0x74: {  	[spmem:s31] =	stream.linear.scatter [tilespmem:s6], [sflag:$0x11], $0x1000, $0x38;
	[tilespmem:$0x1FE00] =	vst v63  }
0x75: {  	_ =	swait.ge [sflag:s7], $0x1000  }
0x76: {  	s2 =	sld [smem:$0x7F6]  }
0x77: {  	[sflag:s7] =	ssyncset.done $0x0  }
0x78: {  	[sflag:s7] =	ssyncadd.s32 $0xFFFFF000  }
0x79: {  	[spmem:s2] =	stream.linear.scatter [tilespmem:s6], [sflag:$0x11], $0x1000, $0x38;
	[tilespmem:$0x1FE00] =	vst v63  }
0x7a: {  	_ =	swait.ge [sflag:s7], $0x1000  }
0x7b: {  	s10 =	sld [smem:$0x7F7]  }
0x7c: {  	[sflag:s7] =	ssyncset.done $0x0  }
0x7d: {  	[sflag:s7] =	ssyncadd.s32 $0xFFFFF000  }
0x7e: {  	[spmem:s10] =	stream.linear.scatter [tilespmem:s6], [sflag:$0x11], $0x1000, $0x38;
	[tilespmem:$0x1FE00] =	vst v63  }
0x7f: {  	_ =	swait.ge [sflag:s7], $0x1000  }
0x80: {  	s13 =	sld [smem:$0x7F8]  }
0x81: {  	[sflag:s7] =	ssyncset.done $0x0  }
0x82: {  	[sflag:s7] =	ssyncadd.s32 $0xFFFFF000  }
0x83: {  	[spmem:s13] =	stream.linear.scatter [tilespmem:s6], [sflag:$0x11], $0x1000, $0x38;
	[tilespmem:$0x1FE00] =	vst v63  }
0x84: {  	_ =	swait.ge [sflag:s7], $0x1000  }
0x85: {  	s16 =	sld [smem:$0x7F9]  }
0x86: {  	[sflag:s7] =	ssyncset.done $0x0  }
0x87: {  	[sflag:s7] =	ssyncadd.s32 $0xFFFFF000  }
0x88: {  	[spmem:s16] =	stream.linear.scatter [tilespmem:s6], [sflag:$0x11], $0x1000, $0x38;
	[tilespmem:$0x1FE00] =	vst v63  }
0x89: {  	_ =	swait.ge [sflag:s7], $0x1000  }
0x8a: {  	s19 =	sld [smem:$0x7FA]  }
0x8b: {  	[sflag:s7] =	ssyncset.done $0x0  }
0x8c: {  	[sflag:s7] =	ssyncadd.s32 $0xFFFFF000  }
0x8d: {  	[spmem:s19] =	stream.linear.scatter [tilespmem:s6], [sflag:$0x11], $0x1000, $0x38;
	[tilespmem:$0x1FE00] =	vst v63  }
0x8e: {  	_ =	swait.ge [sflag:s7], $0x1000  }
0x8f: {  	s31 =	sld [smem:$0x7FB]  }
0x90: {  	[sflag:s7] =	ssyncset.done $0x0  }
0x91: {  	[sflag:s7] =	ssyncadd.s32 $0xFFFFF000  }
0x92: {  	[spmem:s31] =	stream.linear.scatter [tilespmem:s6], [sflag:$0x11], $0x1000, $0x38;
	[tilespmem:$0x1FE00] =	vst v63  }
0x93: {  	_ =	swait.ge [sflag:s7], $0x1000  }
0x94: {  	[sflag:s7] =	ssyncset.done $0x0  }
0x95: {  	s9 =	simm.s32 $0x0;
	s10 =	simm.s32 $0x200;
	[sflag:s7] =	ssyncadd.s32 $0xFFFFF000  }
.LBB2_4:
0x96: {  	p0 =	sne.s32 s10, $0x3E00;
	[tilespmem:s9+$0xAE70] =	vst v3  }
0x97: {  	[tilespmem:s9+$0xAE00] =	vst v3  }
0x98: {  	[tilespmem:s9+$0xAE10] =	vst v3  }
.Ltmp1:
0x99: {  	[tilespmem:s9+$0xAE20] =	vst v3;
	(pc) =	sbr.rel @p0 .LBB2_4-.Ltmp1, $4  }
0x9a: {  	[tilespmem:s9+$0xAE30] =	vst v3  }
0x9b: {  	[tilespmem:s9+$0xAE40] =	vst v3  }
0x9c: {  	[tilespmem:s9+$0xAE50] =	vst v3  }
0x9d: {  	[tilespmem:s9+$0xAE60] =	vst v3;
	s9 =	sshra.s32 s10, $0x2;
	s10 =	sadd.s32 $0x200, s10  }
0x9e: {  	[tilespmem:s9+$0xAE70] =	vst v3  }
0x9f: {  	[tilespmem:s9+$0xAE00] =	vst v3  }
0xa0: {  	[tilespmem:s9+$0xAE10] =	vst v3  }
0xa1: {  	[tilespmem:s9+$0xAE20] =	vst v3  }
0xa2: {  	[tilespmem:s9+$0xAE30] =	vst v3  }
0xa3: {  	[tilespmem:s9+$0xAE40] =	vst v3  }
0xa4: {  	[tilespmem:s9+$0xAE50] =	vst v3  }
0xa5: {  	[tilespmem:s9+$0xAE60] =	vst v3  }
0xa6: {  	[bflag:$0x0] =	sbarrier.arrive $0xFFFF  }
0xa7: {  	s9 =	simm.s32 $0x0;
	s10 =	rddreg [dreg:$0xe]  }
0xa8: {  	[tilespmem:s21], [sflag:$0x1] =	stream.linear.gather [hbm4b:s10+s9], $0x50, $0x38;
	[tilespmem:$0x1FE00] =	vst v63  }
0xa9: {  	s19 =	rddreg [dreg:$0xf]  }
0xaa: {  	[tilespmem:s9], [sflag:$0x1] =	stream.linear.gather [hbm4b:s19+s9], $0x50, $0x38;
	[tilespmem:$0x1FE00] =	vst v63  }
0xab: {  	s21 =	rddreg [dreg:$0x10]  }
0xac: {  	[tilespmem:s23], [sflag:$0x2] =	stream.linear.gather [hbm4b:s21+s9], $0x50, $0x38;
	[tilespmem:$0x1FE00] =	vst v63  }
0xad: {  	s2 =	simm.s32 $0x5E00;
	s31 =	rddreg [dreg:$0x11]  }
0xae: {  	[tilespmem:s24], [sflag:$0x2] =	stream.linear.gather [hbm4b:s31+s9], $0x50, $0x38;
	[tilespmem:$0x1FE00] =	vst v63  }
.LBB2_6:
0xaf: {  	p0 =	seq.s32 s9, $0x0  }
0xb0: {  	s10 =	simm.s32 @!p0 $0x9  }
0xb1: {  	_ =	swait.ge @!p0 [sflag:s10], $0x2800  }
0xb2: {  	[sflag:s10] =	ssyncset.done @!p0 $0x0  }
0xb3: {  	s13 =	simm.s32 @!p0 $0xD;
	[sflag:s10] =	ssyncadd.s32 @!p0 $0xFFFFD800  }
0xb4: {  	_ =	swait.ge @!p0 [sflag:s13], $0x1000  }
0xb5: {  	[sflag:s13] =	ssyncset.done @!p0 $0x0  }
0xb6: {  	[sflag:s13] =	ssyncadd.s32 @!p0 $0xFFFFF000  }
0xb7: {  	_ =	swait.ge @!p0 [sflag:s13], $0x1000  }
0xb8: {  	[sflag:s13] =	ssyncset.done @!p0 $0x0  }
0xb9: {  	[sflag:s13] =	ssyncadd.s32 @!p0 $0xFFFFF000  }
0xba: {  	_ =	swait.ge @!p0 [sflag:s13], $0x800  }
0xbb: {  	s21 =	rddreg [dreg:$0x7]  }
0xbc: {  	s16 =	rddreg [dreg:$0x8]  }
0xbd: {  	[sflag:s13] =	ssyncset.done @!p0 $0x0;
	s19 =	rddreg [dreg:$0x6];
	s10 =	sadd.s32 s9, s21  }
0xbe: {  	[sflag:s13] =	ssyncadd.s32 @!p0 $0xFFFFF800;
	s13 =	sadd.s32 s9, s19;
	s23 =	sadd.s32 $0x14, s10  }
0xbf: {  	[tilespmem:s16], [sflag:$0x3] =	stream.linear.gather [hbm4b:s23+s5], $0x50, $0x38;
	[tilespmem:$0x1FE00] =	vst v63  }
0xc0: {  	s24 =	rddreg [dreg:$0x9];
	s19 =	sadd.s32 $0x14, s13  }
0xc1: {  	[tilespmem:s24], [sflag:$0x3] =	stream.linear.gather [hbm4b:s19+s5], $0x50, $0x38;
	[tilespmem:$0x1FE00] =	vst v63  }
0xc2: {  	_ =	swait.ge [sflag:s11], $0x50  }
0xc3: {  	[sflag:s11] =	ssyncset.done $0x0  }
0xc4: {  	[sflag:s11] =	ssyncadd.s32 $0xFFFFFFB0  }
0xc5: {  	_ =	swait.ge [sflag:s11], $0x50  }
0xc6: {  	[sflag:s11] =	ssyncset.done $0x0  }
0xc7: {  	[sflag:s11] =	ssyncadd.s32 $0xFFFFFFB0  }
0xc8: {  	v4 =	vld [tilespmem:$0x200];
	_ =	sdelay $0x2  }
0xc9: {  	v5 =	vld [tilespmem:$0x210]  }
0xca: {  	v6 =	vld [tilespmem:$0x0]  }
0xcb: {  	vm0 =	vge.s32 v4, v0;
	vm1 =	vlt.s32 v4, v1  }
0xcc: {  	v7 =	vld [tilespmem:$0x220];
	v4 =	vsub.s32 v4, v0;
	vm0 =	vmand vm0, vm1  }
0xcd: {  	v8 =	vld [tilespmem:$0x10];
	v4 =	vnsel vm0, $0x7FFFFFFF, v4  }
0xce: {  	vm11 =	vge.s32 v5, v0;
	vm2 =	vlt.s32 v5, v1;
	[tilespmem:$0x600] =	vst v4  }
0xcf: {  	v39 =	vld [tilespmem:$0x230];
	v5 =	vsub.s32 v5, v0;
	vm12 =	vmand vm11, vm2;
	[tilespmem:$0x800] =	vst v4;
	v4 =	vnsel vm0, $0x7FFFFFFF, v6  }
0xd0: {  	[tilespmem:$0x400] =	vst v4;
	v4 =	vnsel vm12, $0x7FFFFFFF, v5;
	v5 =	vld [tilespmem:$0x20]  }
0xd1: {  	vm13 =	vge.s32 v7, v0;
	vm14 =	vlt.s32 v7, v1;
	[tilespmem:$0x610] =	vst v4  }
0xd2: {  	v40 =	vld [tilespmem:$0x240];
	v7 =	vsub.s32 v7, v0;
	vm15 =	vmand vm13, vm14;
	[tilespmem:$0x810] =	vst v4;
	v4 =	vnsel vm12, $0x7FFFFFFF, v8  }
0xd3: {  	v41 =	vld [tilespmem:$0x30];
	[tilespmem:$0x410] =	vst v4;
	v4 =	vnsel vm15, $0x7FFFFFFF, v7  }
0xd4: {  	vm4 =	vge.s32 v39, v0;
	vm5 =	vlt.s32 v39, v1;
	[tilespmem:$0x620] =	vst v4  }
0xd5: {  	vm6 =	vmand vm4, vm5;
	[tilespmem:$0xA00] =	vst v4;
	v4 =	vnsel vm15, $0x7FFFFFFF, v5;
	v5 =	vsub.s32 v39, v0  }
0xd6: {  	[tilespmem:$0x420] =	vst v4;
	v4 =	vnsel vm6, $0x7FFFFFFF, v5;
	v5 =	vld [tilespmem:$0x40]  }
0xd7: {  	vm7 =	vge.s32 v40, v0;
	vm8 =	vlt.s32 v40, v1;
	[tilespmem:$0x630] =	vst v4  }
0xd8: {  	v42 =	vsub.s32 v40, v0;
	vm9 =	vmand vm7, vm8;
	[tilespmem:$0xA10] =	vst v4;
	v4 =	vnsel vm6, $0x7FFFFFFF, v41  }
0xd9: {  	[tilespmem:$0x430] =	vst v4;
	v4 =	vnsel vm9, $0x7FFFFFFF, v42  }
0xda: {  	[tilespmem:$0x640] =	vst v4  }
0xdb: {  	[tilespmem:$0xC00] =	vst v4;
	v4 =	vnsel vm9, $0x7FFFFFFF, v5  }
0xdc: {  	[tilespmem:$0x440] =	vst v4;
	(ifvalue) =	ssetifvalue $0x7FFFFFFF  }
0xdd: {  	s16 =	simm.s32 @!p0 $0x7;
	(ifvalue) =	ssetifvalue $0x7FFFFFFF  }
0xde: {  	[tilespmem:s14], [sflag:$0x5] =	stream.indirect.gather [hbm4b:s1+s12], $0x80, s26, s12, $0x40b8;
	[tilespmem:$0x1FE00] =	vst v63  }
0xdf: {  	s21 =	simm.s32 @!p0 $0x20;
	_ =	swait.ge @!p0 [sflag:s16], $0x2800  }
0xe0: {  	s23 =	simm.s32 @!p0 $0x50;
	s19 =	simm.s32 @!p0 $0x5E00;
	[sflag:s16] =	ssyncset.done @!p0 $0x0  }
0xe1: {  	[sflag:s16] =	ssyncadd.s32 @!p0 $0xFFFFD800;
	(ifvalue) =	ssetifvalue @!p0 $0x7FFFFFFF;
	s16 =	simm.s32 @!p0 $0x700  }
0xe2: {  	[spmem:s3] =	stream.indirect.scatter.add.f32 @!p0 [tilespmem:s19], [sflag:$0xB], $0x80, s16, s23, $0x40b8;
	[tilespmem:$0x1FE00] =	vst v63  }
0xe3: {  	(ifvalue) =	ssetifvalue @!p0 $0x7FFFFFFF;
	s16 =	simm.s32 @!p0 $0x900;
	s19 =	simm.s32 @!p0 $0xAE00  }
0xe4: {  	[spmem:s4] =	stream.indirect.scatter.add.f32 @!p0 [tilespmem:s19], [sflag:$0xF], $0x80, s16, s21, $0x40b8;
	[tilespmem:$0x1FE00] =	vst v63  }
0xe5: {  	(ifvalue) =	ssetifvalue @!p0 $0x7FFFFFFF;
	s16 =	simm.s32 @!p0 $0xB00  }
0xe6: {  	[spmem:s4] =	stream.indirect.scatter.add.f32 @!p0 [tilespmem:s19], [sflag:$0xF], $0x80, s16, s21, $0x40b8;
	[tilespmem:$0x1FE00] =	vst v63  }
0xe7: {  	s24 =	simm.s32 @!p0 $0xD00;
	(ifvalue) =	ssetifvalue @!p0 $0x7FFFFFFF;
	s16 =	simm.s32 @!p0 $0x10  }
0xe8: {  	[spmem:s4] =	stream.indirect.scatter.add.f32 @!p0 [tilespmem:s19], [sflag:$0xF], $0x80, s24, s16, $0x40b8;
	[tilespmem:$0x1FE00] =	vst v63  }
0xe9: {  	s24 =	simm.s32 @!p0 $0xA  }
0xea: {  	_ =	swait.ge @!p0 [sflag:s24], $0x2800  }
0xeb: {  	[sflag:s24] =	ssyncset.done @!p0 $0x0  }
0xec: {  	[sflag:s24] =	ssyncadd.s32 @!p0 $0xFFFFD800;
	s24 =	simm.s32 @!p0 $0xE  }
0xed: {  	_ =	swait.ge @!p0 [sflag:s24], $0x1000  }
0xee: {  	[sflag:s24] =	ssyncset.done @!p0 $0x0  }
0xef: {  	[sflag:s24] =	ssyncadd.s32 @!p0 $0xFFFFF000  }
0xf0: {  	_ =	swait.ge @!p0 [sflag:s24], $0x1000  }
0xf1: {  	[sflag:s24] =	ssyncset.done @!p0 $0x0  }
0xf2: {  	[sflag:s24] =	ssyncadd.s32 @!p0 $0xFFFFF000  }
0xf3: {  	_ =	swait.ge @!p0 [sflag:s24], $0x800  }
0xf4: {  	[sflag:s24] =	ssyncset.done @!p0 $0x0  }
0xf5: {  	s26 =	rddreg [dreg:$0xa];
	[sflag:s24] =	ssyncadd.s32 @!p0 $0xFFFFF800;
	s24 =	sadd.s32 $0x1E, s10  }
0xf6: {  	[tilespmem:s26], [sflag:$0x4] =	stream.linear.gather [hbm4b:s24+s5], $0x50, $0x38;
	[tilespmem:$0x1FE00] =	vst v63  }
0xf7: {  	s31 =	rddreg [dreg:$0xb];
	s26 =	sadd.s32 $0x1E, s13  }
0xf8: {  	[tilespmem:s31], [sflag:$0x4] =	stream.linear.gather [hbm4b:s26+s5], $0x50, $0x38;
	[tilespmem:$0x1FE00] =	vst v63  }
0xf9: {  	_ =	swait.ge [sflag:s15], $0x50  }
0xfa: {  	[sflag:s15] =	ssyncset.done $0x0  }
0xfb: {  	[sflag:s15] =	ssyncadd.s32 $0xFFFFFFB0  }
0xfc: {  	_ =	swait.ge [sflag:s15], $0x50  }
0xfd: {  	[sflag:s15] =	ssyncset.done $0x0  }
0xfe: {  	[sflag:s15] =	ssyncadd.s32 $0xFFFFFFB0  }
0xff: {  	v4 =	vld [tilespmem:$0x280];
	_ =	sdelay $0x2  }
0x100: {  	v5 =	vld [tilespmem:$0x290]  }
0x101: {  	v43 =	vld [tilespmem:$0x80]  }
0x102: {  	vm10 =	vge.s32 v4, v0;
	vm11 =	vlt.s32 v4, v1  }
0x103: {  	v44 =	vld [tilespmem:$0x2A0];
	v4 =	vsub.s32 v4, v0;
	vm0 =	vmand vm10, vm11  }
0x104: {  	v45 =	vld [tilespmem:$0x90];
	v4 =	vnsel vm0, $0x7FFFFFFF, v4  }
0x105: {  	vm12 =	vge.s32 v5, v0;
	vm13 =	vlt.s32 v5, v1;
	[tilespmem:$0x680] =	vst v4  }
0x106: {  	v46 =	vld [tilespmem:$0x2B0];
	v5 =	vsub.s32 v5, v0;
	vm14 =	vmand vm12, vm13;
	[tilespmem:$0x880] =	vst v4;
	v4 =	vnsel vm0, $0x7FFFFFFF, v43  }
0x107: {  	[tilespmem:$0x480] =	vst v4;
	v4 =	vnsel vm14, $0x7FFFFFFF, v5;
	v5 =	vld [tilespmem:$0xA0]  }
0x108: {  	vm15 =	vge.s32 v44, v0;
	vm4 =	vlt.s32 v44, v1;
	[tilespmem:$0x690] =	vst v4  }
0x109: {  	v47 =	vld [tilespmem:$0x2C0];
	v7 =	vsub.s32 v44, v0;
	vm5 =	vmand vm15, vm4;
	[tilespmem:$0x890] =	vst v4;
	v4 =	vnsel vm14, $0x7FFFFFFF, v45  }
0x10a: {  	v48 =	vld [tilespmem:$0xB0];
	[tilespmem:$0x490] =	vst v4;
	v4 =	vnsel vm5, $0x7FFFFFFF, v7  }
0x10b: {  	vm6 =	vge.s32 v46, v0;
	vm7 =	vlt.s32 v46, v1;
	[tilespmem:$0x6A0] =	vst v4  }
0x10c: {  	vm8 =	vmand vm6, vm7;
	[tilespmem:$0xA80] =	vst v4;
	v4 =	vnsel vm5, $0x7FFFFFFF, v5;
	v5 =	vsub.s32 v46, v0  }
0x10d: {  	[tilespmem:$0x4A0] =	vst v4;
	v4 =	vnsel vm8, $0x7FFFFFFF, v5;
	v5 =	vld [tilespmem:$0xC0]  }
0x10e: {  	vm9 =	vge.s32 v47, v0;
	vm10 =	vlt.s32 v47, v1;
	[tilespmem:$0x6B0] =	vst v4  }
0x10f: {  	v49 =	vsub.s32 v47, v0;
	vm11 =	vmand vm9, vm10;
	[tilespmem:$0xA90] =	vst v4;
	v4 =	vnsel vm8, $0x7FFFFFFF, v48  }
0x110: {  	[tilespmem:$0x4B0] =	vst v4;
	v4 =	vnsel vm11, $0x7FFFFFFF, v49  }
0x111: {  	[tilespmem:$0x6C0] =	vst v4  }
0x112: {  	[tilespmem:$0xC80] =	vst v4;
	v4 =	vnsel vm11, $0x7FFFFFFF, v5  }
0x113: {  	[tilespmem:$0x4C0] =	vst v4;
	(ifvalue) =	ssetifvalue $0x7FFFFFFF  }
0x114: {  	s24 =	simm.s32 @!p0 $0x8;
	s31 =	simm.s32 $0x480;
	(ifvalue) =	ssetifvalue $0x7FFFFFFF  }
0x115: {  	[tilespmem:s17], [sflag:$0x6] =	stream.indirect.gather [hbm4b:s1+s12], $0x80, s31, s12, $0x40b8;
	[tilespmem:$0x1FE00] =	vst v63  }
0x116: {  	_ =	swait.ge @!p0 [sflag:s24], $0x2800  }
0x117: {  	s26 =	simm.s32 @!p0 $0x8600;
	[sflag:s24] =	ssyncset.done @!p0 $0x0  }
0x118: {  	[sflag:s24] =	ssyncadd.s32 @!p0 $0xFFFFD800;
	(ifvalue) =	ssetifvalue @!p0 $0x7FFFFFFF;
	s24 =	simm.s32 @!p0 $0x780  }
0x119: {  	[spmem:s3] =	stream.indirect.scatter.add.f32 @!p0 [tilespmem:s26], [sflag:$0xC], $0x80, s24, s23, $0x40b8;
	[tilespmem:$0x1FE00] =	vst v63  }
0x11a: {  	(ifvalue) =	ssetifvalue @!p0 $0x7FFFFFFF;
	s23 =	simm.s32 @!p0 $0x980  }
0x11b: {  	[spmem:s4] =	stream.indirect.scatter.add.f32 @!p0 [tilespmem:s19], [sflag:$0x10], $0x80, s23, s21, $0x40b8;
	[tilespmem:$0x1FE00] =	vst v63  }
0x11c: {  	(ifvalue) =	ssetifvalue @!p0 $0x7FFFFFFF;
	s23 =	simm.s32 @!p0 $0xB80  }
0x11d: {  	[spmem:s4] =	stream.indirect.scatter.add.f32 @!p0 [tilespmem:s19], [sflag:$0x10], $0x80, s23, s21, $0x40b8;
	[tilespmem:$0x1FE00] =	vst v63  }
0x11e: {  	(ifvalue) =	ssetifvalue @!p0 $0x7FFFFFFF;
	s21 =	simm.s32 @!p0 $0xD80  }
0x11f: {  	[spmem:s4] =	stream.indirect.scatter.add.f32 @!p0 [tilespmem:s19], [sflag:$0x10], $0x80, s21, s16, $0x40b8;
	[tilespmem:$0x1FE00] =	vst v63  }
0x120: {  	s19 =	simm.s32 @!p0 $0xB  }
0x121: {  	_ =	swait.ge @!p0 [sflag:s19], $0x2800  }
0x122: {  	[sflag:s19] =	ssyncset.done @!p0 $0x0  }
0x123: {  	[sflag:s19] =	ssyncadd.s32 @!p0 $0xFFFFD800;
	s19 =	simm.s32 @!p0 $0xF  }
0x124: {  	_ =	swait.ge @!p0 [sflag:s19], $0x1000  }
0x125: {  	[sflag:s19] =	ssyncset.done @!p0 $0x0  }
0x126: {  	[sflag:s19] =	ssyncadd.s32 @!p0 $0xFFFFF000  }
0x127: {  	_ =	swait.ge @!p0 [sflag:s19], $0x1000  }
0x128: {  	[sflag:s19] =	ssyncset.done @!p0 $0x0  }
0x129: {  	[sflag:s19] =	ssyncadd.s32 @!p0 $0xFFFFF000  }
0x12a: {  	_ =	swait.ge @!p0 [sflag:s19], $0x800  }
0x12b: {  	[sflag:s19] =	ssyncset.done @!p0 $0x0  }
0x12c: {  	s21 =	simm.s32 $0x200;
	[sflag:s19] =	ssyncadd.s32 @!p0 $0xFFFFF800;
	s19 =	sadd.s32 $0x28, s10  }
0x12d: {  	[tilespmem:s21], [sflag:$0x1] =	stream.linear.gather [hbm4b:s19+s5], $0x50, $0x38;
	[tilespmem:$0x1FE00] =	vst v63  }
0x12e: {  	s19 =	sadd.s32 $0x28, s13  }
0x12f: {  	[tilespmem:s5], [sflag:$0x1] =	stream.linear.gather [hbm4b:s19+s5], $0x50, $0x38;
	[tilespmem:$0x1FE00] =	vst v63  }
0x130: {  	_ =	swait.ge [sflag:s18], $0x50  }
0x131: {  	[sflag:s18] =	ssyncset.done $0x0  }
0x132: {  	[sflag:s18] =	ssyncadd.s32 $0xFFFFFFB0  }
0x133: {  	_ =	swait.ge [sflag:s18], $0x50  }
0x134: {  	[sflag:s18] =	ssyncset.done $0x0  }
0x135: {  	[sflag:s18] =	ssyncadd.s32 $0xFFFFFFB0  }
0x136: {  	v4 =	vld [tilespmem:$0x300];
	_ =	sdelay $0x2  }
0x137: {  	v5 =	vld [tilespmem:$0x310]  }
0x138: {  	v50 =	vld [tilespmem:$0x100]  }
0x139: {  	vm12 =	vge.s32 v4, v0;
	vm13 =	vlt.s32 v4, v1  }
0x13a: {  	v51 =	vld [tilespmem:$0x320];
	v4 =	vsub.s32 v4, v0;
	vm0 =	vmand vm12, vm13  }
0x13b: {  	v52 =	vld [tilespmem:$0x110];
	v4 =	vnsel vm0, $0x7FFFFFFF, v4  }
0x13c: {  	vm14 =	vge.s32 v5, v0;
	vm15 =	vlt.s32 v5, v1;
	[tilespmem:$0x700] =	vst v4  }
0x13d: {  	v53 =	vld [tilespmem:$0x330];
	v5 =	vsub.s32 v5, v0;
	vm4 =	vmand vm14, vm15;
	[tilespmem:$0x900] =	vst v4;
	v4 =	vnsel vm0, $0x7FFFFFFF, v50  }
0x13e: {  	[tilespmem:$0x500] =	vst v4;
	v4 =	vnsel vm4, $0x7FFFFFFF, v5;
	v5 =	vld [tilespmem:$0x120]  }
0x13f: {  	vm5 =	vge.s32 v51, v0;
	vm6 =	vlt.s32 v51, v1;
	[tilespmem:$0x710] =	vst v4  }
0x140: {  	v54 =	vld [tilespmem:$0x340];
	v7 =	vsub.s32 v51, v0;
	vm7 =	vmand vm5, vm6;
	[tilespmem:$0x910] =	vst v4;
	v4 =	vnsel vm4, $0x7FFFFFFF, v52  }
0x141: {  	v55 =	vld [tilespmem:$0x130];
	[tilespmem:$0x510] =	vst v4;
	v4 =	vnsel vm7, $0x7FFFFFFF, v7  }
0x142: {  	vm8 =	vge.s32 v53, v0;
	vm9 =	vlt.s32 v53, v1;
	[tilespmem:$0x720] =	vst v4  }
0x143: {  	vm10 =	vmand vm8, vm9;
	[tilespmem:$0xB00] =	vst v4;
	v4 =	vnsel vm7, $0x7FFFFFFF, v5;
	v5 =	vsub.s32 v53, v0  }
0x144: {  	[tilespmem:$0x520] =	vst v4;
	v4 =	vnsel vm10, $0x7FFFFFFF, v5;
	v5 =	vld [tilespmem:$0x140]  }
0x145: {  	vm11 =	vge.s32 v54, v0;
	vm12 =	vlt.s32 v54, v1;
	[tilespmem:$0x730] =	vst v4  }
0x146: {  	v56 =	vsub.s32 v54, v0;
	vm13 =	vmand vm11, vm12;
	[tilespmem:$0xB10] =	vst v4;
	v4 =	vnsel vm10, $0x7FFFFFFF, v55  }
0x147: {  	[tilespmem:$0x530] =	vst v4;
	v4 =	vnsel vm13, $0x7FFFFFFF, v56  }
0x148: {  	[tilespmem:$0x740] =	vst v4  }
0x149: {  	[tilespmem:$0xD00] =	vst v4;
	v4 =	vnsel vm13, $0x7FFFFFFF, v5  }
0x14a: {  	[tilespmem:$0x540] =	vst v4;
	(ifvalue) =	ssetifvalue $0x7FFFFFFF  }
0x14b: {  	(ifvalue) =	ssetifvalue $0x7FFFFFFF;
	s19 =	rddreg [dreg:$0xc]  }
0x14c: {  	[tilespmem:s2], [sflag:$0x7] =	stream.indirect.gather [hbm4b:s1+s12], $0x80, s19, s12, $0x40b8;
	[tilespmem:$0x1FE00] =	vst v63  }
0x14d: {  	_ =	swait.ge [sflag:s20], $0x2800  }
0x14e: {  	[sflag:s20] =	ssyncset.done $0x0  }
0x14f: {  	[sflag:s20] =	ssyncadd.s32 $0xFFFFD800;
	(ifvalue) =	ssetifvalue $0x7FFFFFFF  }
0x150: {  	[spmem:s3] =	stream.indirect.scatter.add.f32 [tilespmem:s14], [sflag:$0x9], $0x80, s28, s12, $0x40b8;
	[tilespmem:$0x1FE00] =	vst v63  }
0x151: {  	(ifvalue) =	ssetifvalue $0x7FFFFFFF  }
0x152: {  	[spmem:s4] =	stream.indirect.scatter.add.f32 [tilespmem:s6], [sflag:$0xD], $0x80, s29, s22, $0x40b8;
	[tilespmem:$0x1FE00] =	vst v63  }
0x153: {  	s19 =	simm.s32 $0xA00;
	(ifvalue) =	ssetifvalue $0x7FFFFFFF  }
0x154: {  	[spmem:s4] =	stream.indirect.scatter.add.f32 [tilespmem:s6], [sflag:$0xD], $0x80, s19, s22, $0x40b8;
	[tilespmem:$0x1FE00] =	vst v63  }
0x155: {  	s19 =	simm.s32 $0xC00;
	(ifvalue) =	ssetifvalue $0x7FFFFFFF  }
0x156: {  	[spmem:s4] =	stream.indirect.scatter.add.f32 [tilespmem:s6], [sflag:$0xD], $0x80, s19, s25, $0x40b8;
	[tilespmem:$0x1FE00] =	vst v63  }
0x157: {  	s19 =	simm.s32 @!p0 $0xC  }
0x158: {  	_ =	swait.ge @!p0 [sflag:s19], $0x2800  }
0x159: {  	[sflag:s19] =	ssyncset.done @!p0 $0x0  }
0x15a: {  	[sflag:s19] =	ssyncadd.s32 @!p0 $0xFFFFD800  }
0x15b: {  	_ =	swait.ge @!p0 [sflag:s16], $0x1000  }
0x15c: {  	[sflag:s16] =	ssyncset.done @!p0 $0x0  }
0x15d: {  	[sflag:s16] =	ssyncadd.s32 @!p0 $0xFFFFF000  }
0x15e: {  	_ =	swait.ge @!p0 [sflag:s16], $0x1000  }
0x15f: {  	[sflag:s16] =	ssyncset.done @!p0 $0x0  }
0x160: {  	[sflag:s16] =	ssyncadd.s32 @!p0 $0xFFFFF000  }
0x161: {  	_ =	swait.ge @!p0 [sflag:s16], $0x800  }
0x162: {  	[sflag:s16] =	ssyncset.done @!p0 $0x0  }
0x163: {  	s23 =	simm.s32 $0x280;
	s10 =	sadd.s32 $0x32, s10;
	[sflag:s16] =	ssyncadd.s32 @!p0 $0xFFFFF800  }
0x164: {  	[tilespmem:s23], [sflag:$0x2] =	stream.linear.gather [hbm4b:s10+s5], $0x50, $0x38;
	[tilespmem:$0x1FE00] =	vst v63  }
0x165: {  	s24 =	simm.s32 $0x80;
	s13 =	sadd.s32 $0x32, s13  }
0x166: {  	[tilespmem:s24], [sflag:$0x2] =	stream.linear.gather [hbm4b:s13+s5], $0x50, $0x38;
	[tilespmem:$0x1FE00] =	vst v63  }
0x167: {  	_ =	swait.ge [sflag:s30], $0x50  }
0x168: {  	[sflag:s30] =	ssyncset.done $0x0  }
0x169: {  	[sflag:s30] =	ssyncadd.s32 $0xFFFFFFB0  }
0x16a: {  	_ =	swait.ge [sflag:s30], $0x50  }
0x16b: {  	[sflag:s30] =	ssyncset.done $0x0  }
0x16c: {  	[sflag:s30] =	ssyncadd.s32 $0xFFFFFFB0  }
0x16d: {  	v4 =	vld [tilespmem:$0x380];
	_ =	sdelay $0x2  }
0x16e: {  	v5 =	vld [tilespmem:$0x390]  }
0x16f: {  	v57 =	vld [tilespmem:$0x180]  }
0x170: {  	vm14 =	vge.s32 v4, v0;
	vm15 =	vlt.s32 v4, v1  }
0x171: {  	v58 =	vld [tilespmem:$0x3A0];
	v4 =	vsub.s32 v4, v0;
	vm0 =	vmand vm14, vm15  }
0x172: {  	v59 =	vld [tilespmem:$0x190];
	v4 =	vnsel vm0, $0x7FFFFFFF, v4  }
0x173: {  	vm4 =	vge.s32 v5, v0;
	vm5 =	vlt.s32 v5, v1;
	[tilespmem:$0x780] =	vst v4  }
0x174: {  	v60 =	vld [tilespmem:$0x3B0];
	v5 =	vsub.s32 v5, v0;
	vm6 =	vmand vm4, vm5;
	[tilespmem:$0x980] =	vst v4;
	v4 =	vnsel vm0, $0x7FFFFFFF, v57  }
0x175: {  	[tilespmem:$0x580] =	vst v4;
	v4 =	vnsel vm6, $0x7FFFFFFF, v5;
	v5 =	vld [tilespmem:$0x1A0]  }
0x176: {  	vm7 =	vge.s32 v58, v0;
	vm8 =	vlt.s32 v58, v1;
	[tilespmem:$0x790] =	vst v4  }
0x177: {  	v61 =	vld [tilespmem:$0x3C0];
	v7 =	vsub.s32 v58, v0;
	vm9 =	vmand vm7, vm8;
	[tilespmem:$0x990] =	vst v4;
	v4 =	vnsel vm6, $0x7FFFFFFF, v59  }
0x178: {  	v62 =	vld [tilespmem:$0x1B0];
	[tilespmem:$0x590] =	vst v4;
	v4 =	vnsel vm9, $0x7FFFFFFF, v7  }
0x179: {  	vm10 =	vge.s32 v60, v0;
	vm11 =	vlt.s32 v60, v1;
	[tilespmem:$0x7A0] =	vst v4  }
0x17a: {  	vm12 =	vmand vm10, vm11;
	[tilespmem:$0xB80] =	vst v4;
	v4 =	vnsel vm9, $0x7FFFFFFF, v5;
	v5 =	vsub.s32 v60, v0  }
0x17b: {  	[tilespmem:$0x5A0] =	vst v4;
	v4 =	vnsel vm12, $0x7FFFFFFF, v5;
	v5 =	vld [tilespmem:$0x1C0]  }
0x17c: {  	vm13 =	vge.s32 v61, v0;
	vm14 =	vlt.s32 v61, v1;
	[tilespmem:$0x7B0] =	vst v4  }
0x17d: {  	v63 =	vnsel vm12, $0x7FFFFFFF, v62;
	vm15 =	vmand vm13, vm14;
	[tilespmem:$0xB90] =	vst v4;
	v4 =	vsub.s32 v61, v0  }
0x17e: {  	[tilespmem:$0x5B0] =	vst v63;
	v4 =	vnsel vm15, $0x7FFFFFFF, v4  }
0x17f: {  	[tilespmem:$0x7C0] =	vst v4  }
0x180: {  	[tilespmem:$0xD80] =	vst v4;
	v4 =	vnsel vm15, $0x7FFFFFFF, v5  }
0x181: {  	[tilespmem:$0x5C0] =	vst v4;
	(ifvalue) =	ssetifvalue $0x7FFFFFFF  }
0x182: {  	(ifvalue) =	ssetifvalue $0x7FFFFFFF;
	s16 =	rddreg [dreg:$0xd]  }
0x183: {  	[tilespmem:s8], [sflag:$0x8] =	stream.indirect.gather [hbm4b:s1+s12], $0x80, s16, s12, $0x40b8;
	[tilespmem:$0x1FE00] =	vst v63  }
0x184: {  	_ =	swait.ge [sflag:s0], $0x2800  }
0x185: {  	s9 =	sadd.s32 $0x28, s9;
	[sflag:s0] =	ssyncset.done $0x0  }
0x186: {  	s19 =	simm.s32 $0x680;
	[sflag:s0] =	ssyncadd.s32 $0xFFFFD800;
	(ifvalue) =	ssetifvalue $0x7FFFFFFF  }
0x187: {  	[spmem:s3] =	stream.indirect.scatter.add.f32 [tilespmem:s17], [sflag:$0xA], $0x80, s19, s12, $0x40b8;
	[tilespmem:$0x1FE00] =	vst v63  }
0x188: {  	p0 =	sne.s32 s9, $0x9B0;
	s13 =	simm.s32 $0x880;
	(ifvalue) =	ssetifvalue $0x7FFFFFFF  }
0x189: {  	[spmem:s4] =	stream.indirect.scatter.add.f32 [tilespmem:s6], [sflag:$0xE], $0x80, s13, s22, $0x40b8;
	[tilespmem:$0x1FE00] =	vst v63  }
.Ltmp2:
0x18a: {  	_ = 	snop;
	(pc) =	sbr.rel @p0 .LBB2_6-.Ltmp2, $4  }
0x18b: {  	s16 =	simm.s32 $0xA80;
	(ifvalue) =	ssetifvalue $0x7FFFFFFF  }
0x18c: {  	[spmem:s4] =	stream.indirect.scatter.add.f32 [tilespmem:s6], [sflag:$0xE], $0x80, s16, s22, $0x40b8;
	[tilespmem:$0x1FE00] =	vst v63  }
0x18d: {  	s26 =	simm.s32 $0x400;
	s19 =	simm.s32 $0xC80;
	(ifvalue) =	ssetifvalue $0x7FFFFFFF  }
0x18e: {  	[spmem:s4] =	stream.indirect.scatter.add.f32 [tilespmem:s6], [sflag:$0xE], $0x80, s19, s25, $0x40b8;
	[tilespmem:$0x1FE00] =	vst v63  }
0x18f: {  	s9 =	simm.s32 $0x9  }
0x190: {  	_ =	swait.ge [sflag:s9], $0x2800  }
0x191: {  	[sflag:s9] =	ssyncset.done $0x0  }
0x192: {  	s10 =	simm.s32 $0xD;
	[sflag:s9] =	ssyncadd.s32 $0xFFFFD800  }
0x193: {  	_ =	swait.ge [sflag:s10], $0x1000  }
0x194: {  	[sflag:s10] =	ssyncset.done $0x0  }
0x195: {  	[sflag:s10] =	ssyncadd.s32 $0xFFFFF000  }
0x196: {  	_ =	swait.ge [sflag:s10], $0x1000  }
0x197: {  	[sflag:s10] =	ssyncset.done $0x0  }
0x198: {  	[sflag:s10] =	ssyncadd.s32 $0xFFFFF000  }
0x199: {  	_ =	swait.ge [sflag:s10], $0x800  }
0x19a: {  	[sflag:s10] =	ssyncset.done $0x0  }
0x19b: {  	[sflag:s10] =	ssyncadd.s32 $0xFFFFF800  }
0x19c: {  	_ =	swait.ge [sflag:s11], $0x50  }
0x19d: {  	[sflag:s11] =	ssyncset.done $0x0  }
0x19e: {  	[sflag:s11] =	ssyncadd.s32 $0xFFFFFFB0  }
0x19f: {  	_ =	swait.ge [sflag:s11], $0x50  }
0x1a0: {  	[sflag:s11] =	ssyncset.done $0x0  }
0x1a1: {  	[sflag:s11] =	ssyncadd.s32 $0xFFFFFFB0  }
0x1a2: {  	v4 =	vld [tilespmem:$0x200];
	_ =	sdelay $0x2  }
0x1a3: {  	v5 =	vld [tilespmem:$0x210]  }
0x1a4: {  	v6 =	vld [tilespmem:$0x0]  }
0x1a5: {  	vm0 =	vge.s32 v4, v0;
	vm1 =	vlt.s32 v4, v1  }
0x1a6: {  	v7 =	vld [tilespmem:$0x220];
	v4 =	vsub.s32 v4, v0;
	vm0 =	vmand vm0, vm1  }
0x1a7: {  	v8 =	vld [tilespmem:$0x10];
	v4 =	vnsel vm0, $0x7FFFFFFF, v4  }
0x1a8: {  	vm15 =	vge.s32 v5, v0;
	vm2 =	vlt.s32 v5, v1;
	[tilespmem:$0x600] =	vst v4  }
0x1a9: {  	v53 =	vld [tilespmem:$0x230];
	v5 =	vsub.s32 v5, v0;
	vm4 =	vmand vm15, vm2;
	[tilespmem:$0x800] =	vst v4;
	v4 =	vnsel vm0, $0x7FFFFFFF, v6  }
0x1aa: {  	[tilespmem:$0x400] =	vst v4;
	v4 =	vnsel vm4, $0x7FFFFFFF, v5;
	v5 =	vld [tilespmem:$0x20]  }
0x1ab: {  	vm5 =	vge.s32 v7, v0;
	vm6 =	vlt.s32 v7, v1;
	[tilespmem:$0x610] =	vst v4  }
0x1ac: {  	v54 =	vld [tilespmem:$0x240];
	v7 =	vsub.s32 v7, v0;
	vm7 =	vmand vm5, vm6;
	[tilespmem:$0x810] =	vst v4;
	v4 =	vnsel vm4, $0x7FFFFFFF, v8  }
0x1ad: {  	v55 =	vld [tilespmem:$0x30];
	[tilespmem:$0x410] =	vst v4;
	v4 =	vnsel vm7, $0x7FFFFFFF, v7  }
0x1ae: {  	vm8 =	vge.s32 v53, v0;
	vm9 =	vlt.s32 v53, v1;
	[tilespmem:$0x620] =	vst v4  }
0x1af: {  	vm10 =	vmand vm8, vm9;
	[tilespmem:$0xA00] =	vst v4;
	v4 =	vnsel vm7, $0x7FFFFFFF, v5;
	v5 =	vsub.s32 v53, v0  }
0x1b0: {  	[tilespmem:$0x420] =	vst v4;
	v4 =	vnsel vm10, $0x7FFFFFFF, v5;
	v5 =	vld [tilespmem:$0x40]  }
0x1b1: {  	vm11 =	vge.s32 v54, v0;
	vm12 =	vlt.s32 v54, v1;
	[tilespmem:$0x630] =	vst v4  }
0x1b2: {  	v56 =	vsub.s32 v54, v0;
	vm13 =	vmand vm11, vm12;
	[tilespmem:$0xA10] =	vst v4;
	v4 =	vnsel vm10, $0x7FFFFFFF, v55  }
0x1b3: {  	[tilespmem:$0x430] =	vst v4;
	v4 =	vnsel vm13, $0x7FFFFFFF, v56  }
0x1b4: {  	[tilespmem:$0x640] =	vst v4  }
0x1b5: {  	[tilespmem:$0xC00] =	vst v4;
	v4 =	vnsel vm13, $0x7FFFFFFF, v5  }
0x1b6: {  	[tilespmem:$0x440] =	vst v4;
	(ifvalue) =	ssetifvalue $0x7FFFFFFF  }
0x1b7: {  	s13 =	simm.s32 $0xA;
	(ifvalue) =	ssetifvalue $0x7FFFFFFF  }
0x1b8: {  	[tilespmem:s14], [sflag:$0x5] =	stream.indirect.gather [hbm4b:s1+s12], $0x80, s26, s12, $0x40b8;
	[tilespmem:$0x1FE00] =	vst v63  }
0x1b9: {  	_ =	swait.ge [sflag:s13], $0x2800  }
0x1ba: {  	[sflag:s13] =	ssyncset.done $0x0  }
0x1bb: {  	s16 =	simm.s32 $0xE;
	[sflag:s13] =	ssyncadd.s32 $0xFFFFD800  }
0x1bc: {  	_ =	swait.ge [sflag:s16], $0x1000  }
0x1bd: {  	[sflag:s16] =	ssyncset.done $0x0  }
0x1be: {  	[sflag:s16] =	ssyncadd.s32 $0xFFFFF000  }
0x1bf: {  	_ =	swait.ge [sflag:s16], $0x1000  }
0x1c0: {  	[sflag:s16] =	ssyncset.done $0x0  }
0x1c1: {  	[sflag:s16] =	ssyncadd.s32 $0xFFFFF000  }
0x1c2: {  	_ =	swait.ge [sflag:s16], $0x800  }
0x1c3: {  	[sflag:s16] =	ssyncset.done $0x0  }
0x1c4: {  	[sflag:s16] =	ssyncadd.s32 $0xFFFFF800  }
0x1c5: {  	_ =	swait.ge [sflag:s15], $0x50  }
0x1c6: {  	[sflag:s15] =	ssyncset.done $0x0  }
0x1c7: {  	[sflag:s15] =	ssyncadd.s32 $0xFFFFFFB0  }
0x1c8: {  	_ =	swait.ge [sflag:s15], $0x50  }
0x1c9: {  	[sflag:s15] =	ssyncset.done $0x0  }
0x1ca: {  	[sflag:s15] =	ssyncadd.s32 $0xFFFFFFB0  }
0x1cb: {  	v4 =	vld [tilespmem:$0x280];
	_ =	sdelay $0x2  }
0x1cc: {  	v5 =	vld [tilespmem:$0x290]  }
0x1cd: {  	v57 =	vld [tilespmem:$0x80]  }
0x1ce: {  	vm14 =	vge.s32 v4, v0;
	vm15 =	vlt.s32 v4, v1  }
0x1cf: {  	v58 =	vld [tilespmem:$0x2A0];
	v4 =	vsub.s32 v4, v0;
	vm0 =	vmand vm14, vm15  }
0x1d0: {  	v59 =	vld [tilespmem:$0x90];
	v4 =	vnsel vm0, $0x7FFFFFFF, v4  }
0x1d1: {  	vm4 =	vge.s32 v5, v0;
	vm5 =	vlt.s32 v5, v1;
	[tilespmem:$0x680] =	vst v4  }
0x1d2: {  	v60 =	vld [tilespmem:$0x2B0];
	v5 =	vsub.s32 v5, v0;
	vm6 =	vmand vm4, vm5;
	[tilespmem:$0x880] =	vst v4;
	v4 =	vnsel vm0, $0x7FFFFFFF, v57  }
0x1d3: {  	[tilespmem:$0x480] =	vst v4;
	v4 =	vnsel vm6, $0x7FFFFFFF, v5;
	v5 =	vld [tilespmem:$0xA0]  }
0x1d4: {  	vm7 =	vge.s32 v58, v0;
	vm8 =	vlt.s32 v58, v1;
	[tilespmem:$0x690] =	vst v4  }
0x1d5: {  	v61 =	vld [tilespmem:$0x2C0];
	v7 =	vsub.s32 v58, v0;
	vm9 =	vmand vm7, vm8;
	[tilespmem:$0x890] =	vst v4;
	v4 =	vnsel vm6, $0x7FFFFFFF, v59  }
0x1d6: {  	v62 =	vld [tilespmem:$0xB0];
	[tilespmem:$0x490] =	vst v4;
	v4 =	vnsel vm9, $0x7FFFFFFF, v7  }
0x1d7: {  	vm10 =	vge.s32 v60, v0;
	vm11 =	vlt.s32 v60, v1;
	[tilespmem:$0x6A0] =	vst v4  }
0x1d8: {  	vm12 =	vmand vm10, vm11;
	[tilespmem:$0xA80] =	vst v4;
	v4 =	vnsel vm9, $0x7FFFFFFF, v5;
	v5 =	vsub.s32 v60, v0  }
0x1d9: {  	[tilespmem:$0x4A0] =	vst v4;
	v4 =	vnsel vm12, $0x7FFFFFFF, v5;
	v5 =	vld [tilespmem:$0xC0]  }
0x1da: {  	vm13 =	vge.s32 v61, v0;
	vm14 =	vlt.s32 v61, v1;
	[tilespmem:$0x6B0] =	vst v4  }
0x1db: {  	v63 =	vnsel vm12, $0x7FFFFFFF, v62;
	vm15 =	vmand vm13, vm14;
	[tilespmem:$0xA90] =	vst v4;
	v4 =	vsub.s32 v61, v0  }
0x1dc: {  	[tilespmem:$0x4B0] =	vst v63;
	v4 =	vnsel vm15, $0x7FFFFFFF, v4  }
0x1dd: {  	[tilespmem:$0x6C0] =	vst v4  }
0x1de: {  	[tilespmem:$0xC80] =	vst v4;
	v4 =	vnsel vm15, $0x7FFFFFFF, v5  }
0x1df: {  	[tilespmem:$0x4C0] =	vst v4;
	(ifvalue) =	ssetifvalue $0x7FFFFFFF  }
0x1e0: {  	s19 =	simm.s32 $0x7;
	(ifvalue) =	ssetifvalue $0x7FFFFFFF  }
0x1e1: {  	[tilespmem:s17], [sflag:$0x6] =	stream.indirect.gather [hbm4b:s1+s12], $0x80, s31, s12, $0x40b8;
	[tilespmem:$0x1FE00] =	vst v63  }
0x1e2: {  	_ =	swait.ge [sflag:s19], $0x2800  }
0x1e3: {  	[sflag:s19] =	ssyncset.done $0x0  }
0x1e4: {  	s31 =	simm.s32 $0x700;
	[sflag:s19] =	ssyncadd.s32 $0xFFFFD800;
	(ifvalue) =	ssetifvalue $0x7FFFFFFF  }
0x1e5: {  	[spmem:s3] =	stream.indirect.scatter.add.f32 [tilespmem:s2], [sflag:$0xB], $0x80, s31, s12, $0x40b8;
	[tilespmem:$0x1FE00] =	vst v63  }
0x1e6: {  	s19 =	simm.s32 $0x900;
	(ifvalue) =	ssetifvalue $0x7FFFFFFF  }
0x1e7: {  	[spmem:s4] =	stream.indirect.scatter.add.f32 [tilespmem:s6], [sflag:$0xF], $0x80, s19, s22, $0x40b8;
	[tilespmem:$0x1FE00] =	vst v63  }
0x1e8: {  	s31 =	simm.s32 $0xB00;
	(ifvalue) =	ssetifvalue $0x7FFFFFFF  }
0x1e9: {  	[spmem:s4] =	stream.indirect.scatter.add.f32 [tilespmem:s6], [sflag:$0xF], $0x80, s31, s22, $0x40b8;
	[tilespmem:$0x1FE00] =	vst v63  }
0x1ea: {  	s19 =	simm.s32 $0xD00;
	s31 =	simm.s32 $0x8;
	(ifvalue) =	ssetifvalue $0x7FFFFFFF  }
0x1eb: {  	[spmem:s4] =	stream.indirect.scatter.add.f32 [tilespmem:s6], [sflag:$0xF], $0x80, s19, s25, $0x40b8;
	[tilespmem:$0x1FE00] =	vst v63  }
0x1ec: {  	_ =	swait.ge [sflag:s31], $0x2800  }
0x1ed: {  	[sflag:s31] =	ssyncset.done $0x0  }
0x1ee: {  	s19 =	simm.s32 $0x780;
	[sflag:s31] =	ssyncadd.s32 $0xFFFFD800;
	(ifvalue) =	ssetifvalue $0x7FFFFFFF  }
0x1ef: {  	[spmem:s3] =	stream.indirect.scatter.add.f32 [tilespmem:s8], [sflag:$0xC], $0x80, s19, s12, $0x40b8;
	[tilespmem:$0x1FE00] =	vst v63  }
0x1f0: {  	s31 =	simm.s32 $0x980;
	(ifvalue) =	ssetifvalue $0x7FFFFFFF  }
0x1f1: {  	[spmem:s4] =	stream.indirect.scatter.add.f32 [tilespmem:s6], [sflag:$0x10], $0x80, s31, s22, $0x40b8;
	[tilespmem:$0x1FE00] =	vst v63  }
0x1f2: {  	s19 =	simm.s32 $0xB80;
	(ifvalue) =	ssetifvalue $0x7FFFFFFF  }
0x1f3: {  	[spmem:s4] =	stream.indirect.scatter.add.f32 [tilespmem:s6], [sflag:$0x10], $0x80, s19, s22, $0x40b8;
	[tilespmem:$0x1FE00] =	vst v63  }
0x1f4: {  	s31 =	simm.s32 $0xD80;
	(ifvalue) =	ssetifvalue $0x7FFFFFFF  }
0x1f5: {  	[spmem:s4] =	stream.indirect.scatter.add.f32 [tilespmem:s6], [sflag:$0x10], $0x80, s31, s25, $0x40b8;
	[tilespmem:$0x1FE00] =	vst v63  }
0x1f6: {  	_ =	swait.ge [sflag:s20], $0x2800  }
0x1f7: {  	[sflag:s20] =	ssyncset.done $0x0  }
0x1f8: {  	[sflag:s20] =	ssyncadd.s32 $0xFFFFD800;
	(ifvalue) =	ssetifvalue $0x7FFFFFFF  }
0x1f9: {  	[spmem:s3] =	stream.indirect.scatter.add.f32 [tilespmem:s14], [sflag:$0x9], $0x80, s28, s12, $0x40b8;
	[tilespmem:$0x1FE00] =	vst v63  }
0x1fa: {  	(ifvalue) =	ssetifvalue $0x7FFFFFFF  }
0x1fb: {  	[spmem:s4] =	stream.indirect.scatter.add.f32 [tilespmem:s6], [sflag:$0xD], $0x80, s29, s22, $0x40b8;
	[tilespmem:$0x1FE00] =	vst v63  }
0x1fc: {  	s19 =	simm.s32 $0xA00;
	(ifvalue) =	ssetifvalue $0x7FFFFFFF  }
0x1fd: {  	[spmem:s4] =	stream.indirect.scatter.add.f32 [tilespmem:s6], [sflag:$0xD], $0x80, s19, s22, $0x40b8;
	[tilespmem:$0x1FE00] =	vst v63  }
0x1fe: {  	s31 =	simm.s32 $0xC00;
	(ifvalue) =	ssetifvalue $0x7FFFFFFF  }
0x1ff: {  	[spmem:s4] =	stream.indirect.scatter.add.f32 [tilespmem:s6], [sflag:$0xD], $0x80, s31, s25, $0x40b8;
	[tilespmem:$0x1FE00] =	vst v63  }
0x200: {  	_ =	swait.ge [sflag:s0], $0x2800  }
0x201: {  	[sflag:s0] =	ssyncset.done $0x0  }
0x202: {  	s19 =	simm.s32 $0x680;
	[sflag:s0] =	ssyncadd.s32 $0xFFFFD800;
	(ifvalue) =	ssetifvalue $0x7FFFFFFF  }
0x203: {  	[spmem:s3] =	stream.indirect.scatter.add.f32 [tilespmem:s17], [sflag:$0xA], $0x80, s19, s12, $0x40b8;
	[tilespmem:$0x1FE00] =	vst v63  }
0x204: {  	s31 =	simm.s32 $0x880;
	(ifvalue) =	ssetifvalue $0x7FFFFFFF  }
0x205: {  	[spmem:s4] =	stream.indirect.scatter.add.f32 [tilespmem:s6], [sflag:$0xE], $0x80, s31, s22, $0x40b8;
	[tilespmem:$0x1FE00] =	vst v63  }
0x206: {  	s19 =	simm.s32 $0xA80;
	(ifvalue) =	ssetifvalue $0x7FFFFFFF  }
0x207: {  	[spmem:s4] =	stream.indirect.scatter.add.f32 [tilespmem:s6], [sflag:$0xE], $0x80, s19, s22, $0x40b8;
	[tilespmem:$0x1FE00] =	vst v63  }
0x208: {  	s31 =	simm.s32 $0xC80;
	(ifvalue) =	ssetifvalue $0x7FFFFFFF  }
0x209: {  	[spmem:s4] =	stream.indirect.scatter.add.f32 [tilespmem:s6], [sflag:$0xE], $0x80, s31, s25, $0x40b8;
	[tilespmem:$0x1FE00] =	vst v63  }
0x20a: {  	_ =	swait.ge [sflag:s9], $0x2800  }
0x20b: {  	[sflag:s9] =	ssyncset.done $0x0  }
0x20c: {  	[sflag:s9] =	ssyncadd.s32 $0xFFFFD800  }
0x20d: {  	_ =	swait.ge [sflag:s10], $0x1000  }
0x20e: {  	[sflag:s10] =	ssyncset.done $0x0  }
0x20f: {  	[sflag:s10] =	ssyncadd.s32 $0xFFFFF000  }
0x210: {  	_ =	swait.ge [sflag:s10], $0x1000  }
0x211: {  	[sflag:s10] =	ssyncset.done $0x0  }
0x212: {  	[sflag:s10] =	ssyncadd.s32 $0xFFFFF000  }
0x213: {  	_ =	swait.ge [sflag:s10], $0x800  }
0x214: {  	[sflag:s10] =	ssyncset.done $0x0  }
0x215: {  	[sflag:s10] =	ssyncadd.s32 $0xFFFFF800  }
0x216: {  	_ =	swait.ge [sflag:s13], $0x2800  }
0x217: {  	[sflag:s13] =	ssyncset.done $0x0  }
0x218: {  	[sflag:s13] =	ssyncadd.s32 $0xFFFFD800  }
0x219: {  	_ =	swait.ge [sflag:s16], $0x1000  }
0x21a: {  	[sflag:s16] =	ssyncset.done $0x0  }
0x21b: {  	[sflag:s16] =	ssyncadd.s32 $0xFFFFF000  }
0x21c: {  	_ =	swait.ge [sflag:s16], $0x1000  }
0x21d: {  	[sflag:s16] =	ssyncset.done $0x0  }
0x21e: {  	[sflag:s16] =	ssyncadd.s32 $0xFFFFF000  }
0x21f: {  	_ =	swait.ge [sflag:s16], $0x800  }
0x220: {  	[sflag:s16] =	ssyncset.done $0x0  }
0x221: {  	s19 =	simm.s32 $0xB;
	[sflag:s16] =	ssyncadd.s32 $0xFFFFF800  }
0x222: {  	_ =	swait.ge [sflag:s19], $0x2800  }
0x223: {  	[sflag:s19] =	ssyncset.done $0x0  }
0x224: {  	s31 =	simm.s32 $0xF;
	[sflag:s19] =	ssyncadd.s32 $0xFFFFD800  }
0x225: {  	_ =	swait.ge [sflag:s31], $0x1000  }
0x226: {  	[sflag:s31] =	ssyncset.done $0x0  }
0x227: {  	[sflag:s31] =	ssyncadd.s32 $0xFFFFF000  }
0x228: {  	_ =	swait.ge [sflag:s31], $0x1000  }
0x229: {  	[sflag:s31] =	ssyncset.done $0x0  }
0x22a: {  	[sflag:s31] =	ssyncadd.s32 $0xFFFFF000  }
0x22b: {  	_ =	swait.ge [sflag:s31], $0x800  }
0x22c: {  	[sflag:s31] =	ssyncset.done $0x0  }
0x22d: {  	s9 =	simm.s32 $0xC;
	[sflag:s31] =	ssyncadd.s32 $0xFFFFF800  }
0x22e: {  	_ =	swait.ge [sflag:s9], $0x2800  }
0x22f: {  	[sflag:s9] =	ssyncset.done $0x0  }
0x230: {  	[sflag:s9] =	ssyncadd.s32 $0xFFFFD800  }
0x231: {  	_ =	swait.ge [sflag:s25], $0x1000  }
0x232: {  	[sflag:s25] =	ssyncset.done $0x0  }
0x233: {  	[sflag:s25] =	ssyncadd.s32 $0xFFFFF000  }
0x234: {  	_ =	swait.ge [sflag:s25], $0x1000  }
0x235: {  	[sflag:s25] =	ssyncset.done $0x0  }
0x236: {  	[sflag:s25] =	ssyncadd.s32 $0xFFFFF000  }
0x237: {  	_ =	swait.ge [sflag:s25], $0x800  }
0x238: {  	[sflag:s25] =	ssyncset.done $0x0  }
0x239: {  	[sflag:s25] =	ssyncadd.s32 $0xFFFFF800  }
0x23a: {  	[bflag:$0x0] =	sbarrier.arrive $0xFFFF  }
0x23b: {  	s16 =	sld [smem:$0x7FC]  }
0x23c: {  	s10 =	stileid.u32  }
0x23d: {  	s9 =	sshll.u32 s10, $0x6  }
0x23e: {  	s9 =	sor.u32 $0x1C11, s9;
	s19 =	rddreg [dreg:$0x12];
	s13 =	sshrl.u32 s16, $0x3  }
0x23f: {  	[hbm:s19], [sflag:s9] =	dma.local [spmem:s13], $0x1400  }
0x240: {  	_ =	swait.ge [sflag:s7], $0x1400  }
0x241: {  	s19 =	sld [smem:$0x7FD];
	_ =	sdelay $0x1  }
0x242: {  	[sflag:s7] =	ssyncset.done $0x0  }
0x243: {  	s2 =	rddreg [dreg:$0x13];
	[sflag:s7] =	ssyncadd.s32 $0xFFFFEC00;
	s31 =	sshrl.u32 s19, $0x3  }
0x244: {  	[hbm:s2], [sflag:s9] =	dma.local [spmem:s31], $0x1400  }
0x245: {  	_ =	swait.ge [sflag:s7], $0x1400  }
0x246: {  	s13 =	sld [smem:$0x7F4];
	_ =	sdelay $0x2  }
0x247: {  	s31 =	rddreg [dreg:$0x14];
	s2 =	sadd.s32 $0x1, s13  }
0x248: {  	p0 =	sne.s32 s2, s31  }
.Ltmp3:
0x249: {  	_ = 	snop;
	(pc) =	sbr.rel @p0 .LBB2_1-.Ltmp3, $3  }
0x24a: {  	_ =	sdelay $0x1  }
0x24b: {  	[sflag:s7] =	ssyncset.done $0x0  }
0x24c: {  	[sflag:s7] =	ssyncadd.s32 $0xFFFFEC00  }
0x24d: {  	_ =	sfence.sel $0x180000  }
0x24e: {  	[bflag:$0x0] =	sbarrier.arrive $0xFFFF  }
0x24f: {  	_ =	strace $0x90000047  }
0x250: {  	s0 =	stileid.u32;
	[bflag:$0x2] =	sbarrier.arrive $0xFFFF  }
0x251: {  	p0 =	sne.s32 s0, $0x0;
	s0 =	rddreg [dreg:$0x5]  }
0x252: {  	s0 =	sadd.s32 @!p0 $0x100000, s0  }
0x253: {  	[sflag:s0] =	ssyncadd.tile.s32 @!p0 $0x1;
	_ =	shalt  }
.Lfunc_end2:
_tile_overlayer_lowered:
.L_overlay_start_2:
0x254: {  	(tag) =	ssettag $0x2  }
0x255: {  	s0 =	rddreg [dreg:$0x0];
	s2 =	stileid.u32  }
0x256: {  	s1 =	rddreg [dreg:$0x1];
	p0 =	sne.s32 s2, $0x0  }
0x257: {  	s3 =	rddreg [dreg:$0x2];
	[bflag:$0x3] =	sbarrier.arrive $0xFFFF;
	s2 =	simm.s32 @!p0 $0x1C11  }
0x258: {  	[timem:s3], [sflag:s2] =	dma.local @!p0 [hbm:s0], s1  }
0x259: {  	s0 =	simm.s32 @!p0 $0x11  }
0x25a: {  	_ =	swait.ge @!p0 [sflag:s0], s1  }
0x25b: {  	s1 =	ssub.s32 @!p0 $0x0, s1;
	[sflag:s0] =	ssyncset.done @!p0 $0x0  }
0x25c: {  	[sflag:s0] =	ssyncadd.s32 @!p0 s1  }
0x25d: {  	[bflag:$0x3] =	sbarrier.arrive $0xFFFF  }
0x25e: {  	_ =	shalt  }

</sc_bundles>
